<compile_context>
chip_gen: v7x
topology: tpu7x:2x2x1
jax: 0.10.2.dev20260603
libtpu: 0.0.44.dev20260713+nightly
codegen_flags: <defaults>
</compile_context>

<pallas_src>
import functools

import jax
import jax.numpy as jnp
from jax import lax
from jax.experimental import pallas as pl
from jax.experimental.pallas import tpu as pltpu
from jax.experimental.pallas import tpu_sc as plsc

N = 10000
D = 128
HD = D // 2
E = 320000

NC = 2
NS = 16
NW = NC * NS

K = 128
CPW = 160
G = 32
NG = CPW // G
CHUNKS = NS * CPW
EPAD = CHUNKS * K
NPAD = 10240
RPT = NPAD // NS

_mesh = plsc.VectorSubcoreMesh(
    core_axis_name="c", subcore_axis_name="s", num_cores=NC, num_subcores=NS
)


def _wid(cid, sid):
    return sid * NC + cid


KD = 128
CPWD = EPAD // (NW * KD)


@functools.partial(
    pl.kernel,
    out_type=jax.ShapeDtypeStruct((NC, NPAD), jnp.float32),
    mesh=_mesh,
    scratch_types=[
        pltpu.VMEM((CPWD, KD), jnp.int32),
        pltpu.VMEM((KD,), jnp.float32),
        pltpu.VMEM_SHARED((NPAD,), jnp.float32),
    ],
)
def _deg_kernel(dst_hbm, zeros1_hbm, degp_hbm, dst_v, ones_v, degacc):
    cid = lax.axis_index("c")
    sid = lax.axis_index("s")
    wid = _wid(cid, sid)
    for i in range(KD // 16):
        ones_v[pl.ds(i * 16, 16)] = jnp.ones((16,), jnp.float32)
    pltpu.sync_copy(zeros1_hbm.at[pl.ds(sid * RPT, RPT)],
                    degacc.at[pl.ds(sid * RPT, RPT)])
    pltpu.sync_copy(dst_hbm.at[pl.ds(wid * CPWD, CPWD)], dst_v)
    plsc.subcore_barrier()

    def body(j, _):
        pltpu.sync_copy(ones_v, degacc.at[dst_v.at[j]], add=True)
        return ()

    lax.fori_loop(0, CPWD, body, ())
    plsc.subcore_barrier()
    pltpu.sync_copy(degacc.at[pl.ds(sid * RPT, RPT)],
                    degp_hbm.at[cid, pl.ds(sid * RPT, RPT)])


@functools.partial(
    pl.kernel,
    out_type=jax.ShapeDtypeStruct((NPAD, D), jnp.float32),
    mesh=_mesh,
    scratch_types=[
        pltpu.VMEM((3, G, K), jnp.int32),
        pltpu.VMEM((3, G, K), jnp.int32),
        pltpu.VMEM((4, K, HD), jnp.float32),
        pltpu.VMEM_SHARED((NPAD, HD), jnp.float32),
        pltpu.SemaphoreType.DMA((3,)),
        pltpu.SemaphoreType.DMA((4,)),
        pltpu.SemaphoreType.DMA((4,)),
    ],
    compiler_params=pltpu.CompilerParams(use_tc_tiling_on_sc=False),
)
def _acc_kernel(hs2_hbm, zeros2_hbm, src2_hbm, dst_hbm, accw_hbm,
                src_v, dst_v, rows_v, acc, isems, gsems, ssems):
    cid = lax.axis_index("c")
    sid = lax.axis_index("s")
    cbase = sid * CPW

    pltpu.sync_copy(zeros2_hbm.at[pl.ds(sid * RPT, RPT)],
                    acc.at[pl.ds(sid * RPT, RPT)])

    def load_group(g, slot):
        pltpu.async_copy(src2_hbm.at[cid, pl.ds(cbase + g * G, G)],
                         src_v.at[slot], isems.at[slot])
        pltpu.async_copy(dst_hbm.at[pl.ds(cbase + g * G, G)],
                         dst_v.at[slot], isems.at[slot])

    def wait_group(g, slot):
        pltpu.make_async_copy(src2_hbm.at[cid, pl.ds(cbase + g * G, G)],
                              src_v.at[slot], isems.at[slot]).wait()
        pltpu.make_async_copy(dst_hbm.at[pl.ds(cbase + g * G, G)],
                              dst_v.at[slot], isems.at[slot]).wait()

    for s in range(3):
        load_group(s, s)
    plsc.subcore_barrier()
    wait_group(0, 0)

    def gath(slot, r, b):
        pltpu.async_copy(hs2_hbm.at[src_v.at[slot, r]], rows_v.at[b],
                         gsems.at[b])

    def wait_gath(slot, r, b):
        pltpu.make_async_copy(hs2_hbm.at[src_v.at[slot, r]], rows_v.at[b],
                              gsems.at[b]).wait()

    def scat(slot, r, b):
        pltpu.async_copy(rows_v.at[b], acc.at[dst_v.at[slot, r]],
                         ssems.at[b], add=True)

    def wait_scat(slot, r, b):
        pltpu.make_async_copy(rows_v.at[b], acc.at[dst_v.at[slot, r]],
                              ssems.at[b]).wait()

    def prime(b):
        pltpu.async_copy(hs2_hbm.at[pl.ds(0, K)], rows_v.at[b], ssems.at[b])

    prime(2)
    prime(3)
    gath(0, 0, 0)
    gath(0, 1, 1)

    def quad(q, _):
        c0 = 4 * q
        r0 = lax.rem(c0, G)
        g = c0 // G
        slot = lax.rem(g, 3)
        nslot = lax.rem(g + 1, 3)
        crossing = r0 == G - 4

        wait_scat(slot, r0, 2)
        gath(slot, r0 + 2, 2)
        wait_gath(slot, r0, 0)
        scat(slot, r0, 0)

        wait_scat(slot, r0, 3)
        @pl.when((r0 == 0) & (g >= 1) & (g + 2 < NG))
        def _():
            load_group(g + 2, lax.rem(g + 2, 3))
        gath(slot, r0 + 3, 3)
        wait_gath(slot, r0 + 1, 1)
        scat(slot, r0 + 1, 1)

        wait_scat(slot, r0, 0)
        @pl.when(crossing & (g + 1 < NG))
        def _():
            wait_group(g + 1, nslot)
        @pl.when(c0 + 4 < CPW)
        def _():
            s2 = jnp.where(crossing, nslot, slot)
            r2 = jnp.where(crossing, 0, r0 + 4)
            gath(s2, r2, 0)
        wait_gath(slot, r0 + 2, 2)
        scat(slot, r0 + 2, 2)

        wait_scat(slot, r0, 1)
        @pl.when(c0 + 5 < CPW)
        def _():
            s2 = jnp.where(crossing, nslot, slot)
            r2 = jnp.where(crossing, 1, r0 + 5)
            gath(s2, r2, 1)
        wait_gath(slot, r0 + 3, 3)
        scat(slot, r0 + 3, 3)
        return ()

    lax.fori_loop(0, CPW // 4, quad, ())
    wait_scat(0, 0, 2)
    wait_scat(0, 0, 3)
    plsc.subcore_barrier()
    pltpu.sync_copy(acc.at[pl.ds(sid * RPT, RPT)],
                    accw_hbm.at[pl.ds(sid * RPT, RPT), pl.ds(cid * HD, HD)])


def _dinv_from(degt_ref):
    deg = 1.0 + jnp.sum(degt_ref[...], axis=1, keepdims=True)
    return lax.rsqrt(deg)


def _tc_mm_body(x_ref, w_ref, h_ref):
    h_ref[:N, :] = jnp.dot(x_ref[...], w_ref[...],
                           preferred_element_type=jnp.float32)
    h_ref[N:, :] = jnp.zeros((NPAD - N, D), jnp.float32)


def _tc_scale_body(h_ref, degt_ref, hs_ref):
    hs_ref[...] = h_ref[...] * _dinv_from(degt_ref)


def _tc2_body(accf_ref, hs1_ref, degt_ref, b_ref, w_ref, hs2_ref):
    dinv = _dinv_from(degt_ref)
    t = dinv * (accf_ref[...] + hs1_ref[...]) + b_ref[...]
    t = jnp.maximum(t, 0.0)
    hs2_ref[...] = jnp.dot(t, w_ref[...],
                           preferred_element_type=jnp.float32) * dinv


def _tc3_body(accf_ref, hs2_ref, degt_ref, b_ref, out_ref):
    dinv = _dinv_from(degt_ref)
    t = dinv[:N, :] * (accf_ref[:N, :] + hs2_ref[:N, :]) + b_ref[...]
    out_ref[...] = jnp.maximum(t, 0.0)


_tc_mm = pl.pallas_call(
    _tc_mm_body, out_shape=jax.ShapeDtypeStruct((NPAD, D), jnp.float32))
_tc_scale = pl.pallas_call(
    _tc_scale_body, out_shape=jax.ShapeDtypeStruct((NPAD, D), jnp.float32))
_tc2 = pl.pallas_call(
    _tc2_body, out_shape=jax.ShapeDtypeStruct((NPAD, D), jnp.float32))
_tc3 = pl.pallas_call(
    _tc3_body, out_shape=jax.ShapeDtypeStruct((N, D), jnp.float32))


def _message_pass(hs, src2x, dst_p, zeros2):
    hs2 = hs.reshape(2 * NPAD, HD)
    return _acc_kernel(hs2, zeros2, src2x, dst_p)


def kernel(x, edge_index, W1, b1, W2, b2):
    src = edge_index[0]
    dst = edge_index[1]
    pad_idx = (N + jnp.arange(EPAD - E, dtype=jnp.int32) % (NPAD - N)).astype(
        jnp.int32)
    src_pad2 = jnp.concatenate([src, pad_idx]) * 2
    src2x = jnp.stack([src_pad2, src_pad2 + 1]).reshape(NC, CHUNKS, K)
    dst_pad = jnp.concatenate([dst, pad_idx])
    dst_p = dst_pad.reshape(CHUNKS, K)
    zeros1 = jnp.zeros((NPAD,), jnp.float32)
    zeros2 = jnp.zeros((NPAD, HD), jnp.float32)

    h1 = _tc_mm(x, W1)
    degp = _deg_kernel(dst_p, zeros1)
    degt = degp.T
    hs1 = _tc_scale(h1, degt)
    accf1 = _message_pass(hs1, src2x, dst_p, zeros2)
    hs2 = _tc2(accf1, hs1, degt, b1.reshape(1, D), W2)
    accf2 = _message_pass(hs2, src2x, dst_p, zeros2)
    return _tc3(accf2, hs2, degt, b2.reshape(1, D))

# --- scband reference (transcript-rebuilt; emitter-appended) ---
"""Pipeline reference for scband-tdgcn-52682068852781 (READ-ONLY COPY).

The authoritative reference and input builder live on the scoring server;
editing this copy changes nothing except your own understanding.
"""

import jax, jax.numpy as jnp
import numpy as np

N = 10000
E = 320000
D_IN = 128
D_HID = 128
D_OUT = 128


def setup_inputs(seed: int = 0) -> dict:
    key = jax.random.key(seed)
    k1, k2, k3, k4, k5, k6 = jax.random.split(key, 6)
    x = jax.random.normal(k1, (N, D_IN), dtype=jnp.float32)
    edge_index = jax.random.randint(k2, (2, E), 0, N, dtype=jnp.int32)
    W1 = jax.random.normal(k3, (D_IN, D_HID), dtype=jnp.float32) / jnp.sqrt(D_IN)
    b1 = jnp.zeros((D_HID,), dtype=jnp.float32)
    W2 = jax.random.normal(k4, (D_HID, D_OUT), dtype=jnp.float32) / jnp.sqrt(D_HID)
    b2 = jnp.zeros((D_OUT,), dtype=jnp.float32)
    return {"x": x, "edge_index": edge_index, "W1": W1, "b1": b1, "W2": W2, "b2": b2}


def gcn_conv(x, edge_index, W, b):
    # Faithful GCNConv: add self-loops, symmetric normalization, scatter-add aggregation.
    n = x.shape[0]
    src = edge_index[0]
    dst = edge_index[1]
    loop = jnp.arange(n, dtype=src.dtype)
    src = jnp.concatenate([src, loop])
    dst = jnp.concatenate([dst, loop])
    h = x @ W
    deg = jnp.zeros((n,), dtype=h.dtype).at[dst].add(1.0)
    deg_inv_sqrt = jnp.where(deg > 0, deg ** -0.5, 0.0)
    norm = deg_inv_sqrt[src] * deg_inv_sqrt[dst]
    msg = h[src] * norm[:, None]
    out = jnp.zeros_like(h).at[dst].add(msg)
    return out + b


def reference(x, edge_index, W1, b1, W2, b2):
    h = gcn_conv(x, edge_index, W1, b1)
    h = jax.nn.relu(h)
    # F.dropout(training=self.training) is identity at inference
    h = gcn_conv(h, edge_index, W2, b2)
    h = jax.nn.relu(h)
    return h

if __name__ == "__main__":
    import jax
    _d = setup_inputs()
    print(jax.jit(kernel)(*tuple(_d.values())))

</pallas_src>

<mosaic_0001>
#map = affine_map<(d0, d1) -> (0, 0)>
#map1 = affine_map<(d0, d1) -> (0, 0, 0)>
module attributes {stable_mosaic.version = 14 : i64} {
  func.func @_acc_kernel(%arg0: i32, %arg1: i32, %arg2: memref<20480x64xf32, #tpu.memory_space<hbm>>, %arg3: memref<10240x64xf32, #tpu.memory_space<hbm>>, %arg4: memref<2x2560x128xi32, #tpu.memory_space<hbm>>, %arg5: memref<2560x128xi32, #tpu.memory_space<hbm>>, %arg6: memref<10240x128xf32, #tpu.memory_space<hbm>>, %arg7: memref<3x32x128xi32, #tpu.memory_space<vmem>>, %arg8: memref<3x32x128xi32, #tpu.memory_space<vmem>>, %arg9: memref<4x128x64xf32, #tpu.memory_space<vmem>>, %arg10: memref<10240x64xf32, #tpu.memory_space<vmem_shared>>, %arg11: memref<3x!tpu.dma_semaphore, #tpu.memory_space<semaphore_mem>>, %arg12: memref<4x!tpu.dma_semaphore, #tpu.memory_space<semaphore_mem>>, %arg13: memref<4x!tpu.dma_semaphore, #tpu.memory_space<semaphore_mem>>) attributes {dimension_semantics = [#tpu.dimension_semantics<core_parallel>, #tpu.dimension_semantics<subcore_parallel>], iteration_bounds = array<i64: 2, 16>, scalar_prefetch = 0 : i64, scratch_operands = 7 : i64, tpu.core_type = #tpu.core_type<sc_vector_subcore>, window_params = [{transform_indices = #map}, {transform_indices = #map}, {transform_indices = #map1}, {transform_indices = #map}, {transform_indices = #map}]} {
    %mul3A = arith.constant 160 : i32
    %mul3A_0 = arith.muli %arg1, %mul3A : i32
    %mul3A_1 = arith.constant 640 : i32
    %mul3A_2 = arith.muli %arg1, %mul3A_1 : i32
    %mul3A_3 = arith.constant 640 : i32
    %mul3A_4 = arith.muli %arg1, %mul3A_3 : i32
    "tpu.region"() ({
      %run_scoped3A = tpu.sem_alloc : memref<!tpu.dma_semaphore, #tpu.memory_space<semaphore_mem>>
      %dma_start3A_265 = arith.constant 0 : i32
      %dma_start3A_266 = tpu.memref_slice %arg10[%mul3A_4, %dma_start3A_265] : memref<10240x64xf32, #tpu.memory_space<vmem_shared>> -> memref<640x64xf32, #tpu.memory_space<vmem_shared>>
      %dma_start3A_267 = arith.constant 0 : i32
      %dma_start3A_268 = tpu.memref_slice %arg3[%mul3A_2, %dma_start3A_267] : memref<10240x64xf32, #tpu.memory_space<hbm>> -> memref<640x64xf32, #tpu.memory_space<hbm>>
      tpu.enqueue_dma source(%dma_start3A_268 : memref<640x64xf32, #tpu.memory_space<hbm>>) target(%dma_start3A_266 : memref<640x64xf32, #tpu.memory_space<vmem_shared>>) target_semaphore(%run_scoped3A : memref<!tpu.dma_semaphore, #tpu.memory_space<semaphore_mem>>)
      %dma_wait3A_269 = arith.constant 0 : i32
      %dma_wait3A_270 = tpu.memref_slice %arg10[%mul3A_4, %dma_wait3A_269] : memref<10240x64xf32, #tpu.memory_space<vmem_shared>> -> memref<640x64xf32, #tpu.memory_space<vmem_shared>>
      %dma_wait3A_271 = arith.constant 0 : i32
      %dma_wait3A_272 = tpu.memref_slice %arg3[%mul3A_2, %dma_wait3A_271] : memref<10240x64xf32, #tpu.memory_space<hbm>> -> memref<640x64xf32, #tpu.memory_space<hbm>>
      tpu.wait_dma2 semaphore(%run_scoped3A : memref<!tpu.dma_semaphore, #tpu.memory_space<semaphore_mem>>) src(%dma_wait3A_272 : memref<640x64xf32, #tpu.memory_space<hbm>>) dst(%dma_wait3A_270 : memref<640x64xf32, #tpu.memory_space<vmem_shared>>)
      tpu.yield
    }) : () -> ()
    %add3A = arith.constant 0 : i32
    %add3A_5 = arith.addi %mul3A_0, %add3A : i32
    %dma_start3A = arith.constant 0 : i32
    %dma_start3A_6 = arith.constant 0 : i32
    %dma_start3A_7 = arith.constant 0 : i32
    %dma_start3A_8 = arith.constant 0 : i32
    %dma_start3A_9 = tpu.memref_slice %arg7[%dma_start3A, %dma_start3A_7, %dma_start3A_8] : memref<3x32x128xi32, #tpu.memory_space<vmem>> -> memref<1x32x128xi32, #tpu.memory_space<vmem>>
    %dma_start3A_10 = tpu.memref_squeeze %dma_start3A_9 : memref<1x32x128xi32, #tpu.memory_space<vmem>> -> memref<32x128xi32, #tpu.memory_space<vmem>>
    %dma_start3A_11 = arith.constant 0 : i32
    %dma_start3A_12 = tpu.memref_slice %arg4[%arg0, %add3A_5, %dma_start3A_11] : memref<2x2560x128xi32, #tpu.memory_space<hbm>> -> memref<1x32x128xi32, #tpu.memory_space<hbm>>
    %dma_start3A_13 = tpu.memref_squeeze %dma_start3A_12 : memref<1x32x128xi32, #tpu.memory_space<hbm>> -> memref<32x128xi32, #tpu.memory_space<hbm>>
    %dma_start3A_14 = tpu.memref_slice %arg11[%dma_start3A_6] : memref<3x!tpu.dma_semaphore, #tpu.memory_space<semaphore_mem>> -> memref<1x!tpu.dma_semaphore, #tpu.memory_space<semaphore_mem>>
    %dma_start3A_15 = tpu.memref_squeeze %dma_start3A_14 : memref<1x!tpu.dma_semaphore, #tpu.memory_space<semaphore_mem>> -> memref<!tpu.dma_semaphore, #tpu.memory_space<semaphore_mem>>
    %dma_start3A_16 = arith.constant 0 : i32
    %dma_start3A_17 = arith.constant 0 : i32
    %dma_start3A_18 = tpu.memref_slice %arg7[%dma_start3A, %dma_start3A_16, %dma_start3A_17] : memref<3x32x128xi32, #tpu.memory_space<vmem>> -> memref<1x32x128xi32, #tpu.memory_space<vmem>>
    %dma_start3A_19 = tpu.memref_squeeze %dma_start3A_18 : memref<1x32x128xi32, #tpu.memory_space<vmem>> -> memref<32x128xi32, #tpu.memory_space<vmem>>
    %dma_start3A_20 = arith.constant 0 : i32
    %dma_start3A_21 = tpu.memref_slice %arg4[%arg0, %add3A_5, %dma_start3A_20] : memref<2x2560x128xi32, #tpu.memory_space<hbm>> -> memref<1x32x128xi32, #tpu.memory_space<hbm>>
    %dma_start3A_22 = tpu.memref_squeeze %dma_start3A_21 : memref<1x32x128xi32, #tpu.memory_space<hbm>> -> memref<32x128xi32, #tpu.memory_space<hbm>>
    tpu.enqueue_dma source(%dma_start3A_22 : memref<32x128xi32, #tpu.memory_space<hbm>>) target(%dma_start3A_19 : memref<32x128xi32, #tpu.memory_space<vmem>>) target_semaphore(%dma_start3A_15 : memref<!tpu.dma_semaphore, #tpu.memory_space<semaphore_mem>>)
    %add3A_23 = arith.constant 0 : i32
    %add3A_24 = arith.addi %mul3A_0, %add3A_23 : i32
    %dma_start3A_25 = arith.constant 0 : i32
    %dma_start3A_26 = arith.constant 0 : i32
    %dma_start3A_27 = arith.constant 0 : i32
    %dma_start3A_28 = arith.constant 0 : i32
    %dma_start3A_29 = tpu.memref_slice %arg8[%dma_start3A_25, %dma_start3A_27, %dma_start3A_28] : memref<3x32x128xi32, #tpu.memory_space<vmem>> -> memref<1x32x128xi32, #tpu.memory_space<vmem>>
    %dma_start3A_30 = tpu.memref_squeeze %dma_start3A_29 : memref<1x32x128xi32, #tpu.memory_space<vmem>> -> memref<32x128xi32, #tpu.memory_space<vmem>>
    %dma_start3A_31 = arith.constant 0 : i32
    %dma_start3A_32 = tpu.memref_slice %arg5[%add3A_24, %dma_start3A_31] : memref<2560x128xi32, #tpu.memory_space<hbm>> -> memref<32x128xi32, #tpu.memory_space<hbm>>
    %dma_start3A_33 = tpu.memref_slice %arg11[%dma_start3A_26] : memref<3x!tpu.dma_semaphore, #tpu.memory_space<semaphore_mem>> -> memref<1x!tpu.dma_semaphore, #tpu.memory_space<semaphore_mem>>
    %dma_start3A_34 = tpu.memref_squeeze %dma_start3A_33 : memref<1x!tpu.dma_semaphore, #tpu.memory_space<semaphore_mem>> -> memref<!tpu.dma_semaphore, #tpu.memory_space<semaphore_mem>>
    %dma_start3A_35 = arith.constant 0 : i32
    %dma_start3A_36 = arith.constant 0 : i32
    %dma_start3A_37 = tpu.memref_slice %arg8[%dma_start3A_25, %dma_start3A_35, %dma_start3A_36] : memref<3x32x128xi32, #tpu.memory_space<vmem>> -> memref<1x32x128xi32, #tpu.memory_space<vmem>>
    %dma_start3A_38 = tpu.memref_squeeze %dma_start3A_37 : memref<1x32x128xi32, #tpu.memory_space<vmem>> -> memref<32x128xi32, #tpu.memory_space<vmem>>
    %dma_start3A_39 = arith.constant 0 : i32
    %dma_start3A_40 = tpu.memref_slice %arg5[%add3A_24, %dma_start3A_39] : memref<2560x128xi32, #tpu.memory_space<hbm>> -> memref<32x128xi32, #tpu.memory_space<hbm>>
    tpu.enqueue_dma source(%dma_start3A_40 : memref<32x128xi32, #tpu.memory_space<hbm>>) target(%dma_start3A_38 : memref<32x128xi32, #tpu.memory_space<vmem>>) target_semaphore(%dma_start3A_34 : memref<!tpu.dma_semaphore, #tpu.memory_space<semaphore_mem>>)
    %add3A_41 = arith.constant 32 : i32
    %add3A_42 = arith.addi %mul3A_0, %add3A_41 : i32
    %dma_start3A_43 = arith.constant 1 : i32
    %dma_start3A_44 = arith.constant 1 : i32
    %dma_start3A_45 = arith.constant 0 : i32
    %dma_start3A_46 = arith.constant 0 : i32
    %dma_start3A_47 = tpu.memref_slice %arg7[%dma_start3A_43, %dma_start3A_45, %dma_start3A_46] : memref<3x32x128xi32, #tpu.memory_space<vmem>> -> memref<1x32x128xi32, #tpu.memory_space<vmem>>
    %dma_start3A_48 = tpu.memref_squeeze %dma_start3A_47 : memref<1x32x128xi32, #tpu.memory_space<vmem>> -> memref<32x128xi32, #tpu.memory_space<vmem>>
    %dma_start3A_49 = arith.constant 0 : i32
    %dma_start3A_50 = tpu.memref_slice %arg4[%arg0, %add3A_42, %dma_start3A_49] : memref<2x2560x128xi32, #tpu.memory_space<hbm>> -> memref<1x32x128xi32, #tpu.memory_space<hbm>>
    %dma_start3A_51 = tpu.memref_squeeze %dma_start3A_50 : memref<1x32x128xi32, #tpu.memory_space<hbm>> -> memref<32x128xi32, #tpu.memory_space<hbm>>
    %dma_start3A_52 = tpu.memref_slice %arg11[%dma_start3A_44] : memref<3x!tpu.dma_semaphore, #tpu.memory_space<semaphore_mem>> -> memref<1x!tpu.dma_semaphore, #tpu.memory_space<semaphore_mem>>
    %dma_start3A_53 = tpu.memref_squeeze %dma_start3A_52 : memref<1x!tpu.dma_semaphore, #tpu.memory_space<semaphore_mem>> -> memref<!tpu.dma_semaphore, #tpu.memory_space<semaphore_mem>>
    %dma_start3A_54 = arith.constant 0 : i32
    %dma_start3A_55 = arith.constant 0 : i32
    %dma_start3A_56 = tpu.memref_slice %arg7[%dma_start3A_43, %dma_start3A_54, %dma_start3A_55] : memref<3x32x128xi32, #tpu.memory_space<vmem>> -> memref<1x32x128xi32, #tpu.memory_space<vmem>>
    %dma_start3A_57 = tpu.memref_squeeze %dma_start3A_56 : memref<1x32x128xi32, #tpu.memory_space<vmem>> -> memref<32x128xi32, #tpu.memory_space<vmem>>
    %dma_start3A_58 = arith.constant 0 : i32
    %dma_start3A_59 = tpu.memref_slice %arg4[%arg0, %add3A_42, %dma_start3A_58] : memref<2x2560x128xi32, #tpu.memory_space<hbm>> -> memref<1x32x128xi32, #tpu.memory_space<hbm>>
    %dma_start3A_60 = tpu.memref_squeeze %dma_start3A_59 : memref<1x32x128xi32, #tpu.memory_space<hbm>> -> memref<32x128xi32, #tpu.memory_space<hbm>>
    tpu.enqueue_dma source(%dma_start3A_60 : memref<32x128xi32, #tpu.memory_space<hbm>>) target(%dma_start3A_57 : memref<32x128xi32, #tpu.memory_space<vmem>>) target_semaphore(%dma_start3A_53 : memref<!tpu.dma_semaphore, #tpu.memory_space<semaphore_mem>>)
    %add3A_61 = arith.constant 32 : i32
    %add3A_62 = arith.addi %mul3A_0, %add3A_61 : i32
    %dma_start3A_63 = arith.constant 1 : i32
    %dma_start3A_64 = arith.constant 1 : i32
    %dma_start3A_65 = arith.constant 0 : i32
    %dma_start3A_66 = arith.constant 0 : i32
    %dma_start3A_67 = tpu.memref_slice %arg8[%dma_start3A_63, %dma_start3A_65, %dma_start3A_66] : memref<3x32x128xi32, #tpu.memory_space<vmem>> -> memref<1x32x128xi32, #tpu.memory_space<vmem>>
    %dma_start3A_68 = tpu.memref_squeeze %dma_start3A_67 : memref<1x32x128xi32, #tpu.memory_space<vmem>> -> memref<32x128xi32, #tpu.memory_space<vmem>>
    %dma_start3A_69 = arith.constant 0 : i32
    %dma_start3A_70 = tpu.memref_slice %arg5[%add3A_62, %dma_start3A_69] : memref<2560x128xi32, #tpu.memory_space<hbm>> -> memref<32x128xi32, #tpu.memory_space<hbm>>
    %dma_start3A_71 = tpu.memref_slice %arg11[%dma_start3A_64] : memref<3x!tpu.dma_semaphore, #tpu.memory_space<semaphore_mem>> -> memref<1x!tpu.dma_semaphore, #tpu.memory_space<semaphore_mem>>
    %dma_start3A_72 = tpu.memref_squeeze %dma_start3A_71 : memref<1x!tpu.dma_semaphore, #tpu.memory_space<semaphore_mem>> -> memref<!tpu.dma_semaphore, #tpu.memory_space<semaphore_mem>>
    %dma_start3A_73 = arith.constant 0 : i32
    %dma_start3A_74 = arith.constant 0 : i32
    %dma_start3A_75 = tpu.memref_slice %arg8[%dma_start3A_63, %dma_start3A_73, %dma_start3A_74] : memref<3x32x128xi32, #tpu.memory_space<vmem>> -> memref<1x32x128xi32, #tpu.memory_space<vmem>>
    %dma_start3A_76 = tpu.memref_squeeze %dma_start3A_75 : memref<1x32x128xi32, #tpu.memory_space<vmem>> -> memref<32x128xi32, #tpu.memory_space<vmem>>
    %dma_start3A_77 = arith.constant 0 : i32
    %dma_start3A_78 = tpu.memref_slice %arg5[%add3A_62, %dma_start3A_77] : memref<2560x128xi32, #tpu.memory_space<hbm>> -> memref<32x128xi32, #tpu.memory_space<hbm>>
    tpu.enqueue_dma source(%dma_start3A_78 : memref<32x128xi32, #tpu.memory_space<hbm>>) target(%dma_start3A_76 : memref<32x128xi32, #tpu.memory_space<vmem>>) target_semaphore(%dma_start3A_72 : memref<!tpu.dma_semaphore, #tpu.memory_space<semaphore_mem>>)
    %add3A_79 = arith.constant 64 : i32
    %add3A_80 = arith.addi %mul3A_0, %add3A_79 : i32
    %dma_start3A_81 = arith.constant 2 : i32
    %dma_start3A_82 = arith.constant 2 : i32
    %dma_start3A_83 = arith.constant 0 : i32
    %dma_start3A_84 = arith.constant 0 : i32
    %dma_start3A_85 = tpu.memref_slice %arg7[%dma_start3A_81, %dma_start3A_83, %dma_start3A_84] : memref<3x32x128xi32, #tpu.memory_space<vmem>> -> memref<1x32x128xi32, #tpu.memory_space<vmem>>
    %dma_start3A_86 = tpu.memref_squeeze %dma_start3A_85 : memref<1x32x128xi32, #tpu.memory_space<vmem>> -> memref<32x128xi32, #tpu.memory_space<vmem>>
    %dma_start3A_87 = arith.constant 0 : i32
    %dma_start3A_88 = tpu.memref_slice %arg4[%arg0, %add3A_80, %dma_start3A_87] : memref<2x2560x128xi32, #tpu.memory_space<hbm>> -> memref<1x32x128xi32, #tpu.memory_space<hbm>>
    %dma_start3A_89 = tpu.memref_squeeze %dma_start3A_88 : memref<1x32x128xi32, #tpu.memory_space<hbm>> -> memref<32x128xi32, #tpu.memory_space<hbm>>
    %dma_start3A_90 = tpu.memref_slice %arg11[%dma_start3A_82] : memref<3x!tpu.dma_semaphore, #tpu.memory_space<semaphore_mem>> -> memref<1x!tpu.dma_semaphore, #tpu.memory_space<semaphore_mem>>
    %dma_start3A_91 = tpu.memref_squeeze %dma_start3A_90 : memref<1x!tpu.dma_semaphore, #tpu.memory_space<semaphore_mem>> -> memref<!tpu.dma_semaphore, #tpu.memory_space<semaphore_mem>>
    %dma_start3A_92 = arith.constant 0 : i32
    %dma_start3A_93 = arith.constant 0 : i32
    %dma_start3A_94 = tpu.memref_slice %arg7[%dma_start3A_81, %dma_start3A_92, %dma_start3A_93] : memref<3x32x128xi32, #tpu.memory_space<vmem>> -> memref<1x32x128xi32, #tpu.memory_space<vmem>>
    %dma_start3A_95 = tpu.memref_squeeze %dma_start3A_94 : memref<1x32x128xi32, #tpu.memory_space<vmem>> -> memref<32x128xi32, #tpu.memory_space<vmem>>
    %dma_start3A_96 = arith.constant 0 : i32
    %dma_start3A_97 = tpu.memref_slice %arg4[%arg0, %add3A_80, %dma_start3A_96] : memref<2x2560x128xi32, #tpu.memory_space<hbm>> -> memref<1x32x128xi32, #tpu.memory_space<hbm>>
    %dma_start3A_98 = tpu.memref_squeeze %dma_start3A_97 : memref<1x32x128xi32, #tpu.memory_space<hbm>> -> memref<32x128xi32, #tpu.memory_space<hbm>>
    tpu.enqueue_dma source(%dma_start3A_98 : memref<32x128xi32, #tpu.memory_space<hbm>>) target(%dma_start3A_95 : memref<32x128xi32, #tpu.memory_space<vmem>>) target_semaphore(%dma_start3A_91 : memref<!tpu.dma_semaphore, #tpu.memory_space<semaphore_mem>>)
    %add3A_99 = arith.constant 64 : i32
    %add3A_100 = arith.addi %mul3A_0, %add3A_99 : i32
    %dma_start3A_101 = arith.constant 2 : i32
    %dma_start3A_102 = arith.constant 2 : i32
    %dma_start3A_103 = arith.constant 0 : i32
    %dma_start3A_104 = arith.constant 0 : i32
    %dma_start3A_105 = tpu.memref_slice %arg8[%dma_start3A_101, %dma_start3A_103, %dma_start3A_104] : memref<3x32x128xi32, #tpu.memory_space<vmem>> -> memref<1x32x128xi32, #tpu.memory_space<vmem>>
    %dma_start3A_106 = tpu.memref_squeeze %dma_start3A_105 : memref<1x32x128xi32, #tpu.memory_space<vmem>> -> memref<32x128xi32, #tpu.memory_space<vmem>>
    %dma_start3A_107 = arith.constant 0 : i32
    %dma_start3A_108 = tpu.memref_slice %arg5[%add3A_100, %dma_start3A_107] : memref<2560x128xi32, #tpu.memory_space<hbm>> -> memref<32x128xi32, #tpu.memory_space<hbm>>
    %dma_start3A_109 = tpu.memref_slice %arg11[%dma_start3A_102] : memref<3x!tpu.dma_semaphore, #tpu.memory_space<semaphore_mem>> -> memref<1x!tpu.dma_semaphore, #tpu.memory_space<semaphore_mem>>
    %dma_start3A_110 = tpu.memref_squeeze %dma_start3A_109 : memref<1x!tpu.dma_semaphore, #tpu.memory_space<semaphore_mem>> -> memref<!tpu.dma_semaphore, #tpu.memory_space<semaphore_mem>>
    %dma_start3A_111 = arith.constant 0 : i32
    %dma_start3A_112 = arith.constant 0 : i32
    %dma_start3A_113 = tpu.memref_slice %arg8[%dma_start3A_101, %dma_start3A_111, %dma_start3A_112] : memref<3x32x128xi32, #tpu.memory_space<vmem>> -> memref<1x32x128xi32, #tpu.memory_space<vmem>>
    %dma_start3A_114 = tpu.memref_squeeze %dma_start3A_113 : memref<1x32x128xi32, #tpu.memory_space<vmem>> -> memref<32x128xi32, #tpu.memory_space<vmem>>
    %dma_start3A_115 = arith.constant 0 : i32
    %dma_start3A_116 = tpu.memref_slice %arg5[%add3A_100, %dma_start3A_115] : memref<2560x128xi32, #tpu.memory_space<hbm>> -> memref<32x128xi32, #tpu.memory_space<hbm>>
    tpu.enqueue_dma source(%dma_start3A_116 : memref<32x128xi32, #tpu.memory_space<hbm>>) target(%dma_start3A_114 : memref<32x128xi32, #tpu.memory_space<vmem>>) target_semaphore(%dma_start3A_110 : memref<!tpu.dma_semaphore, #tpu.memory_space<semaphore_mem>>)
    %barrier3A = arith.constant 0 : index
    tpu.barrier barrier_id(%barrier3A)
    %add3A_117 = arith.constant 0 : i32
    %add3A_118 = arith.addi %mul3A_0, %add3A_117 : i32
    %dma_wait3A = arith.constant 0 : i32
    %dma_wait3A_119 = arith.constant 0 : i32
    %dma_wait3A_120 = arith.constant 0 : i32
    %dma_wait3A_121 = arith.constant 0 : i32
    %dma_wait3A_122 = tpu.memref_slice %arg7[%dma_wait3A, %dma_wait3A_120, %dma_wait3A_121] : memref<3x32x128xi32, #tpu.memory_space<vmem>> -> memref<1x32x128xi32, #tpu.memory_space<vmem>>
    %dma_wait3A_123 = tpu.memref_squeeze %dma_wait3A_122 : memref<1x32x128xi32, #tpu.memory_space<vmem>> -> memref<32x128xi32, #tpu.memory_space<vmem>>
    %dma_wait3A_124 = arith.constant 0 : i32
    %dma_wait3A_125 = tpu.memref_slice %arg4[%arg0, %add3A_118, %dma_wait3A_124] : memref<2x2560x128xi32, #tpu.memory_space<hbm>> -> memref<1x32x128xi32, #tpu.memory_space<hbm>>
    %dma_wait3A_126 = tpu.memref_squeeze %dma_wait3A_125 : memref<1x32x128xi32, #tpu.memory_space<hbm>> -> memref<32x128xi32, #tpu.memory_space<hbm>>
    %dma_wait3A_127 = tpu.memref_slice %arg11[%dma_wait3A_119] : memref<3x!tpu.dma_semaphore, #tpu.memory_space<semaphore_mem>> -> memref<1x!tpu.dma_semaphore, #tpu.memory_space<semaphore_mem>>
    %dma_wait3A_128 = tpu.memref_squeeze %dma_wait3A_127 : memref<1x!tpu.dma_semaphore, #tpu.memory_space<semaphore_mem>> -> memref<!tpu.dma_semaphore, #tpu.memory_space<semaphore_mem>>
    %dma_wait3A_129 = arith.constant 0 : i32
    %dma_wait3A_130 = arith.constant 0 : i32
    %dma_wait3A_131 = tpu.memref_slice %arg7[%dma_wait3A, %dma_wait3A_129, %dma_wait3A_130] : memref<3x32x128xi32, #tpu.memory_space<vmem>> -> memref<1x32x128xi32, #tpu.memory_space<vmem>>
    %dma_wait3A_132 = tpu.memref_squeeze %dma_wait3A_131 : memref<1x32x128xi32, #tpu.memory_space<vmem>> -> memref<32x128xi32, #tpu.memory_space<vmem>>
    %dma_wait3A_133 = arith.constant 0 : i32
    %dma_wait3A_134 = tpu.memref_slice %arg4[%arg0, %add3A_118, %dma_wait3A_133] : memref<2x2560x128xi32, #tpu.memory_space<hbm>> -> memref<1x32x128xi32, #tpu.memory_space<hbm>>
    %dma_wait3A_135 = tpu.memref_squeeze %dma_wait3A_134 : memref<1x32x128xi32, #tpu.memory_space<hbm>> -> memref<32x128xi32, #tpu.memory_space<hbm>>
    tpu.wait_dma2 semaphore(%dma_wait3A_128 : memref<!tpu.dma_semaphore, #tpu.memory_space<semaphore_mem>>) src(%dma_wait3A_135 : memref<32x128xi32, #tpu.memory_space<hbm>>) dst(%dma_wait3A_132 : memref<32x128xi32, #tpu.memory_space<vmem>>)
    %add3A_136 = arith.constant 0 : i32
    %add3A_137 = arith.addi %mul3A_0, %add3A_136 : i32
    %dma_wait3A_138 = arith.constant 0 : i32
    %dma_wait3A_139 = arith.constant 0 : i32
    %dma_wait3A_140 = arith.constant 0 : i32
    %dma_wait3A_141 = arith.constant 0 : i32
    %dma_wait3A_142 = tpu.memref_slice %arg8[%dma_wait3A_138, %dma_wait3A_140, %dma_wait3A_141] : memref<3x32x128xi32, #tpu.memory_space<vmem>> -> memref<1x32x128xi32, #tpu.memory_space<vmem>>
    %dma_wait3A_143 = tpu.memref_squeeze %dma_wait3A_142 : memref<1x32x128xi32, #tpu.memory_space<vmem>> -> memref<32x128xi32, #tpu.memory_space<vmem>>
    %dma_wait3A_144 = arith.constant 0 : i32
    %dma_wait3A_145 = tpu.memref_slice %arg5[%add3A_137, %dma_wait3A_144] : memref<2560x128xi32, #tpu.memory_space<hbm>> -> memref<32x128xi32, #tpu.memory_space<hbm>>
    %dma_wait3A_146 = tpu.memref_slice %arg11[%dma_wait3A_139] : memref<3x!tpu.dma_semaphore, #tpu.memory_space<semaphore_mem>> -> memref<1x!tpu.dma_semaphore, #tpu.memory_space<semaphore_mem>>
    %dma_wait3A_147 = tpu.memref_squeeze %dma_wait3A_146 : memref<1x!tpu.dma_semaphore, #tpu.memory_space<semaphore_mem>> -> memref<!tpu.dma_semaphore, #tpu.memory_space<semaphore_mem>>
    %dma_wait3A_148 = arith.constant 0 : i32
    %dma_wait3A_149 = arith.constant 0 : i32
    %dma_wait3A_150 = tpu.memref_slice %arg8[%dma_wait3A_138, %dma_wait3A_148, %dma_wait3A_149] : memref<3x32x128xi32, #tpu.memory_space<vmem>> -> memref<1x32x128xi32, #tpu.memory_space<vmem>>
    %dma_wait3A_151 = tpu.memref_squeeze %dma_wait3A_150 : memref<1x32x128xi32, #tpu.memory_space<vmem>> -> memref<32x128xi32, #tpu.memory_space<vmem>>
    %dma_wait3A_152 = arith.constant 0 : i32
    %dma_wait3A_153 = tpu.memref_slice %arg5[%add3A_137, %dma_wait3A_152] : memref<2560x128xi32, #tpu.memory_space<hbm>> -> memref<32x128xi32, #tpu.memory_space<hbm>>
    tpu.wait_dma2 semaphore(%dma_wait3A_147 : memref<!tpu.dma_semaphore, #tpu.memory_space<semaphore_mem>>) src(%dma_wait3A_153 : memref<32x128xi32, #tpu.memory_space<hbm>>) dst(%dma_wait3A_151 : memref<32x128xi32, #tpu.memory_space<vmem>>)
    %dma_start3A_154 = arith.constant 2 : i32
    %dma_start3A_155 = arith.constant 2 : i32
    %dma_start3A_156 = arith.constant 0 : i32
    %dma_start3A_157 = arith.constant 0 : i32
    %dma_start3A_158 = tpu.memref_slice %arg9[%dma_start3A_154, %dma_start3A_156, %dma_start3A_157] : memref<4x128x64xf32, #tpu.memory_space<vmem>> -> memref<1x128x64xf32, #tpu.memory_space<vmem>>
    %dma_start3A_159 = tpu.memref_squeeze %dma_start3A_158 : memref<1x128x64xf32, #tpu.memory_space<vmem>> -> memref<128x64xf32, #tpu.memory_space<vmem>>
    %dma_start3A_160 = arith.constant 0 : i32
    %dma_start3A_161 = arith.constant 0 : i32
    %dma_start3A_162 = tpu.memref_slice %arg2[%dma_start3A_160, %dma_start3A_161] : memref<20480x64xf32, #tpu.memory_space<hbm>> -> memref<128x64xf32, #tpu.memory_space<hbm>>
    %dma_start3A_163 = tpu.memref_slice %arg13[%dma_start3A_155] : memref<4x!tpu.dma_semaphore, #tpu.memory_space<semaphore_mem>> -> memref<1x!tpu.dma_semaphore, #tpu.memory_space<semaphore_mem>>
    %dma_start3A_164 = tpu.memref_squeeze %dma_start3A_163 : memref<1x!tpu.dma_semaphore, #tpu.memory_space<semaphore_mem>> -> memref<!tpu.dma_semaphore, #tpu.memory_space<semaphore_mem>>
    %dma_start3A_165 = arith.constant 0 : i32
    %dma_start3A_166 = arith.constant 0 : i32
    %dma_start3A_167 = tpu.memref_slice %arg9[%dma_start3A_154, %dma_start3A_165, %dma_start3A_166] : memref<4x128x64xf32, #tpu.memory_space<vmem>> -> memref<1x128x64xf32, #tpu.memory_space<vmem>>
    %dma_start3A_168 = tpu.memref_squeeze %dma_start3A_167 : memref<1x128x64xf32, #tpu.memory_space<vmem>> -> memref<128x64xf32, #tpu.memory_space<vmem>>
    %dma_start3A_169 = arith.constant 0 : i32
    %dma_start3A_170 = arith.constant 0 : i32
    %dma_start3A_171 = tpu.memref_slice %arg2[%dma_start3A_169, %dma_start3A_170] : memref<20480x64xf32, #tpu.memory_space<hbm>> -> memref<128x64xf32, #tpu.memory_space<hbm>>
    tpu.enqueue_dma source(%dma_start3A_171 : memref<128x64xf32, #tpu.memory_space<hbm>>) target(%dma_start3A_168 : memref<128x64xf32, #tpu.memory_space<vmem>>) target_semaphore(%dma_start3A_164 : memref<!tpu.dma_semaphore, #tpu.memory_space<semaphore_mem>>)
    %dma_start3A_172 = arith.constant 3 : i32
    %dma_start3A_173 = arith.constant 3 : i32
    %dma_start3A_174 = arith.constant 0 : i32
    %dma_start3A_175 = arith.constant 0 : i32
    %dma_start3A_176 = tpu.memref_slice %arg9[%dma_start3A_172, %dma_start3A_174, %dma_start3A_175] : memref<4x128x64xf32, #tpu.memory_space<vmem>> -> memref<1x128x64xf32, #tpu.memory_space<vmem>>
    %dma_start3A_177 = tpu.memref_squeeze %dma_start3A_176 : memref<1x128x64xf32, #tpu.memory_space<vmem>> -> memref<128x64xf32, #tpu.memory_space<vmem>>
    %dma_start3A_178 = arith.constant 0 : i32
    %dma_start3A_179 = arith.constant 0 : i32
    %dma_start3A_180 = tpu.memref_slice %arg2[%dma_start3A_178, %dma_start3A_179] : memref<20480x64xf32, #tpu.memory_space<hbm>> -> memref<128x64xf32, #tpu.memory_space<hbm>>
    %dma_start3A_181 = tpu.memref_slice %arg13[%dma_start3A_173] : memref<4x!tpu.dma_semaphore, #tpu.memory_space<semaphore_mem>> -> memref<1x!tpu.dma_semaphore, #tpu.memory_space<semaphore_mem>>
    %dma_start3A_182 = tpu.memref_squeeze %dma_start3A_181 : memref<1x!tpu.dma_semaphore, #tpu.memory_space<semaphore_mem>> -> memref<!tpu.dma_semaphore, #tpu.memory_space<semaphore_mem>>
    %dma_start3A_183 = arith.constant 0 : i32
    %dma_start3A_184 = arith.constant 0 : i32
    %dma_start3A_185 = tpu.memref_slice %arg9[%dma_start3A_172, %dma_start3A_183, %dma_start3A_184] : memref<4x128x64xf32, #tpu.memory_space<vmem>> -> memref<1x128x64xf32, #tpu.memory_space<vmem>>
    %dma_start3A_186 = tpu.memref_squeeze %dma_start3A_185 : memref<1x128x64xf32, #tpu.memory_space<vmem>> -> memref<128x64xf32, #tpu.memory_space<vmem>>
    %dma_start3A_187 = arith.constant 0 : i32
    %dma_start3A_188 = arith.constant 0 : i32
    %dma_start3A_189 = tpu.memref_slice %arg2[%dma_start3A_187, %dma_start3A_188] : memref<20480x64xf32, #tpu.memory_space<hbm>> -> memref<128x64xf32, #tpu.memory_space<hbm>>
    tpu.enqueue_dma source(%dma_start3A_189 : memref<128x64xf32, #tpu.memory_space<hbm>>) target(%dma_start3A_186 : memref<128x64xf32, #tpu.memory_space<vmem>>) target_semaphore(%dma_start3A_182 : memref<!tpu.dma_semaphore, #tpu.memory_space<semaphore_mem>>)
    %dma_start3A_190 = arith.constant 0 : i32
    %dma_start3A_191 = arith.constant 0 : i32
    %dma_start3A_192 = arith.constant 0 : i32
    %dma_start3A_193 = arith.constant 0 : i32
    %dma_start3A_194 = arith.constant 0 : i32
    %dma_start3A_195 = arith.constant 0 : i32
    %dma_start3A_196 = tpu.memref_slice %arg9[%dma_start3A_192, %dma_start3A_194, %dma_start3A_195] : memref<4x128x64xf32, #tpu.memory_space<vmem>> -> memref<1x128x64xf32, #tpu.memory_space<vmem>>
    %dma_start3A_197 = tpu.memref_squeeze %dma_start3A_196 : memref<1x128x64xf32, #tpu.memory_space<vmem>> -> memref<128x64xf32, #tpu.memory_space<vmem>>
    %dma_start3A_198 = arith.constant 0 : i32
    %dma_start3A_199 = tpu.memref_slice %arg7[%dma_start3A_190, %dma_start3A_191, %dma_start3A_198] : memref<3x32x128xi32, #tpu.memory_space<vmem>> -> memref<1x1x128xi32, #tpu.memory_space<vmem>>
    %dma_start3A_200 = tpu.memref_squeeze %dma_start3A_199 : memref<1x1x128xi32, #tpu.memory_space<vmem>> -> memref<128xi32, #tpu.memory_space<vmem>>
    %dma_start3A_201 = arith.constant 0 : i32
    %dma_start3A_202 = arith.constant 0 : i32
    %dma_start3A_203 = tpu.memref_slice %arg2[%dma_start3A_201, %dma_start3A_202] : memref<20480x64xf32, #tpu.memory_space<hbm>> -> memref<20480x64xf32, #tpu.memory_space<hbm>>
    %dma_start3A_204 = tpu.memref_slice %arg12[%dma_start3A_193] : memref<4x!tpu.dma_semaphore, #tpu.memory_space<semaphore_mem>> -> memref<1x!tpu.dma_semaphore, #tpu.memory_space<semaphore_mem>>
    %dma_start3A_205 = tpu.memref_squeeze %dma_start3A_204 : memref<1x!tpu.dma_semaphore, #tpu.memory_space<semaphore_mem>> -> memref<!tpu.dma_semaphore, #tpu.memory_space<semaphore_mem>>
    tpu.enqueue_indirect_dma source(%dma_start3A_203 : memref<20480x64xf32, #tpu.memory_space<hbm>>) target(%dma_start3A_197 : memref<128x64xf32, #tpu.memory_space<vmem>>) offsets(%dma_start3A_200 : memref<128xi32, #tpu.memory_space<vmem>>) semaphore(%dma_start3A_205 : memref<!tpu.dma_semaphore, #tpu.memory_space<semaphore_mem>>)
    %dma_start3A_206 = arith.constant 0 : i32
    %dma_start3A_207 = arith.constant 1 : i32
    %dma_start3A_208 = arith.constant 1 : i32
    %dma_start3A_209 = arith.constant 1 : i32
    %dma_start3A_210 = arith.constant 0 : i32
    %dma_start3A_211 = arith.constant 0 : i32
    %dma_start3A_212 = tpu.memref_slice %arg9[%dma_start3A_208, %dma_start3A_210, %dma_start3A_211] : memref<4x128x64xf32, #tpu.memory_space<vmem>> -> memref<1x128x64xf32, #tpu.memory_space<vmem>>
    %dma_start3A_213 = tpu.memref_squeeze %dma_start3A_212 : memref<1x128x64xf32, #tpu.memory_space<vmem>> -> memref<128x64xf32, #tpu.memory_space<vmem>>
    %dma_start3A_214 = arith.constant 0 : i32
    %dma_start3A_215 = tpu.memref_slice %arg7[%dma_start3A_206, %dma_start3A_207, %dma_start3A_214] : memref<3x32x128xi32, #tpu.memory_space<vmem>> -> memref<1x1x128xi32, #tpu.memory_space<vmem>>
    %dma_start3A_216 = tpu.memref_squeeze %dma_start3A_215 : memref<1x1x128xi32, #tpu.memory_space<vmem>> -> memref<128xi32, #tpu.memory_space<vmem>>
    %dma_start3A_217 = arith.constant 0 : i32
    %dma_start3A_218 = arith.constant 0 : i32
    %dma_start3A_219 = tpu.memref_slice %arg2[%dma_start3A_217, %dma_start3A_218] : memref<20480x64xf32, #tpu.memory_space<hbm>> -> memref<20480x64xf32, #tpu.memory_space<hbm>>
    %dma_start3A_220 = tpu.memref_slice %arg12[%dma_start3A_209] : memref<4x!tpu.dma_semaphore, #tpu.memory_space<semaphore_mem>> -> memref<1x!tpu.dma_semaphore, #tpu.memory_space<semaphore_mem>>
    %dma_start3A_221 = tpu.memref_squeeze %dma_start3A_220 : memref<1x!tpu.dma_semaphore, #tpu.memory_space<semaphore_mem>> -> memref<!tpu.dma_semaphore, #tpu.memory_space<semaphore_mem>>
    tpu.enqueue_indirect_dma source(%dma_start3A_219 : memref<20480x64xf32, #tpu.memory_space<hbm>>) target(%dma_start3A_213 : memref<128x64xf32, #tpu.memory_space<vmem>>) offsets(%dma_start3A_216 : memref<128xi32, #tpu.memory_space<vmem>>) semaphore(%dma_start3A_221 : memref<!tpu.dma_semaphore, #tpu.memory_space<semaphore_mem>>)
    %scan3A = arith.constant 0 : i32
    %scan3A_222 = arith.constant 40 : i32
    %scan3A_223 = arith.addi %scan3A, %scan3A_222 : i32
    %scan3A_224 = arith.constant 1 : i32
    scf.for %scan3A_265 = %scan3A to %scan3A_223 step %scan3A_224  : i32 {
      %mul3A_266 = arith.constant 4 : i32
      %mul3A_267 = arith.muli %mul3A_266, %scan3A_265 : i32
      %rem3A = arith.constant 32 : i32
      %rem3A_268 = arith.remsi %mul3A_267, %rem3A : i32
      %jit3A = arith.constant 32 : i32
      %div3A = arith.divsi %mul3A_267, %jit3A : i32
      %sign3A = arith.constant 0 : i32
      %sign3A_269 = arith.cmpi sgt, %mul3A_267, %sign3A : i32
      %sign3A_270 = arith.extui %sign3A_269 : i1 to i32
      %sign3A_271 = arith.constant 0 : i32
      %sign3A_272 = arith.cmpi slt, %mul3A_267, %sign3A_271 : i32
      %sign3A_273 = arith.extui %sign3A_272 : i1 to i32
      %sign3A_274 = arith.subi %sign3A_270, %sign3A_273 : i32
      %sign3A_275 = arith.constant 0 : i32
      %sign3A_276 = arith.cmpi sgt, %jit3A, %sign3A_275 : i32
      %sign3A_277 = arith.extui %sign3A_276 : i1 to i32
      %sign3A_278 = arith.constant 0 : i32
      %sign3A_279 = arith.cmpi slt, %jit3A, %sign3A_278 : i32
      %sign3A_280 = arith.extui %sign3A_279 : i1 to i32
      %sign3A_281 = arith.subi %sign3A_277, %sign3A_280 : i32
      %ne3A = arith.cmpi ne, %sign3A_274, %sign3A_281 : i32
      %rem3A_282 = arith.remsi %mul3A_267, %jit3A : i32
      %ne3A_283 = arith.constant 0 : i32
      %ne3A_284 = arith.cmpi ne, %rem3A_282, %ne3A_283 : i32
      %and3A = arith.andi %ne3A, %ne3A_284 : i1
      %sub3A = arith.constant 1 : i32
      %sub3A_285 = arith.subi %div3A, %sub3A : i32
      %select_n3A = arith.select %and3A, %sub3A_285, %div3A : i32
      %rem3A_286 = arith.constant 3 : i32
      %rem3A_287 = arith.remsi %select_n3A, %rem3A_286 : i32
      %add3A_288 = arith.constant 1 : i32
      %add3A_289 = arith.addi %select_n3A, %add3A_288 : i32
      %rem3A_290 = arith.constant 3 : i32
      %rem3A_291 = arith.remsi %add3A_289, %rem3A_290 : i32
      %eq3A = arith.constant 28 : i32
      %eq3A_292 = arith.cmpi eq, %rem3A_268, %eq3A : i32
      %dma_wait3A_293 = arith.constant 2 : i32
      %dma_wait3A_294 = arith.constant 2 : i32
      %dma_wait3A_295 = arith.constant 0 : i32
      %dma_wait3A_296 = arith.constant 0 : i32
      %dma_wait3A_297 = tpu.memref_slice %arg9[%dma_wait3A_293, %dma_wait3A_295, %dma_wait3A_296] : memref<4x128x64xf32, #tpu.memory_space<vmem>> -> memref<1x128x64xf32, #tpu.memory_space<vmem>>
      %dma_wait3A_298 = tpu.memref_squeeze %dma_wait3A_297 : memref<1x128x64xf32, #tpu.memory_space<vmem>> -> memref<128x64xf32, #tpu.memory_space<vmem>>
      %dma_wait3A_299 = arith.constant 0 : i32
      %dma_wait3A_300 = tpu.memref_slice %arg8[%rem3A_287, %rem3A_268, %dma_wait3A_299] : memref<3x32x128xi32, #tpu.memory_space<vmem>> -> memref<1x1x128xi32, #tpu.memory_space<vmem>>
      %dma_wait3A_301 = tpu.memref_squeeze %dma_wait3A_300 : memref<1x1x128xi32, #tpu.memory_space<vmem>> -> memref<128xi32, #tpu.memory_space<vmem>>
      %dma_wait3A_302 = arith.constant 0 : i32
      %dma_wait3A_303 = arith.constant 0 : i32
      %dma_wait3A_304 = tpu.memref_slice %arg10[%dma_wait3A_302, %dma_wait3A_303] : memref<10240x64xf32, #tpu.memory_space<vmem_shared>> -> memref<10240x64xf32, #tpu.memory_space<vmem_shared>>
      %dma_wait3A_305 = tpu.memref_slice %arg13[%dma_wait3A_294] : memref<4x!tpu.dma_semaphore, #tpu.memory_space<semaphore_mem>> -> memref<1x!tpu.dma_semaphore, #tpu.memory_space<semaphore_mem>>
      %dma_wait3A_306 = tpu.memref_squeeze %dma_wait3A_305 : memref<1x!tpu.dma_semaphore, #tpu.memory_space<semaphore_mem>> -> memref<!tpu.dma_semaphore, #tpu.memory_space<semaphore_mem>>
      tpu.wait_indirect_dma semaphore(%dma_wait3A_306 : memref<!tpu.dma_semaphore, #tpu.memory_space<semaphore_mem>>) src(%dma_wait3A_298 : memref<128x64xf32, #tpu.memory_space<vmem>>) dst(%dma_wait3A_304 : memref<10240x64xf32, #tpu.memory_space<vmem_shared>>)
      %add3A_307 = arith.constant 2 : i32
      %add3A_308 = arith.addi %rem3A_268, %add3A_307 : i32
      %dma_start3A_309 = arith.constant 2 : i32
      %dma_start3A_310 = arith.constant 2 : i32
      %dma_start3A_311 = arith.constant 0 : i32
      %dma_start3A_312 = arith.constant 0 : i32
      %dma_start3A_313 = tpu.memref_slice %arg9[%dma_start3A_309, %dma_start3A_311, %dma_start3A_312] : memref<4x128x64xf32, #tpu.memory_space<vmem>> -> memref<1x128x64xf32, #tpu.memory_space<vmem>>
      %dma_start3A_314 = tpu.memref_squeeze %dma_start3A_313 : memref<1x128x64xf32, #tpu.memory_space<vmem>> -> memref<128x64xf32, #tpu.memory_space<vmem>>
      %dma_start3A_315 = arith.constant 0 : i32
      %dma_start3A_316 = tpu.memref_slice %arg7[%rem3A_287, %add3A_308, %dma_start3A_315] : memref<3x32x128xi32, #tpu.memory_space<vmem>> -> memref<1x1x128xi32, #tpu.memory_space<vmem>>
      %dma_start3A_317 = tpu.memref_squeeze %dma_start3A_316 : memref<1x1x128xi32, #tpu.memory_space<vmem>> -> memref<128xi32, #tpu.memory_space<vmem>>
      %dma_start3A_318 = arith.constant 0 : i32
      %dma_start3A_319 = arith.constant 0 : i32
      %dma_start3A_320 = tpu.memref_slice %arg2[%dma_start3A_318, %dma_start3A_319] : memref<20480x64xf32, #tpu.memory_space<hbm>> -> memref<20480x64xf32, #tpu.memory_space<hbm>>
      %dma_start3A_321 = tpu.memref_slice %arg12[%dma_start3A_310] : memref<4x!tpu.dma_semaphore, #tpu.memory_space<semaphore_mem>> -> memref<1x!tpu.dma_semaphore, #tpu.memory_space<semaphore_mem>>
      %dma_start3A_322 = tpu.memref_squeeze %dma_start3A_321 : memref<1x!tpu.dma_semaphore, #tpu.memory_space<semaphore_mem>> -> memref<!tpu.dma_semaphore, #tpu.memory_space<semaphore_mem>>
      tpu.enqueue_indirect_dma source(%dma_start3A_320 : memref<20480x64xf32, #tpu.memory_space<hbm>>) target(%dma_start3A_314 : memref<128x64xf32, #tpu.memory_space<vmem>>) offsets(%dma_start3A_317 : memref<128xi32, #tpu.memory_space<vmem>>) semaphore(%dma_start3A_322 : memref<!tpu.dma_semaphore, #tpu.memory_space<semaphore_mem>>)
      %dma_wait3A_323 = arith.constant 0 : i32
      %dma_wait3A_324 = arith.constant 0 : i32
      %dma_wait3A_325 = arith.constant 0 : i32
      %dma_wait3A_326 = arith.constant 0 : i32
      %dma_wait3A_327 = tpu.memref_slice %arg9[%dma_wait3A_323, %dma_wait3A_325, %dma_wait3A_326] : memref<4x128x64xf32, #tpu.memory_space<vmem>> -> memref<1x128x64xf32, #tpu.memory_space<vmem>>
      %dma_wait3A_328 = tpu.memref_squeeze %dma_wait3A_327 : memref<1x128x64xf32, #tpu.memory_space<vmem>> -> memref<128x64xf32, #tpu.memory_space<vmem>>
      %dma_wait3A_329 = arith.constant 0 : i32
      %dma_wait3A_330 = tpu.memref_slice %arg7[%rem3A_287, %rem3A_268, %dma_wait3A_329] : memref<3x32x128xi32, #tpu.memory_space<vmem>> -> memref<1x1x128xi32, #tpu.memory_space<vmem>>
      %dma_wait3A_331 = tpu.memref_squeeze %dma_wait3A_330 : memref<1x1x128xi32, #tpu.memory_space<vmem>> -> memref<128xi32, #tpu.memory_space<vmem>>
      %dma_wait3A_332 = arith.constant 0 : i32
      %dma_wait3A_333 = arith.constant 0 : i32
      %dma_wait3A_334 = tpu.memref_slice %arg2[%dma_wait3A_332, %dma_wait3A_333] : memref<20480x64xf32, #tpu.memory_space<hbm>> -> memref<20480x64xf32, #tpu.memory_space<hbm>>
      %dma_wait3A_335 = tpu.memref_slice %arg12[%dma_wait3A_324] : memref<4x!tpu.dma_semaphore, #tpu.memory_space<semaphore_mem>> -> memref<1x!tpu.dma_semaphore, #tpu.memory_space<semaphore_mem>>
      %dma_wait3A_336 = tpu.memref_squeeze %dma_wait3A_335 : memref<1x!tpu.dma_semaphore, #tpu.memory_space<semaphore_mem>> -> memref<!tpu.dma_semaphore, #tpu.memory_space<semaphore_mem>>
      tpu.wait_indirect_dma semaphore(%dma_wait3A_336 : memref<!tpu.dma_semaphore, #tpu.memory_space<semaphore_mem>>) src(%dma_wait3A_334 : memref<20480x64xf32, #tpu.memory_space<hbm>>) dst(%dma_wait3A_328 : memref<128x64xf32, #tpu.memory_space<vmem>>)
      %dma_start3A_337 = arith.constant 0 : i32
      %dma_start3A_338 = arith.constant 0 : i32
      %dma_start3A_339 = arith.constant 0 : i32
      %dma_start3A_340 = arith.constant 0 : i32
      %dma_start3A_341 = tpu.memref_slice %arg9[%dma_start3A_337, %dma_start3A_339, %dma_start3A_340] : memref<4x128x64xf32, #tpu.memory_space<vmem>> -> memref<1x128x64xf32, #tpu.memory_space<vmem>>
      %dma_start3A_342 = tpu.memref_squeeze %dma_start3A_341 : memref<1x128x64xf32, #tpu.memory_space<vmem>> -> memref<128x64xf32, #tpu.memory_space<vmem>>
      %dma_start3A_343 = arith.constant 0 : i32
      %dma_start3A_344 = tpu.memref_slice %arg8[%rem3A_287, %rem3A_268, %dma_start3A_343] : memref<3x32x128xi32, #tpu.memory_space<vmem>> -> memref<1x1x128xi32, #tpu.memory_space<vmem>>
      %dma_start3A_345 = tpu.memref_squeeze %dma_start3A_344 : memref<1x1x128xi32, #tpu.memory_space<vmem>> -> memref<128xi32, #tpu.memory_space<vmem>>
      %dma_start3A_346 = arith.constant 0 : i32
      %dma_start3A_347 = arith.constant 0 : i32
      %dma_start3A_348 = tpu.memref_slice %arg10[%dma_start3A_346, %dma_start3A_347] : memref<10240x64xf32, #tpu.memory_space<vmem_shared>> -> memref<10240x64xf32, #tpu.memory_space<vmem_shared>>
      %dma_start3A_349 = tpu.memref_slice %arg13[%dma_start3A_338] : memref<4x!tpu.dma_semaphore, #tpu.memory_space<semaphore_mem>> -> memref<1x!tpu.dma_semaphore, #tpu.memory_space<semaphore_mem>>
      %dma_start3A_350 = tpu.memref_squeeze %dma_start3A_349 : memref<1x!tpu.dma_semaphore, #tpu.memory_space<semaphore_mem>> -> memref<!tpu.dma_semaphore, #tpu.memory_space<semaphore_mem>>
      tpu.enqueue_indirect_dma source(%dma_start3A_342 : memref<128x64xf32, #tpu.memory_space<vmem>>) target(%dma_start3A_348 : memref<10240x64xf32, #tpu.memory_space<vmem_shared>>) offsets(%dma_start3A_345 : memref<128xi32, #tpu.memory_space<vmem>>) semaphore(%dma_start3A_350 : memref<!tpu.dma_semaphore, #tpu.memory_space<semaphore_mem>>) {add = true}
      %dma_wait3A_351 = arith.constant 3 : i32
      %dma_wait3A_352 = arith.constant 3 : i32
      %dma_wait3A_353 = arith.constant 0 : i32
      %dma_wait3A_354 = arith.constant 0 : i32
      %dma_wait3A_355 = tpu.memref_slice %arg9[%dma_wait3A_351, %dma_wait3A_353, %dma_wait3A_354] : memref<4x128x64xf32, #tpu.memory_space<vmem>> -> memref<1x128x64xf32, #tpu.memory_space<vmem>>
      %dma_wait3A_356 = tpu.memref_squeeze %dma_wait3A_355 : memref<1x128x64xf32, #tpu.memory_space<vmem>> -> memref<128x64xf32, #tpu.memory_space<vmem>>
      %dma_wait3A_357 = arith.constant 0 : i32
      %dma_wait3A_358 = tpu.memref_slice %arg8[%rem3A_287, %rem3A_268, %dma_wait3A_357] : memref<3x32x128xi32, #tpu.memory_space<vmem>> -> memref<1x1x128xi32, #tpu.memory_space<vmem>>
      %dma_wait3A_359 = tpu.memref_squeeze %dma_wait3A_358 : memref<1x1x128xi32, #tpu.memory_space<vmem>> -> memref<128xi32, #tpu.memory_space<vmem>>
      %dma_wait3A_360 = arith.constant 0 : i32
      %dma_wait3A_361 = arith.constant 0 : i32
      %dma_wait3A_362 = tpu.memref_slice %arg10[%dma_wait3A_360, %dma_wait3A_361] : memref<10240x64xf32, #tpu.memory_space<vmem_shared>> -> memref<10240x64xf32, #tpu.memory_space<vmem_shared>>
      %dma_wait3A_363 = tpu.memref_slice %arg13[%dma_wait3A_352] : memref<4x!tpu.dma_semaphore, #tpu.memory_space<semaphore_mem>> -> memref<1x!tpu.dma_semaphore, #tpu.memory_space<semaphore_mem>>
      %dma_wait3A_364 = tpu.memref_squeeze %dma_wait3A_363 : memref<1x!tpu.dma_semaphore, #tpu.memory_space<semaphore_mem>> -> memref<!tpu.dma_semaphore, #tpu.memory_space<semaphore_mem>>
      tpu.wait_indirect_dma semaphore(%dma_wait3A_364 : memref<!tpu.dma_semaphore, #tpu.memory_space<semaphore_mem>>) src(%dma_wait3A_356 : memref<128x64xf32, #tpu.memory_space<vmem>>) dst(%dma_wait3A_362 : memref<10240x64xf32, #tpu.memory_space<vmem_shared>>)
      %eq3A_365 = arith.constant 0 : i32
      %eq3A_366 = arith.cmpi eq, %rem3A_268, %eq3A_365 : i32
      %ge3A = arith.constant 1 : i32
      %ge3A_367 = arith.cmpi sge, %select_n3A, %ge3A : i32
      %and3A_368 = arith.andi %eq3A_366, %ge3A_367 : i1
      %add3A_369 = arith.constant 2 : i32
      %add3A_370 = arith.addi %select_n3A, %add3A_369 : i32
      %lt3A = arith.constant 5 : i32
      %lt3A_371 = arith.cmpi slt, %add3A_370, %lt3A : i32
      %and3A_372 = arith.andi %and3A_368, %lt3A_371 : i1
      %convert_element_type3A = arith.extui %and3A_372 : i1 to i32
      %cond3A = arith.constant 0 : i32
      %cond3A_373 = arith.cmpi ne, %convert_element_type3A, %cond3A : i32
      scf.if %cond3A_373 {
        %add3A_536 = arith.constant 2 : i32
        %add3A_537 = arith.addi %select_n3A, %add3A_536 : i32
        %add3A_538 = arith.constant 2 : i32
        %add3A_539 = arith.addi %select_n3A, %add3A_538 : i32
        %rem3A_540 = arith.constant 3 : i32
        %rem3A_541 = arith.remsi %add3A_539, %rem3A_540 : i32
        %mul3A_542 = arith.constant 32 : i32
        %mul3A_543 = arith.muli %add3A_537, %mul3A_542 : i32
        %add3A_544 = arith.addi %mul3A_0, %mul3A_543 : i32
        %dma_start3A_545 = arith.constant 0 : i32
        %dma_start3A_546 = arith.constant 0 : i32
        %dma_start3A_547 = tpu.memref_slice %arg7[%rem3A_541, %dma_start3A_545, %dma_start3A_546] : memref<3x32x128xi32, #tpu.memory_space<vmem>> -> memref<1x32x128xi32, #tpu.memory_space<vmem>>
        %dma_start3A_548 = tpu.memref_squeeze %dma_start3A_547 : memref<1x32x128xi32, #tpu.memory_space<vmem>> -> memref<32x128xi32, #tpu.memory_space<vmem>>
        %dma_start3A_549 = arith.constant 0 : i32
        %dma_start3A_550 = tpu.memref_slice %arg4[%arg0, %add3A_544, %dma_start3A_549] : memref<2x2560x128xi32, #tpu.memory_space<hbm>> -> memref<1x32x128xi32, #tpu.memory_space<hbm>>
        %dma_start3A_551 = tpu.memref_squeeze %dma_start3A_550 : memref<1x32x128xi32, #tpu.memory_space<hbm>> -> memref<32x128xi32, #tpu.memory_space<hbm>>
        %dma_start3A_552 = tpu.memref_slice %arg11[%rem3A_541] : memref<3x!tpu.dma_semaphore, #tpu.memory_space<semaphore_mem>> -> memref<1x!tpu.dma_semaphore, #tpu.memory_space<semaphore_mem>>
        %dma_start3A_553 = tpu.memref_squeeze %dma_start3A_552 : memref<1x!tpu.dma_semaphore, #tpu.memory_space<semaphore_mem>> -> memref<!tpu.dma_semaphore, #tpu.memory_space<semaphore_mem>>
        %dma_start3A_554 = arith.constant 0 : i32
        %dma_start3A_555 = arith.constant 0 : i32
        %dma_start3A_556 = tpu.memref_slice %arg7[%rem3A_541, %dma_start3A_554, %dma_start3A_555] : memref<3x32x128xi32, #tpu.memory_space<vmem>> -> memref<1x32x128xi32, #tpu.memory_space<vmem>>
        %dma_start3A_557 = tpu.memref_squeeze %dma_start3A_556 : memref<1x32x128xi32, #tpu.memory_space<vmem>> -> memref<32x128xi32, #tpu.memory_space<vmem>>
        %dma_start3A_558 = arith.constant 0 : i32
        %dma_start3A_559 = tpu.memref_slice %arg4[%arg0, %add3A_544, %dma_start3A_558] : memref<2x2560x128xi32, #tpu.memory_space<hbm>> -> memref<1x32x128xi32, #tpu.memory_space<hbm>>
        %dma_start3A_560 = tpu.memref_squeeze %dma_start3A_559 : memref<1x32x128xi32, #tpu.memory_space<hbm>> -> memref<32x128xi32, #tpu.memory_space<hbm>>
        tpu.enqueue_dma source(%dma_start3A_560 : memref<32x128xi32, #tpu.memory_space<hbm>>) target(%dma_start3A_557 : memref<32x128xi32, #tpu.memory_space<vmem>>) target_semaphore(%dma_start3A_553 : memref<!tpu.dma_semaphore, #tpu.memory_space<semaphore_mem>>)
        %mul3A_561 = arith.constant 32 : i32
        %mul3A_562 = arith.muli %add3A_537, %mul3A_561 : i32
        %add3A_563 = arith.addi %mul3A_0, %mul3A_562 : i32
        %dma_start3A_564 = arith.constant 0 : i32
        %dma_start3A_565 = arith.constant 0 : i32
        %dma_start3A_566 = tpu.memref_slice %arg8[%rem3A_541, %dma_start3A_564, %dma_start3A_565] : memref<3x32x128xi32, #tpu.memory_space<vmem>> -> memref<1x32x128xi32, #tpu.memory_space<vmem>>
        %dma_start3A_567 = tpu.memref_squeeze %dma_start3A_566 : memref<1x32x128xi32, #tpu.memory_space<vmem>> -> memref<32x128xi32, #tpu.memory_space<vmem>>
        %dma_start3A_568 = arith.constant 0 : i32
        %dma_start3A_569 = tpu.memref_slice %arg5[%add3A_563, %dma_start3A_568] : memref<2560x128xi32, #tpu.memory_space<hbm>> -> memref<32x128xi32, #tpu.memory_space<hbm>>
        %dma_start3A_570 = tpu.memref_slice %arg11[%rem3A_541] : memref<3x!tpu.dma_semaphore, #tpu.memory_space<semaphore_mem>> -> memref<1x!tpu.dma_semaphore, #tpu.memory_space<semaphore_mem>>
        %dma_start3A_571 = tpu.memref_squeeze %dma_start3A_570 : memref<1x!tpu.dma_semaphore, #tpu.memory_space<semaphore_mem>> -> memref<!tpu.dma_semaphore, #tpu.memory_space<semaphore_mem>>
        %dma_start3A_572 = arith.constant 0 : i32
        %dma_start3A_573 = arith.constant 0 : i32
        %dma_start3A_574 = tpu.memref_slice %arg8[%rem3A_541, %dma_start3A_572, %dma_start3A_573] : memref<3x32x128xi32, #tpu.memory_space<vmem>> -> memref<1x32x128xi32, #tpu.memory_space<vmem>>
        %dma_start3A_575 = tpu.memref_squeeze %dma_start3A_574 : memref<1x32x128xi32, #tpu.memory_space<vmem>> -> memref<32x128xi32, #tpu.memory_space<vmem>>
        %dma_start3A_576 = arith.constant 0 : i32
        %dma_start3A_577 = tpu.memref_slice %arg5[%add3A_563, %dma_start3A_576] : memref<2560x128xi32, #tpu.memory_space<hbm>> -> memref<32x128xi32, #tpu.memory_space<hbm>>
        tpu.enqueue_dma source(%dma_start3A_577 : memref<32x128xi32, #tpu.memory_space<hbm>>) target(%dma_start3A_575 : memref<32x128xi32, #tpu.memory_space<vmem>>) target_semaphore(%dma_start3A_571 : memref<!tpu.dma_semaphore, #tpu.memory_space<semaphore_mem>>)
      } else {
      }
      %add3A_374 = arith.constant 3 : i32
      %add3A_375 = arith.addi %rem3A_268, %add3A_374 : i32
      %dma_start3A_376 = arith.constant 3 : i32
      %dma_start3A_377 = arith.constant 3 : i32
      %dma_start3A_378 = arith.constant 0 : i32
      %dma_start3A_379 = arith.constant 0 : i32
      %dma_start3A_380 = tpu.memref_slice %arg9[%dma_start3A_376, %dma_start3A_378, %dma_start3A_379] : memref<4x128x64xf32, #tpu.memory_space<vmem>> -> memref<1x128x64xf32, #tpu.memory_space<vmem>>
      %dma_start3A_381 = tpu.memref_squeeze %dma_start3A_380 : memref<1x128x64xf32, #tpu.memory_space<vmem>> -> memref<128x64xf32, #tpu.memory_space<vmem>>
      %dma_start3A_382 = arith.constant 0 : i32
      %dma_start3A_383 = tpu.memref_slice %arg7[%rem3A_287, %add3A_375, %dma_start3A_382] : memref<3x32x128xi32, #tpu.memory_space<vmem>> -> memref<1x1x128xi32, #tpu.memory_space<vmem>>
      %dma_start3A_384 = tpu.memref_squeeze %dma_start3A_383 : memref<1x1x128xi32, #tpu.memory_space<vmem>> -> memref<128xi32, #tpu.memory_space<vmem>>
      %dma_start3A_385 = arith.constant 0 : i32
      %dma_start3A_386 = arith.constant 0 : i32
      %dma_start3A_387 = tpu.memref_slice %arg2[%dma_start3A_385, %dma_start3A_386] : memref<20480x64xf32, #tpu.memory_space<hbm>> -> memref<20480x64xf32, #tpu.memory_space<hbm>>
      %dma_start3A_388 = tpu.memref_slice %arg12[%dma_start3A_377] : memref<4x!tpu.dma_semaphore, #tpu.memory_space<semaphore_mem>> -> memref<1x!tpu.dma_semaphore, #tpu.memory_space<semaphore_mem>>
      %dma_start3A_389 = tpu.memref_squeeze %dma_start3A_388 : memref<1x!tpu.dma_semaphore, #tpu.memory_space<semaphore_mem>> -> memref<!tpu.dma_semaphore, #tpu.memory_space<semaphore_mem>>
      tpu.enqueue_indirect_dma source(%dma_start3A_387 : memref<20480x64xf32, #tpu.memory_space<hbm>>) target(%dma_start3A_381 : memref<128x64xf32, #tpu.memory_space<vmem>>) offsets(%dma_start3A_384 : memref<128xi32, #tpu.memory_space<vmem>>) semaphore(%dma_start3A_389 : memref<!tpu.dma_semaphore, #tpu.memory_space<semaphore_mem>>)
      %add3A_390 = arith.constant 1 : i32
      %add3A_391 = arith.addi %rem3A_268, %add3A_390 : i32
      %dma_wait3A_392 = arith.constant 1 : i32
      %dma_wait3A_393 = arith.constant 1 : i32
      %dma_wait3A_394 = arith.constant 0 : i32
      %dma_wait3A_395 = arith.constant 0 : i32
      %dma_wait3A_396 = tpu.memref_slice %arg9[%dma_wait3A_392, %dma_wait3A_394, %dma_wait3A_395] : memref<4x128x64xf32, #tpu.memory_space<vmem>> -> memref<1x128x64xf32, #tpu.memory_space<vmem>>
      %dma_wait3A_397 = tpu.memref_squeeze %dma_wait3A_396 : memref<1x128x64xf32, #tpu.memory_space<vmem>> -> memref<128x64xf32, #tpu.memory_space<vmem>>
      %dma_wait3A_398 = arith.constant 0 : i32
      %dma_wait3A_399 = tpu.memref_slice %arg7[%rem3A_287, %add3A_391, %dma_wait3A_398] : memref<3x32x128xi32, #tpu.memory_space<vmem>> -> memref<1x1x128xi32, #tpu.memory_space<vmem>>
      %dma_wait3A_400 = tpu.memref_squeeze %dma_wait3A_399 : memref<1x1x128xi32, #tpu.memory_space<vmem>> -> memref<128xi32, #tpu.memory_space<vmem>>
      %dma_wait3A_401 = arith.constant 0 : i32
      %dma_wait3A_402 = arith.constant 0 : i32
      %dma_wait3A_403 = tpu.memref_slice %arg2[%dma_wait3A_401, %dma_wait3A_402] : memref<20480x64xf32, #tpu.memory_space<hbm>> -> memref<20480x64xf32, #tpu.memory_space<hbm>>
      %dma_wait3A_404 = tpu.memref_slice %arg12[%dma_wait3A_393] : memref<4x!tpu.dma_semaphore, #tpu.memory_space<semaphore_mem>> -> memref<1x!tpu.dma_semaphore, #tpu.memory_space<semaphore_mem>>
      %dma_wait3A_405 = tpu.memref_squeeze %dma_wait3A_404 : memref<1x!tpu.dma_semaphore, #tpu.memory_space<semaphore_mem>> -> memref<!tpu.dma_semaphore, #tpu.memory_space<semaphore_mem>>
      tpu.wait_indirect_dma semaphore(%dma_wait3A_405 : memref<!tpu.dma_semaphore, #tpu.memory_space<semaphore_mem>>) src(%dma_wait3A_403 : memref<20480x64xf32, #tpu.memory_space<hbm>>) dst(%dma_wait3A_397 : memref<128x64xf32, #tpu.memory_space<vmem>>)
      %add3A_406 = arith.constant 1 : i32
      %add3A_407 = arith.addi %rem3A_268, %add3A_406 : i32
      %dma_start3A_408 = arith.constant 1 : i32
      %dma_start3A_409 = arith.constant 1 : i32
      %dma_start3A_410 = arith.constant 0 : i32
      %dma_start3A_411 = arith.constant 0 : i32
      %dma_start3A_412 = tpu.memref_slice %arg9[%dma_start3A_408, %dma_start3A_410, %dma_start3A_411] : memref<4x128x64xf32, #tpu.memory_space<vmem>> -> memref<1x128x64xf32, #tpu.memory_space<vmem>>
      %dma_start3A_413 = tpu.memref_squeeze %dma_start3A_412 : memref<1x128x64xf32, #tpu.memory_space<vmem>> -> memref<128x64xf32, #tpu.memory_space<vmem>>
      %dma_start3A_414 = arith.constant 0 : i32
      %dma_start3A_415 = tpu.memref_slice %arg8[%rem3A_287, %add3A_407, %dma_start3A_414] : memref<3x32x128xi32, #tpu.memory_space<vmem>> -> memref<1x1x128xi32, #tpu.memory_space<vmem>>
      %dma_start3A_416 = tpu.memref_squeeze %dma_start3A_415 : memref<1x1x128xi32, #tpu.memory_space<vmem>> -> memref<128xi32, #tpu.memory_space<vmem>>
      %dma_start3A_417 = arith.constant 0 : i32
      %dma_start3A_418 = arith.constant 0 : i32
      %dma_start3A_419 = tpu.memref_slice %arg10[%dma_start3A_417, %dma_start3A_418] : memref<10240x64xf32, #tpu.memory_space<vmem_shared>> -> memref<10240x64xf32, #tpu.memory_space<vmem_shared>>
      %dma_start3A_420 = tpu.memref_slice %arg13[%dma_start3A_409] : memref<4x!tpu.dma_semaphore, #tpu.memory_space<semaphore_mem>> -> memref<1x!tpu.dma_semaphore, #tpu.memory_space<semaphore_mem>>
      %dma_start3A_421 = tpu.memref_squeeze %dma_start3A_420 : memref<1x!tpu.dma_semaphore, #tpu.memory_space<semaphore_mem>> -> memref<!tpu.dma_semaphore, #tpu.memory_space<semaphore_mem>>
      tpu.enqueue_indirect_dma source(%dma_start3A_413 : memref<128x64xf32, #tpu.memory_space<vmem>>) target(%dma_start3A_419 : memref<10240x64xf32, #tpu.memory_space<vmem_shared>>) offsets(%dma_start3A_416 : memref<128xi32, #tpu.memory_space<vmem>>) semaphore(%dma_start3A_421 : memref<!tpu.dma_semaphore, #tpu.memory_space<semaphore_mem>>) {add = true}
      %dma_wait3A_422 = arith.constant 0 : i32
      %dma_wait3A_423 = arith.constant 0 : i32
      %dma_wait3A_424 = arith.constant 0 : i32
      %dma_wait3A_425 = arith.constant 0 : i32
      %dma_wait3A_426 = tpu.memref_slice %arg9[%dma_wait3A_422, %dma_wait3A_424, %dma_wait3A_425] : memref<4x128x64xf32, #tpu.memory_space<vmem>> -> memref<1x128x64xf32, #tpu.memory_space<vmem>>
      %dma_wait3A_427 = tpu.memref_squeeze %dma_wait3A_426 : memref<1x128x64xf32, #tpu.memory_space<vmem>> -> memref<128x64xf32, #tpu.memory_space<vmem>>
      %dma_wait3A_428 = arith.constant 0 : i32
      %dma_wait3A_429 = tpu.memref_slice %arg8[%rem3A_287, %rem3A_268, %dma_wait3A_428] : memref<3x32x128xi32, #tpu.memory_space<vmem>> -> memref<1x1x128xi32, #tpu.memory_space<vmem>>
      %dma_wait3A_430 = tpu.memref_squeeze %dma_wait3A_429 : memref<1x1x128xi32, #tpu.memory_space<vmem>> -> memref<128xi32, #tpu.memory_space<vmem>>
      %dma_wait3A_431 = arith.constant 0 : i32
      %dma_wait3A_432 = arith.constant 0 : i32
      %dma_wait3A_433 = tpu.memref_slice %arg10[%dma_wait3A_431, %dma_wait3A_432] : memref<10240x64xf32, #tpu.memory_space<vmem_shared>> -> memref<10240x64xf32, #tpu.memory_space<vmem_shared>>
      %dma_wait3A_434 = tpu.memref_slice %arg13[%dma_wait3A_423] : memref<4x!tpu.dma_semaphore, #tpu.memory_space<semaphore_mem>> -> memref<1x!tpu.dma_semaphore, #tpu.memory_space<semaphore_mem>>
      %dma_wait3A_435 = tpu.memref_squeeze %dma_wait3A_434 : memref<1x!tpu.dma_semaphore, #tpu.memory_space<semaphore_mem>> -> memref<!tpu.dma_semaphore, #tpu.memory_space<semaphore_mem>>
      tpu.wait_indirect_dma semaphore(%dma_wait3A_435 : memref<!tpu.dma_semaphore, #tpu.memory_space<semaphore_mem>>) src(%dma_wait3A_427 : memref<128x64xf32, #tpu.memory_space<vmem>>) dst(%dma_wait3A_433 : memref<10240x64xf32, #tpu.memory_space<vmem_shared>>)
      %add3A_436 = arith.constant 1 : i32
      %add3A_437 = arith.addi %select_n3A, %add3A_436 : i32
      %lt3A_438 = arith.constant 5 : i32
      %lt3A_439 = arith.cmpi slt, %add3A_437, %lt3A_438 : i32
      %and3A_440 = arith.andi %eq3A_292, %lt3A_439 : i1
      %convert_element_type3A_441 = arith.extui %and3A_440 : i1 to i32
      %cond3A_442 = arith.constant 0 : i32
      %cond3A_443 = arith.cmpi ne, %convert_element_type3A_441, %cond3A_442 : i32
      scf.if %cond3A_443 {
        %add3A_536 = arith.constant 1 : i32
        %add3A_537 = arith.addi %select_n3A, %add3A_536 : i32
        %mul3A_538 = arith.constant 32 : i32
        %mul3A_539 = arith.muli %add3A_537, %mul3A_538 : i32
        %add3A_540 = arith.addi %mul3A_0, %mul3A_539 : i32
        %dma_wait3A_541 = arith.constant 0 : i32
        %dma_wait3A_542 = arith.constant 0 : i32
        %dma_wait3A_543 = tpu.memref_slice %arg7[%rem3A_291, %dma_wait3A_541, %dma_wait3A_542] : memref<3x32x128xi32, #tpu.memory_space<vmem>> -> memref<1x32x128xi32, #tpu.memory_space<vmem>>
        %dma_wait3A_544 = tpu.memref_squeeze %dma_wait3A_543 : memref<1x32x128xi32, #tpu.memory_space<vmem>> -> memref<32x128xi32, #tpu.memory_space<vmem>>
        %dma_wait3A_545 = arith.constant 0 : i32
        %dma_wait3A_546 = tpu.memref_slice %arg4[%arg0, %add3A_540, %dma_wait3A_545] : memref<2x2560x128xi32, #tpu.memory_space<hbm>> -> memref<1x32x128xi32, #tpu.memory_space<hbm>>
        %dma_wait3A_547 = tpu.memref_squeeze %dma_wait3A_546 : memref<1x32x128xi32, #tpu.memory_space<hbm>> -> memref<32x128xi32, #tpu.memory_space<hbm>>
        %dma_wait3A_548 = tpu.memref_slice %arg11[%rem3A_291] : memref<3x!tpu.dma_semaphore, #tpu.memory_space<semaphore_mem>> -> memref<1x!tpu.dma_semaphore, #tpu.memory_space<semaphore_mem>>
        %dma_wait3A_549 = tpu.memref_squeeze %dma_wait3A_548 : memref<1x!tpu.dma_semaphore, #tpu.memory_space<semaphore_mem>> -> memref<!tpu.dma_semaphore, #tpu.memory_space<semaphore_mem>>
        %dma_wait3A_550 = arith.constant 0 : i32
        %dma_wait3A_551 = arith.constant 0 : i32
        %dma_wait3A_552 = tpu.memref_slice %arg7[%rem3A_291, %dma_wait3A_550, %dma_wait3A_551] : memref<3x32x128xi32, #tpu.memory_space<vmem>> -> memref<1x32x128xi32, #tpu.memory_space<vmem>>
        %dma_wait3A_553 = tpu.memref_squeeze %dma_wait3A_552 : memref<1x32x128xi32, #tpu.memory_space<vmem>> -> memref<32x128xi32, #tpu.memory_space<vmem>>
        %dma_wait3A_554 = arith.constant 0 : i32
        %dma_wait3A_555 = tpu.memref_slice %arg4[%arg0, %add3A_540, %dma_wait3A_554] : memref<2x2560x128xi32, #tpu.memory_space<hbm>> -> memref<1x32x128xi32, #tpu.memory_space<hbm>>
        %dma_wait3A_556 = tpu.memref_squeeze %dma_wait3A_555 : memref<1x32x128xi32, #tpu.memory_space<hbm>> -> memref<32x128xi32, #tpu.memory_space<hbm>>
        tpu.wait_dma2 semaphore(%dma_wait3A_549 : memref<!tpu.dma_semaphore, #tpu.memory_space<semaphore_mem>>) src(%dma_wait3A_556 : memref<32x128xi32, #tpu.memory_space<hbm>>) dst(%dma_wait3A_553 : memref<32x128xi32, #tpu.memory_space<vmem>>)
        %mul3A_557 = arith.constant 32 : i32
        %mul3A_558 = arith.muli %add3A_537, %mul3A_557 : i32
        %add3A_559 = arith.addi %mul3A_0, %mul3A_558 : i32
        %dma_wait3A_560 = arith.constant 0 : i32
        %dma_wait3A_561 = arith.constant 0 : i32
        %dma_wait3A_562 = tpu.memref_slice %arg8[%rem3A_291, %dma_wait3A_560, %dma_wait3A_561] : memref<3x32x128xi32, #tpu.memory_space<vmem>> -> memref<1x32x128xi32, #tpu.memory_space<vmem>>
        %dma_wait3A_563 = tpu.memref_squeeze %dma_wait3A_562 : memref<1x32x128xi32, #tpu.memory_space<vmem>> -> memref<32x128xi32, #tpu.memory_space<vmem>>
        %dma_wait3A_564 = arith.constant 0 : i32
        %dma_wait3A_565 = tpu.memref_slice %arg5[%add3A_559, %dma_wait3A_564] : memref<2560x128xi32, #tpu.memory_space<hbm>> -> memref<32x128xi32, #tpu.memory_space<hbm>>
        %dma_wait3A_566 = tpu.memref_slice %arg11[%rem3A_291] : memref<3x!tpu.dma_semaphore, #tpu.memory_space<semaphore_mem>> -> memref<1x!tpu.dma_semaphore, #tpu.memory_space<semaphore_mem>>
        %dma_wait3A_567 = tpu.memref_squeeze %dma_wait3A_566 : memref<1x!tpu.dma_semaphore, #tpu.memory_space<semaphore_mem>> -> memref<!tpu.dma_semaphore, #tpu.memory_space<semaphore_mem>>
        %dma_wait3A_568 = arith.constant 0 : i32
        %dma_wait3A_569 = arith.constant 0 : i32
        %dma_wait3A_570 = tpu.memref_slice %arg8[%rem3A_291, %dma_wait3A_568, %dma_wait3A_569] : memref<3x32x128xi32, #tpu.memory_space<vmem>> -> memref<1x32x128xi32, #tpu.memory_space<vmem>>
        %dma_wait3A_571 = tpu.memref_squeeze %dma_wait3A_570 : memref<1x32x128xi32, #tpu.memory_space<vmem>> -> memref<32x128xi32, #tpu.memory_space<vmem>>
        %dma_wait3A_572 = arith.constant 0 : i32
        %dma_wait3A_573 = tpu.memref_slice %arg5[%add3A_559, %dma_wait3A_572] : memref<2560x128xi32, #tpu.memory_space<hbm>> -> memref<32x128xi32, #tpu.memory_space<hbm>>
        tpu.wait_dma2 semaphore(%dma_wait3A_567 : memref<!tpu.dma_semaphore, #tpu.memory_space<semaphore_mem>>) src(%dma_wait3A_573 : memref<32x128xi32, #tpu.memory_space<hbm>>) dst(%dma_wait3A_571 : memref<32x128xi32, #tpu.memory_space<vmem>>)
      } else {
      }
      %add3A_444 = arith.constant 4 : i32
      %add3A_445 = arith.addi %mul3A_267, %add3A_444 : i32
      %lt3A_446 = arith.constant 160 : i32
      %lt3A_447 = arith.cmpi slt, %add3A_445, %lt3A_446 : i32
      %convert_element_type3A_448 = arith.extui %lt3A_447 : i1 to i32
      %cond3A_449 = arith.constant 0 : i32
      %cond3A_450 = arith.cmpi ne, %convert_element_type3A_448, %cond3A_449 : i32
      scf.if %cond3A_450 {
        %select_n3A_536 = arith.select %eq3A_292, %rem3A_291, %rem3A_287 : i32
        %add3A_537 = arith.constant 4 : i32
        %add3A_538 = arith.addi %rem3A_268, %add3A_537 : i32
        %jit3A_539 = arith.constant 0 : i32
        %select_n3A_540 = arith.select %eq3A_292, %jit3A_539, %add3A_538 : i32
        %dma_start3A_541 = arith.constant 0 : i32
        %dma_start3A_542 = arith.constant 0 : i32
        %dma_start3A_543 = arith.constant 0 : i32
        %dma_start3A_544 = arith.constant 0 : i32
        %dma_start3A_545 = tpu.memref_slice %arg9[%dma_start3A_541, %dma_start3A_543, %dma_start3A_544] : memref<4x128x64xf32, #tpu.memory_space<vmem>> -> memref<1x128x64xf32, #tpu.memory_space<vmem>>
        %dma_start3A_546 = tpu.memref_squeeze %dma_start3A_545 : memref<1x128x64xf32, #tpu.memory_space<vmem>> -> memref<128x64xf32, #tpu.memory_space<vmem>>
        %dma_start3A_547 = arith.constant 0 : i32
        %dma_start3A_548 = tpu.memref_slice %arg7[%select_n3A_536, %select_n3A_540, %dma_start3A_547] : memref<3x32x128xi32, #tpu.memory_space<vmem>> -> memref<1x1x128xi32, #tpu.memory_space<vmem>>
        %dma_start3A_549 = tpu.memref_squeeze %dma_start3A_548 : memref<1x1x128xi32, #tpu.memory_space<vmem>> -> memref<128xi32, #tpu.memory_space<vmem>>
        %dma_start3A_550 = arith.constant 0 : i32
        %dma_start3A_551 = arith.constant 0 : i32
        %dma_start3A_552 = tpu.memref_slice %arg2[%dma_start3A_550, %dma_start3A_551] : memref<20480x64xf32, #tpu.memory_space<hbm>> -> memref<20480x64xf32, #tpu.memory_space<hbm>>
        %dma_start3A_553 = tpu.memref_slice %arg12[%dma_start3A_542] : memref<4x!tpu.dma_semaphore, #tpu.memory_space<semaphore_mem>> -> memref<1x!tpu.dma_semaphore, #tpu.memory_space<semaphore_mem>>
        %dma_start3A_554 = tpu.memref_squeeze %dma_start3A_553 : memref<1x!tpu.dma_semaphore, #tpu.memory_space<semaphore_mem>> -> memref<!tpu.dma_semaphore, #tpu.memory_space<semaphore_mem>>
        tpu.enqueue_indirect_dma source(%dma_start3A_552 : memref<20480x64xf32, #tpu.memory_space<hbm>>) target(%dma_start3A_546 : memref<128x64xf32, #tpu.memory_space<vmem>>) offsets(%dma_start3A_549 : memref<128xi32, #tpu.memory_space<vmem>>) semaphore(%dma_start3A_554 : memref<!tpu.dma_semaphore, #tpu.memory_space<semaphore_mem>>)
      } else {
      }
      %add3A_451 = arith.constant 2 : i32
      %add3A_452 = arith.addi %rem3A_268, %add3A_451 : i32
      %dma_wait3A_453 = arith.constant 2 : i32
      %dma_wait3A_454 = arith.constant 2 : i32
      %dma_wait3A_455 = arith.constant 0 : i32
      %dma_wait3A_456 = arith.constant 0 : i32
      %dma_wait3A_457 = tpu.memref_slice %arg9[%dma_wait3A_453, %dma_wait3A_455, %dma_wait3A_456] : memref<4x128x64xf32, #tpu.memory_space<vmem>> -> memref<1x128x64xf32, #tpu.memory_space<vmem>>
      %dma_wait3A_458 = tpu.memref_squeeze %dma_wait3A_457 : memref<1x128x64xf32, #tpu.memory_space<vmem>> -> memref<128x64xf32, #tpu.memory_space<vmem>>
      %dma_wait3A_459 = arith.constant 0 : i32
      %dma_wait3A_460 = tpu.memref_slice %arg7[%rem3A_287, %add3A_452, %dma_wait3A_459] : memref<3x32x128xi32, #tpu.memory_space<vmem>> -> memref<1x1x128xi32, #tpu.memory_space<vmem>>
      %dma_wait3A_461 = tpu.memref_squeeze %dma_wait3A_460 : memref<1x1x128xi32, #tpu.memory_space<vmem>> -> memref<128xi32, #tpu.memory_space<vmem>>
      %dma_wait3A_462 = arith.constant 0 : i32
      %dma_wait3A_463 = arith.constant 0 : i32
      %dma_wait3A_464 = tpu.memref_slice %arg2[%dma_wait3A_462, %dma_wait3A_463] : memref<20480x64xf32, #tpu.memory_space<hbm>> -> memref<20480x64xf32, #tpu.memory_space<hbm>>
      %dma_wait3A_465 = tpu.memref_slice %arg12[%dma_wait3A_454] : memref<4x!tpu.dma_semaphore, #tpu.memory_space<semaphore_mem>> -> memref<1x!tpu.dma_semaphore, #tpu.memory_space<semaphore_mem>>
      %dma_wait3A_466 = tpu.memref_squeeze %dma_wait3A_465 : memref<1x!tpu.dma_semaphore, #tpu.memory_space<semaphore_mem>> -> memref<!tpu.dma_semaphore, #tpu.memory_space<semaphore_mem>>
      tpu.wait_indirect_dma semaphore(%dma_wait3A_466 : memref<!tpu.dma_semaphore, #tpu.memory_space<semaphore_mem>>) src(%dma_wait3A_464 : memref<20480x64xf32, #tpu.memory_space<hbm>>) dst(%dma_wait3A_458 : memref<128x64xf32, #tpu.memory_space<vmem>>)
      %add3A_467 = arith.constant 2 : i32
      %add3A_468 = arith.addi %rem3A_268, %add3A_467 : i32
      %dma_start3A_469 = arith.constant 2 : i32
      %dma_start3A_470 = arith.constant 2 : i32
      %dma_start3A_471 = arith.constant 0 : i32
      %dma_start3A_472 = arith.constant 0 : i32
      %dma_start3A_473 = tpu.memref_slice %arg9[%dma_start3A_469, %dma_start3A_471, %dma_start3A_472] : memref<4x128x64xf32, #tpu.memory_space<vmem>> -> memref<1x128x64xf32, #tpu.memory_space<vmem>>
      %dma_start3A_474 = tpu.memref_squeeze %dma_start3A_473 : memref<1x128x64xf32, #tpu.memory_space<vmem>> -> memref<128x64xf32, #tpu.memory_space<vmem>>
      %dma_start3A_475 = arith.constant 0 : i32
      %dma_start3A_476 = tpu.memref_slice %arg8[%rem3A_287, %add3A_468, %dma_start3A_475] : memref<3x32x128xi32, #tpu.memory_space<vmem>> -> memref<1x1x128xi32, #tpu.memory_space<vmem>>
      %dma_start3A_477 = tpu.memref_squeeze %dma_start3A_476 : memref<1x1x128xi32, #tpu.memory_space<vmem>> -> memref<128xi32, #tpu.memory_space<vmem>>
      %dma_start3A_478 = arith.constant 0 : i32
      %dma_start3A_479 = arith.constant 0 : i32
      %dma_start3A_480 = tpu.memref_slice %arg10[%dma_start3A_478, %dma_start3A_479] : memref<10240x64xf32, #tpu.memory_space<vmem_shared>> -> memref<10240x64xf32, #tpu.memory_space<vmem_shared>>
      %dma_start3A_481 = tpu.memref_slice %arg13[%dma_start3A_470] : memref<4x!tpu.dma_semaphore, #tpu.memory_space<semaphore_mem>> -> memref<1x!tpu.dma_semaphore, #tpu.memory_space<semaphore_mem>>
      %dma_start3A_482 = tpu.memref_squeeze %dma_start3A_481 : memref<1x!tpu.dma_semaphore, #tpu.memory_space<semaphore_mem>> -> memref<!tpu.dma_semaphore, #tpu.memory_space<semaphore_mem>>
      tpu.enqueue_indirect_dma source(%dma_start3A_474 : memref<128x64xf32, #tpu.memory_space<vmem>>) target(%dma_start3A_480 : memref<10240x64xf32, #tpu.memory_space<vmem_shared>>) offsets(%dma_start3A_477 : memref<128xi32, #tpu.memory_space<vmem>>) semaphore(%dma_start3A_482 : memref<!tpu.dma_semaphore, #tpu.memory_space<semaphore_mem>>) {add = true}
      %dma_wait3A_483 = arith.constant 1 : i32
      %dma_wait3A_484 = arith.constant 1 : i32
      %dma_wait3A_485 = arith.constant 0 : i32
      %dma_wait3A_486 = arith.constant 0 : i32
      %dma_wait3A_487 = tpu.memref_slice %arg9[%dma_wait3A_483, %dma_wait3A_485, %dma_wait3A_486] : memref<4x128x64xf32, #tpu.memory_space<vmem>> -> memref<1x128x64xf32, #tpu.memory_space<vmem>>
      %dma_wait3A_488 = tpu.memref_squeeze %dma_wait3A_487 : memref<1x128x64xf32, #tpu.memory_space<vmem>> -> memref<128x64xf32, #tpu.memory_space<vmem>>
      %dma_wait3A_489 = arith.constant 0 : i32
      %dma_wait3A_490 = tpu.memref_slice %arg8[%rem3A_287, %rem3A_268, %dma_wait3A_489] : memref<3x32x128xi32, #tpu.memory_space<vmem>> -> memref<1x1x128xi32, #tpu.memory_space<vmem>>
      %dma_wait3A_491 = tpu.memref_squeeze %dma_wait3A_490 : memref<1x1x128xi32, #tpu.memory_space<vmem>> -> memref<128xi32, #tpu.memory_space<vmem>>
      %dma_wait3A_492 = arith.constant 0 : i32
      %dma_wait3A_493 = arith.constant 0 : i32
      %dma_wait3A_494 = tpu.memref_slice %arg10[%dma_wait3A_492, %dma_wait3A_493] : memref<10240x64xf32, #tpu.memory_space<vmem_shared>> -> memref<10240x64xf32, #tpu.memory_space<vmem_shared>>
      %dma_wait3A_495 = tpu.memref_slice %arg13[%dma_wait3A_484] : memref<4x!tpu.dma_semaphore, #tpu.memory_space<semaphore_mem>> -> memref<1x!tpu.dma_semaphore, #tpu.memory_space<semaphore_mem>>
      %dma_wait3A_496 = tpu.memref_squeeze %dma_wait3A_495 : memref<1x!tpu.dma_semaphore, #tpu.memory_space<semaphore_mem>> -> memref<!tpu.dma_semaphore, #tpu.memory_space<semaphore_mem>>
      tpu.wait_indirect_dma semaphore(%dma_wait3A_496 : memref<!tpu.dma_semaphore, #tpu.memory_space<semaphore_mem>>) src(%dma_wait3A_488 : memref<128x64xf32, #tpu.memory_space<vmem>>) dst(%dma_wait3A_494 : memref<10240x64xf32, #tpu.memory_space<vmem_shared>>)
      %add3A_497 = arith.constant 5 : i32
      %add3A_498 = arith.addi %mul3A_267, %add3A_497 : i32
      %lt3A_499 = arith.constant 160 : i32
      %lt3A_500 = arith.cmpi slt, %add3A_498, %lt3A_499 : i32
      %convert_element_type3A_501 = arith.extui %lt3A_500 : i1 to i32
      %cond3A_502 = arith.constant 0 : i32
      %cond3A_503 = arith.cmpi ne, %convert_element_type3A_501, %cond3A_502 : i32
      scf.if %cond3A_503 {
        %select_n3A_536 = arith.select %eq3A_292, %rem3A_291, %rem3A_287 : i32
        %add3A_537 = arith.constant 5 : i32
        %add3A_538 = arith.addi %rem3A_268, %add3A_537 : i32
        %jit3A_539 = arith.constant 1 : i32
        %select_n3A_540 = arith.select %eq3A_292, %jit3A_539, %add3A_538 : i32
        %dma_start3A_541 = arith.constant 1 : i32
        %dma_start3A_542 = arith.constant 1 : i32
        %dma_start3A_543 = arith.constant 0 : i32
        %dma_start3A_544 = arith.constant 0 : i32
        %dma_start3A_545 = tpu.memref_slice %arg9[%dma_start3A_541, %dma_start3A_543, %dma_start3A_544] : memref<4x128x64xf32, #tpu.memory_space<vmem>> -> memref<1x128x64xf32, #tpu.memory_space<vmem>>
        %dma_start3A_546 = tpu.memref_squeeze %dma_start3A_545 : memref<1x128x64xf32, #tpu.memory_space<vmem>> -> memref<128x64xf32, #tpu.memory_space<vmem>>
        %dma_start3A_547 = arith.constant 0 : i32
        %dma_start3A_548 = tpu.memref_slice %arg7[%select_n3A_536, %select_n3A_540, %dma_start3A_547] : memref<3x32x128xi32, #tpu.memory_space<vmem>> -> memref<1x1x128xi32, #tpu.memory_space<vmem>>
        %dma_start3A_549 = tpu.memref_squeeze %dma_start3A_548 : memref<1x1x128xi32, #tpu.memory_space<vmem>> -> memref<128xi32, #tpu.memory_space<vmem>>
        %dma_start3A_550 = arith.constant 0 : i32
        %dma_start3A_551 = arith.constant 0 : i32
        %dma_start3A_552 = tpu.memref_slice %arg2[%dma_start3A_550, %dma_start3A_551] : memref<20480x64xf32, #tpu.memory_space<hbm>> -> memref<20480x64xf32, #tpu.memory_space<hbm>>
        %dma_start3A_553 = tpu.memref_slice %arg12[%dma_start3A_542] : memref<4x!tpu.dma_semaphore, #tpu.memory_space<semaphore_mem>> -> memref<1x!tpu.dma_semaphore, #tpu.memory_space<semaphore_mem>>
        %dma_start3A_554 = tpu.memref_squeeze %dma_start3A_553 : memref<1x!tpu.dma_semaphore, #tpu.memory_space<semaphore_mem>> -> memref<!tpu.dma_semaphore, #tpu.memory_space<semaphore_mem>>
        tpu.enqueue_indirect_dma source(%dma_start3A_552 : memref<20480x64xf32, #tpu.memory_space<hbm>>) target(%dma_start3A_546 : memref<128x64xf32, #tpu.memory_space<vmem>>) offsets(%dma_start3A_549 : memref<128xi32, #tpu.memory_space<vmem>>) semaphore(%dma_start3A_554 : memref<!tpu.dma_semaphore, #tpu.memory_space<semaphore_mem>>)
      } else {
      }
      %add3A_504 = arith.constant 3 : i32
      %add3A_505 = arith.addi %rem3A_268, %add3A_504 : i32
      %dma_wait3A_506 = arith.constant 3 : i32
      %dma_wait3A_507 = arith.constant 3 : i32
      %dma_wait3A_508 = arith.constant 0 : i32
      %dma_wait3A_509 = arith.constant 0 : i32
      %dma_wait3A_510 = tpu.memref_slice %arg9[%dma_wait3A_506, %dma_wait3A_508, %dma_wait3A_509] : memref<4x128x64xf32, #tpu.memory_space<vmem>> -> memref<1x128x64xf32, #tpu.memory_space<vmem>>
      %dma_wait3A_511 = tpu.memref_squeeze %dma_wait3A_510 : memref<1x128x64xf32, #tpu.memory_space<vmem>> -> memref<128x64xf32, #tpu.memory_space<vmem>>
      %dma_wait3A_512 = arith.constant 0 : i32
      %dma_wait3A_513 = tpu.memref_slice %arg7[%rem3A_287, %add3A_505, %dma_wait3A_512] : memref<3x32x128xi32, #tpu.memory_space<vmem>> -> memref<1x1x128xi32, #tpu.memory_space<vmem>>
      %dma_wait3A_514 = tpu.memref_squeeze %dma_wait3A_513 : memref<1x1x128xi32, #tpu.memory_space<vmem>> -> memref<128xi32, #tpu.memory_space<vmem>>
      %dma_wait3A_515 = arith.constant 0 : i32
      %dma_wait3A_516 = arith.constant 0 : i32
      %dma_wait3A_517 = tpu.memref_slice %arg2[%dma_wait3A_515, %dma_wait3A_516] : memref<20480x64xf32, #tpu.memory_space<hbm>> -> memref<20480x64xf32, #tpu.memory_space<hbm>>
      %dma_wait3A_518 = tpu.memref_slice %arg12[%dma_wait3A_507] : memref<4x!tpu.dma_semaphore, #tpu.memory_space<semaphore_mem>> -> memref<1x!tpu.dma_semaphore, #tpu.memory_space<semaphore_mem>>
      %dma_wait3A_519 = tpu.memref_squeeze %dma_wait3A_518 : memref<1x!tpu.dma_semaphore, #tpu.memory_space<semaphore_mem>> -> memref<!tpu.dma_semaphore, #tpu.memory_space<semaphore_mem>>
      tpu.wait_indirect_dma semaphore(%dma_wait3A_519 : memref<!tpu.dma_semaphore, #tpu.memory_space<semaphore_mem>>) src(%dma_wait3A_517 : memref<20480x64xf32, #tpu.memory_space<hbm>>) dst(%dma_wait3A_511 : memref<128x64xf32, #tpu.memory_space<vmem>>)
      %add3A_520 = arith.constant 3 : i32
      %add3A_521 = arith.addi %rem3A_268, %add3A_520 : i32
      %dma_start3A_522 = arith.constant 3 : i32
      %dma_start3A_523 = arith.constant 3 : i32
      %dma_start3A_524 = arith.constant 0 : i32
      %dma_start3A_525 = arith.constant 0 : i32
      %dma_start3A_526 = tpu.memref_slice %arg9[%dma_start3A_522, %dma_start3A_524, %dma_start3A_525] : memref<4x128x64xf32, #tpu.memory_space<vmem>> -> memref<1x128x64xf32, #tpu.memory_space<vmem>>
      %dma_start3A_527 = tpu.memref_squeeze %dma_start3A_526 : memref<1x128x64xf32, #tpu.memory_space<vmem>> -> memref<128x64xf32, #tpu.memory_space<vmem>>
      %dma_start3A_528 = arith.constant 0 : i32
      %dma_start3A_529 = tpu.memref_slice %arg8[%rem3A_287, %add3A_521, %dma_start3A_528] : memref<3x32x128xi32, #tpu.memory_space<vmem>> -> memref<1x1x128xi32, #tpu.memory_space<vmem>>
      %dma_start3A_530 = tpu.memref_squeeze %dma_start3A_529 : memref<1x1x128xi32, #tpu.memory_space<vmem>> -> memref<128xi32, #tpu.memory_space<vmem>>
      %dma_start3A_531 = arith.constant 0 : i32
      %dma_start3A_532 = arith.constant 0 : i32
      %dma_start3A_533 = tpu.memref_slice %arg10[%dma_start3A_531, %dma_start3A_532] : memref<10240x64xf32, #tpu.memory_space<vmem_shared>> -> memref<10240x64xf32, #tpu.memory_space<vmem_shared>>
      %dma_start3A_534 = tpu.memref_slice %arg13[%dma_start3A_523] : memref<4x!tpu.dma_semaphore, #tpu.memory_space<semaphore_mem>> -> memref<1x!tpu.dma_semaphore, #tpu.memory_space<semaphore_mem>>
      %dma_start3A_535 = tpu.memref_squeeze %dma_start3A_534 : memref<1x!tpu.dma_semaphore, #tpu.memory_space<semaphore_mem>> -> memref<!tpu.dma_semaphore, #tpu.memory_space<semaphore_mem>>
      tpu.enqueue_indirect_dma source(%dma_start3A_527 : memref<128x64xf32, #tpu.memory_space<vmem>>) target(%dma_start3A_533 : memref<10240x64xf32, #tpu.memory_space<vmem_shared>>) offsets(%dma_start3A_530 : memref<128xi32, #tpu.memory_space<vmem>>) semaphore(%dma_start3A_535 : memref<!tpu.dma_semaphore, #tpu.memory_space<semaphore_mem>>) {add = true}
    }
    %scan3A_225 = arith.constant 40 : i32
    %dma_wait3A_226 = arith.constant 2 : i32
    %dma_wait3A_227 = arith.constant 0 : i32
    %dma_wait3A_228 = arith.constant 0 : i32
    %dma_wait3A_229 = arith.constant 2 : i32
    %dma_wait3A_230 = arith.constant 0 : i32
    %dma_wait3A_231 = arith.constant 0 : i32
    %dma_wait3A_232 = tpu.memref_slice %arg9[%dma_wait3A_226, %dma_wait3A_230, %dma_wait3A_231] : memref<4x128x64xf32, #tpu.memory_space<vmem>> -> memref<1x128x64xf32, #tpu.memory_space<vmem>>
    %dma_wait3A_233 = tpu.memref_squeeze %dma_wait3A_232 : memref<1x128x64xf32, #tpu.memory_space<vmem>> -> memref<128x64xf32, #tpu.memory_space<vmem>>
    %dma_wait3A_234 = arith.constant 0 : i32
    %dma_wait3A_235 = tpu.memref_slice %arg8[%dma_wait3A_227, %dma_wait3A_228, %dma_wait3A_234] : memref<3x32x128xi32, #tpu.memory_space<vmem>> -> memref<1x1x128xi32, #tpu.memory_space<vmem>>
    %dma_wait3A_236 = tpu.memref_squeeze %dma_wait3A_235 : memref<1x1x128xi32, #tpu.memory_space<vmem>> -> memref<128xi32, #tpu.memory_space<vmem>>
    %dma_wait3A_237 = arith.constant 0 : i32
    %dma_wait3A_238 = arith.constant 0 : i32
    %dma_wait3A_239 = tpu.memref_slice %arg10[%dma_wait3A_237, %dma_wait3A_238] : memref<10240x64xf32, #tpu.memory_space<vmem_shared>> -> memref<10240x64xf32, #tpu.memory_space<vmem_shared>>
    %dma_wait3A_240 = tpu.memref_slice %arg13[%dma_wait3A_229] : memref<4x!tpu.dma_semaphore, #tpu.memory_space<semaphore_mem>> -> memref<1x!tpu.dma_semaphore, #tpu.memory_space<semaphore_mem>>
    %dma_wait3A_241 = tpu.memref_squeeze %dma_wait3A_240 : memref<1x!tpu.dma_semaphore, #tpu.memory_space<semaphore_mem>> -> memref<!tpu.dma_semaphore, #tpu.memory_space<semaphore_mem>>
    tpu.wait_indirect_dma semaphore(%dma_wait3A_241 : memref<!tpu.dma_semaphore, #tpu.memory_space<semaphore_mem>>) src(%dma_wait3A_233 : memref<128x64xf32, #tpu.memory_space<vmem>>) dst(%dma_wait3A_239 : memref<10240x64xf32, #tpu.memory_space<vmem_shared>>)
    %dma_wait3A_242 = arith.constant 3 : i32
    %dma_wait3A_243 = arith.constant 0 : i32
    %dma_wait3A_244 = arith.constant 0 : i32
    %dma_wait3A_245 = arith.constant 3 : i32
    %dma_wait3A_246 = arith.constant 0 : i32
    %dma_wait3A_247 = arith.constant 0 : i32
    %dma_wait3A_248 = tpu.memref_slice %arg9[%dma_wait3A_242, %dma_wait3A_246, %dma_wait3A_247] : memref<4x128x64xf32, #tpu.memory_space<vmem>> -> memref<1x128x64xf32, #tpu.memory_space<vmem>>
    %dma_wait3A_249 = tpu.memref_squeeze %dma_wait3A_248 : memref<1x128x64xf32, #tpu.memory_space<vmem>> -> memref<128x64xf32, #tpu.memory_space<vmem>>
    %dma_wait3A_250 = arith.constant 0 : i32
    %dma_wait3A_251 = tpu.memref_slice %arg8[%dma_wait3A_243, %dma_wait3A_244, %dma_wait3A_250] : memref<3x32x128xi32, #tpu.memory_space<vmem>> -> memref<1x1x128xi32, #tpu.memory_space<vmem>>
    %dma_wait3A_252 = tpu.memref_squeeze %dma_wait3A_251 : memref<1x1x128xi32, #tpu.memory_space<vmem>> -> memref<128xi32, #tpu.memory_space<vmem>>
    %dma_wait3A_253 = arith.constant 0 : i32
    %dma_wait3A_254 = arith.constant 0 : i32
    %dma_wait3A_255 = tpu.memref_slice %arg10[%dma_wait3A_253, %dma_wait3A_254] : memref<10240x64xf32, #tpu.memory_space<vmem_shared>> -> memref<10240x64xf32, #tpu.memory_space<vmem_shared>>
    %dma_wait3A_256 = tpu.memref_slice %arg13[%dma_wait3A_245] : memref<4x!tpu.dma_semaphore, #tpu.memory_space<semaphore_mem>> -> memref<1x!tpu.dma_semaphore, #tpu.memory_space<semaphore_mem>>
    %dma_wait3A_257 = tpu.memref_squeeze %dma_wait3A_256 : memref<1x!tpu.dma_semaphore, #tpu.memory_space<semaphore_mem>> -> memref<!tpu.dma_semaphore, #tpu.memory_space<semaphore_mem>>
    tpu.wait_indirect_dma semaphore(%dma_wait3A_257 : memref<!tpu.dma_semaphore, #tpu.memory_space<semaphore_mem>>) src(%dma_wait3A_249 : memref<128x64xf32, #tpu.memory_space<vmem>>) dst(%dma_wait3A_255 : memref<10240x64xf32, #tpu.memory_space<vmem_shared>>)
    %barrier3A_258 = arith.constant 0 : index
    tpu.barrier barrier_id(%barrier3A_258)
    %mul3A_259 = arith.constant 640 : i32
    %mul3A_260 = arith.muli %arg1, %mul3A_259 : i32
    %mul3A_261 = arith.constant 640 : i32
    %mul3A_262 = arith.muli %arg1, %mul3A_261 : i32
    %mul3A_263 = arith.constant 64 : i32
    %mul3A_264 = arith.muli %arg0, %mul3A_263 : i32
    "tpu.region"() ({
      %run_scoped3A = tpu.sem_alloc : memref<!tpu.dma_semaphore, #tpu.memory_space<semaphore_mem>>
      %dma_start3A_265 = tpu.memref_slice %arg6[%mul3A_262, %mul3A_264] : memref<10240x128xf32, #tpu.memory_space<hbm>> -> memref<640x64xf32, #tpu.memory_space<hbm>>
      %dma_start3A_266 = arith.constant 0 : i32
      %dma_start3A_267 = tpu.memref_slice %arg10[%mul3A_260, %dma_start3A_266] : memref<10240x64xf32, #tpu.memory_space<vmem_shared>> -> memref<640x64xf32, #tpu.memory_space<vmem_shared>>
      tpu.enqueue_dma source(%dma_start3A_267 : memref<640x64xf32, #tpu.memory_space<vmem_shared>>) target(%dma_start3A_265 : memref<640x64xf32, #tpu.memory_space<hbm>>) target_semaphore(%run_scoped3A : memref<!tpu.dma_semaphore, #tpu.memory_space<semaphore_mem>>)
      %dma_wait3A_268 = tpu.memref_slice %arg6[%mul3A_262, %mul3A_264] : memref<10240x128xf32, #tpu.memory_space<hbm>> -> memref<640x64xf32, #tpu.memory_space<hbm>>
      %dma_wait3A_269 = arith.constant 0 : i32
      %dma_wait3A_270 = tpu.memref_slice %arg10[%mul3A_260, %dma_wait3A_269] : memref<10240x64xf32, #tpu.memory_space<vmem_shared>> -> memref<640x64xf32, #tpu.memory_space<vmem_shared>>
      tpu.wait_dma2 semaphore(%run_scoped3A : memref<!tpu.dma_semaphore, #tpu.memory_space<semaphore_mem>>) src(%dma_wait3A_270 : memref<640x64xf32, #tpu.memory_space<vmem_shared>>) dst(%dma_wait3A_268 : memref<640x64xf32, #tpu.memory_space<hbm>>)
      tpu.yield
    }) : () -> ()
    return
  }
}

#map = affine_map<(d0, d1) -> (0, 0)>
#map1 = affine_map<(d0, d1) -> (0, 0, 0)>
module attributes {stable_mosaic.version = 14 : i64} {
  func.func @_acc_kernel(%arg0: i32, %arg1: i32, %arg2: memref<20480x64xf32, #tpu.memory_space<hbm>>, %arg3: memref<10240x64xf32, #tpu.memory_space<hbm>>, %arg4: memref<2x2560x128xi32, #tpu.memory_space<hbm>>, %arg5: memref<2560x128xi32, #tpu.memory_space<hbm>>, %arg6: memref<10240x128xf32, #tpu.memory_space<hbm>>, %arg7: memref<3x32x128xi32, #tpu.memory_space<vmem>>, %arg8: memref<3x32x128xi32, #tpu.memory_space<vmem>>, %arg9: memref<4x128x64xf32, #tpu.memory_space<vmem>>, %arg10: memref<10240x64xf32, #tpu.memory_space<vmem_shared>>, %arg11: memref<3x!tpu.dma_semaphore, #tpu.memory_space<semaphore_mem>>, %arg12: memref<4x!tpu.dma_semaphore, #tpu.memory_space<semaphore_mem>>, %arg13: memref<4x!tpu.dma_semaphore, #tpu.memory_space<semaphore_mem>>) attributes {dimension_semantics = [#tpu.dimension_semantics<core_parallel>, #tpu.dimension_semantics<subcore_parallel>], iteration_bounds = array<i64: 2, 16>, scalar_prefetch = 0 : i64, scratch_operands = 7 : i64, tpu.core_type = #tpu.core_type<sc_vector_subcore>, window_params = [{transform_indices = #map}, {transform_indices = #map}, {transform_indices = #map1}, {transform_indices = #map}, {transform_indices = #map}]} {
    %mul3A = arith.constant 160 : i32
    %mul3A_0 = arith.muli %arg1, %mul3A : i32
    %mul3A_1 = arith.constant 640 : i32
    %mul3A_2 = arith.muli %arg1, %mul3A_1 : i32
    %mul3A_3 = arith.constant 640 : i32
    %mul3A_4 = arith.muli %arg1, %mul3A_3 : i32
    "tpu.region"() ({
      %run_scoped3A = tpu.sem_alloc : memref<!tpu.dma_semaphore, #tpu.memory_space<semaphore_mem>>
      %dma_start3A_265 = arith.constant 0 : i32
      %dma_start3A_266 = tpu.memref_slice %arg10[%mul3A_4, %dma_start3A_265] : memref<10240x64xf32, #tpu.memory_space<vmem_shared>> -> memref<640x64xf32, #tpu.memory_space<vmem_shared>>
      %dma_start3A_267 = arith.constant 0 : i32
      %dma_start3A_268 = tpu.memref_slice %arg3[%mul3A_2, %dma_start3A_267] : memref<10240x64xf32, #tpu.memory_space<hbm>> -> memref<640x64xf32, #tpu.memory_space<hbm>>
      tpu.enqueue_dma source(%dma_start3A_268 : memref<640x64xf32, #tpu.memory_space<hbm>>) target(%dma_start3A_266 : memref<640x64xf32, #tpu.memory_space<vmem_shared>>) target_semaphore(%run_scoped3A : memref<!tpu.dma_semaphore, #tpu.memory_space<semaphore_mem>>)
      %dma_wait3A_269 = arith.constant 0 : i32
      %dma_wait3A_270 = tpu.memref_slice %arg10[%mul3A_4, %dma_wait3A_269] : memref<10240x64xf32, #tpu.memory_space<vmem_shared>> -> memref<640x64xf32, #tpu.memory_space<vmem_shared>>
      %dma_wait3A_271 = arith.constant 0 : i32
      %dma_wait3A_272 = tpu.memref_slice %arg3[%mul3A_2, %dma_wait3A_271] : memref<10240x64xf32, #tpu.memory_space<hbm>> -> memref<640x64xf32, #tpu.memory_space<hbm>>
      tpu.wait_dma2 semaphore(%run_scoped3A : memref<!tpu.dma_semaphore, #tpu.memory_space<semaphore_mem>>) src(%dma_wait3A_272 : memref<640x64xf32, #tpu.memory_space<hbm>>) dst(%dma_wait3A_270 : memref<640x64xf32, #tpu.memory_space<vmem_shared>>)
      tpu.yield
    }) : () -> ()
    %add3A = arith.constant 0 : i32
    %add3A_5 = arith.addi %mul3A_0, %add3A : i32
    %dma_start3A = arith.constant 0 : i32
    %dma_start3A_6 = arith.constant 0 : i32
    %dma_start3A_7 = arith.constant 0 : i32
    %dma_start3A_8 = arith.constant 0 : i32
    %dma_start3A_9 = tpu.memref_slice %arg7[%dma_start3A, %dma_start3A_7, %dma_start3A_8] : memref<3x32x128xi32, #tpu.memory_space<vmem>> -> memref<1x32x128xi32, #tpu.memory_space<vmem>>
    %dma_start3A_10 = tpu.memref_squeeze %dma_start3A_9 : memref<1x32x128xi32, #tpu.memory_space<vmem>> -> memref<32x128xi32, #tpu.memory_space<vmem>>
    %dma_start3A_11 = arith.constant 0 : i32
    %dma_start3A_12 = tpu.memref_slice %arg4[%arg0, %add3A_5, %dma_start3A_11] : memref<2x2560x128xi32, #tpu.memory_space<hbm>> -> memref<1x32x128xi32, #tpu.memory_space<hbm>>
    %dma_start3A_13 = tpu.memref_squeeze %dma_start3A_12 : memref<1x32x128xi32, #tpu.memory_space<hbm>> -> memref<32x128xi32, #tpu.memory_space<hbm>>
    %dma_start3A_14 = tpu.memref_slice %arg11[%dma_start3A_6] : memref<3x!tpu.dma_semaphore, #tpu.memory_space<semaphore_mem>> -> memref<1x!tpu.dma_semaphore, #tpu.memory_space<semaphore_mem>>
    %dma_start3A_15 = tpu.memref_squeeze %dma_start3A_14 : memref<1x!tpu.dma_semaphore, #tpu.memory_space<semaphore_mem>> -> memref<!tpu.dma_semaphore, #tpu.memory_space<semaphore_mem>>
    %dma_start3A_16 = arith.constant 0 : i32
    %dma_start3A_17 = arith.constant 0 : i32
    %dma_start3A_18 = tpu.memref_slice %arg7[%dma_start3A, %dma_start3A_16, %dma_start3A_17] : memref<3x32x128xi32, #tpu.memory_space<vmem>> -> memref<1x32x128xi32, #tpu.memory_space<vmem>>
    %dma_start3A_19 = tpu.memref_squeeze %dma_start3A_18 : memref<1x32x128xi32, #tpu.memory_space<vmem>> -> memref<32x128xi32, #tpu.memory_space<vmem>>
    %dma_start3A_20 = arith.constant 0 : i32
    %dma_start3A_21 = tpu.memref_slice %arg4[%arg0, %add3A_5, %dma_start3A_20] : memref<2x2560x128xi32, #tpu.memory_space<hbm>> -> memref<1x32x128xi32, #tpu.memory_space<hbm>>
    %dma_start3A_22 = tpu.memref_squeeze %dma_start3A_21 : memref<1x32x128xi32, #tpu.memory_space<hbm>> -> memref<32x128xi32, #tpu.memory_space<hbm>>
    tpu.enqueue_dma source(%dma_start3A_22 : memref<32x128xi32, #tpu.memory_space<hbm>>) target(%dma_start3A_19 : memref<32x128xi32, #tpu.memory_space<vmem>>) target_semaphore(%dma_start3A_15 : memref<!tpu.dma_semaphore, #tpu.memory_space<semaphore_mem>>)
    %add3A_23 = arith.constant 0 : i32
    %add3A_24 = arith.addi %mul3A_0, %add3A_23 : i32
    %dma_start3A_25 = arith.constant 0 : i32
    %dma_start3A_26 = arith.constant 0 : i32
    %dma_start3A_27 = arith.constant 0 : i32
    %dma_start3A_28 = arith.constant 0 : i32
    %dma_start3A_29 = tpu.memref_slice %arg8[%dma_start3A_25, %dma_start3A_27, %dma_start3A_28] : memref<3x32x128xi32, #tpu.memory_space<vmem>> -> memref<1x32x128xi32, #tpu.memory_space<vmem>>
    %dma_start3A_30 = tpu.memref_squeeze %dma_start3A_29 : memref<1x32x128xi32, #tpu.memory_space<vmem>> -> memref<32x128xi32, #tpu.memory_space<vmem>>
    %dma_start3A_31 = arith.constant 0 : i32
    %dma_start3A_32 = tpu.memref_slice %arg5[%add3A_24, %dma_start3A_31] : memref<2560x128xi32, #tpu.memory_space<hbm>> -> memref<32x128xi32, #tpu.memory_space<hbm>>
    %dma_start3A_33 = tpu.memref_slice %arg11[%dma_start3A_26] : memref<3x!tpu.dma_semaphore, #tpu.memory_space<semaphore_mem>> -> memref<1x!tpu.dma_semaphore, #tpu.memory_space<semaphore_mem>>
    %dma_start3A_34 = tpu.memref_squeeze %dma_start3A_33 : memref<1x!tpu.dma_semaphore, #tpu.memory_space<semaphore_mem>> -> memref<!tpu.dma_semaphore, #tpu.memory_space<semaphore_mem>>
    %dma_start3A_35 = arith.constant 0 : i32
    %dma_start3A_36 = arith.constant 0 : i32
    %dma_start3A_37 = tpu.memref_slice %arg8[%dma_start3A_25, %dma_start3A_35, %dma_start3A_36] : memref<3x32x128xi32, #tpu.memory_space<vmem>> -> memref<1x32x128xi32, #tpu.memory_space<vmem>>
    %dma_start3A_38 = tpu.memref_squeeze %dma_start3A_37 : memref<1x32x128xi32, #tpu.memory_space<vmem>> -> memref<32x128xi32, #tpu.memory_space<vmem>>
    %dma_start3A_39 = arith.constant 0 : i32
    %dma_start3A_40 = tpu.memref_slice %arg5[%add3A_24, %dma_start3A_39] : memref<2560x128xi32, #tpu.memory_space<hbm>> -> memref<32x128xi32, #tpu.memory_space<hbm>>
    tpu.enqueue_dma source(%dma_start3A_40 : memref<32x128xi32, #tpu.memory_space<hbm>>) target(%dma_start3A_38 : memref<32x128xi32, #tpu.memory_space<vmem>>) target_semaphore(%dma_start3A_34 : memref<!tpu.dma_semaphore, #tpu.memory_space<semaphore_mem>>)
    %add3A_41 = arith.constant 32 : i32
    %add3A_42 = arith.addi %mul3A_0, %add3A_41 : i32
    %dma_start3A_43 = arith.constant 1 : i32
    %dma_start3A_44 = arith.constant 1 : i32
    %dma_start3A_45 = arith.constant 0 : i32
    %dma_start3A_46 = arith.constant 0 : i32
    %dma_start3A_47 = tpu.memref_slice %arg7[%dma_start3A_43, %dma_start3A_45, %dma_start3A_46] : memref<3x32x128xi32, #tpu.memory_space<vmem>> -> memref<1x32x128xi32, #tpu.memory_space<vmem>>
    %dma_start3A_48 = tpu.memref_squeeze %dma_start3A_47 : memref<1x32x128xi32, #tpu.memory_space<vmem>> -> memref<32x128xi32, #tpu.memory_space<vmem>>
    %dma_start3A_49 = arith.constant 0 : i32
    %dma_start3A_50 = tpu.memref_slice %arg4[%arg0, %add3A_42, %dma_start3A_49] : memref<2x2560x128xi32, #tpu.memory_space<hbm>> -> memref<1x32x128xi32, #tpu.memory_space<hbm>>
    %dma_start3A_51 = tpu.memref_squeeze %dma_start3A_50 : memref<1x32x128xi32, #tpu.memory_space<hbm>> -> memref<32x128xi32, #tpu.memory_space<hbm>>
    %dma_start3A_52 = tpu.memref_slice %arg11[%dma_start3A_44] : memref<3x!tpu.dma_semaphore, #tpu.memory_space<semaphore_mem>> -> memref<1x!tpu.dma_semaphore, #tpu.memory_space<semaphore_mem>>
    %dma_start3A_53 = tpu.memref_squeeze %dma_start3A_52 : memref<1x!tpu.dma_semaphore, #tpu.memory_space<semaphore_mem>> -> memref<!tpu.dma_semaphore, #tpu.memory_space<semaphore_mem>>
    %dma_start3A_54 = arith.constant 0 : i32
    %dma_start3A_55 = arith.constant 0 : i32
    %dma_start3A_56 = tpu.memref_slice %arg7[%dma_start3A_43, %dma_start3A_54, %dma_start3A_55] : memref<3x32x128xi32, #tpu.memory_space<vmem>> -> memref<1x32x128xi32, #tpu.memory_space<vmem>>
    %dma_start3A_57 = tpu.memref_squeeze %dma_start3A_56 : memref<1x32x128xi32, #tpu.memory_space<vmem>> -> memref<32x128xi32, #tpu.memory_space<vmem>>
    %dma_start3A_58 = arith.constant 0 : i32
    %dma_start3A_59 = tpu.memref_slice %arg4[%arg0, %add3A_42, %dma_start3A_58] : memref<2x2560x128xi32, #tpu.memory_space<hbm>> -> memref<1x32x128xi32, #tpu.memory_space<hbm>>
    %dma_start3A_60 = tpu.memref_squeeze %dma_start3A_59 : memref<1x32x128xi32, #tpu.memory_space<hbm>> -> memref<32x128xi32, #tpu.memory_space<hbm>>
    tpu.enqueue_dma source(%dma_start3A_60 : memref<32x128xi32, #tpu.memory_space<hbm>>) target(%dma_start3A_57 : memref<32x128xi32, #tpu.memory_space<vmem>>) target_semaphore(%dma_start3A_53 : memref<!tpu.dma_semaphore, #tpu.memory_space<semaphore_mem>>)
    %add3A_61 = arith.constant 32 : i32
    %add3A_62 = arith.addi %mul3A_0, %add3A_61 : i32
    %dma_start3A_63 = arith.constant 1 : i32
    %dma_start3A_64 = arith.constant 1 : i32
    %dma_start3A_65 = arith.constant 0 : i32
    %dma_start3A_66 = arith.constant 0 : i32
    %dma_start3A_67 = tpu.memref_slice %arg8[%dma_start3A_63, %dma_start3A_65, %dma_start3A_66] : memref<3x32x128xi32, #tpu.memory_space<vmem>> -> memref<1x32x128xi32, #tpu.memory_space<vmem>>
    %dma_start3A_68 = tpu.memref_squeeze %dma_start3A_67 : memref<1x32x128xi32, #tpu.memory_space<vmem>> -> memref<32x128xi32, #tpu.memory_space<vmem>>
    %dma_start3A_69 = arith.constant 0 : i32
    %dma_start3A_70 = tpu.memref_slice %arg5[%add3A_62, %dma_start3A_69] : memref<2560x128xi32, #tpu.memory_space<hbm>> -> memref<32x128xi32, #tpu.memory_space<hbm>>
    %dma_start3A_71 = tpu.memref_slice %arg11[%dma_start3A_64] : memref<3x!tpu.dma_semaphore, #tpu.memory_space<semaphore_mem>> -> memref<1x!tpu.dma_semaphore, #tpu.memory_space<semaphore_mem>>
    %dma_start3A_72 = tpu.memref_squeeze %dma_start3A_71 : memref<1x!tpu.dma_semaphore, #tpu.memory_space<semaphore_mem>> -> memref<!tpu.dma_semaphore, #tpu.memory_space<semaphore_mem>>
    %dma_start3A_73 = arith.constant 0 : i32
    %dma_start3A_74 = arith.constant 0 : i32
    %dma_start3A_75 = tpu.memref_slice %arg8[%dma_start3A_63, %dma_start3A_73, %dma_start3A_74] : memref<3x32x128xi32, #tpu.memory_space<vmem>> -> memref<1x32x128xi32, #tpu.memory_space<vmem>>
    %dma_start3A_76 = tpu.memref_squeeze %dma_start3A_75 : memref<1x32x128xi32, #tpu.memory_space<vmem>> -> memref<32x128xi32, #tpu.memory_space<vmem>>
    %dma_start3A_77 = arith.constant 0 : i32
    %dma_start3A_78 = tpu.memref_slice %arg5[%add3A_62, %dma_start3A_77] : memref<2560x128xi32, #tpu.memory_space<hbm>> -> memref<32x128xi32, #tpu.memory_space<hbm>>
    tpu.enqueue_dma source(%dma_start3A_78 : memref<32x128xi32, #tpu.memory_space<hbm>>) target(%dma_start3A_76 : memref<32x128xi32, #tpu.memory_space<vmem>>) target_semaphore(%dma_start3A_72 : memref<!tpu.dma_semaphore, #tpu.memory_space<semaphore_mem>>)
    %add3A_79 = arith.constant 64 : i32
    %add3A_80 = arith.addi %mul3A_0, %add3A_79 : i32
    %dma_start3A_81 = arith.constant 2 : i32
    %dma_start3A_82 = arith.constant 2 : i32
    %dma_start3A_83 = arith.constant 0 : i32
    %dma_start3A_84 = arith.constant 0 : i32
    %dma_start3A_85 = tpu.memref_slice %arg7[%dma_start3A_81, %dma_start3A_83, %dma_start3A_84] : memref<3x32x128xi32, #tpu.memory_space<vmem>> -> memref<1x32x128xi32, #tpu.memory_space<vmem>>
    %dma_start3A_86 = tpu.memref_squeeze %dma_start3A_85 : memref<1x32x128xi32, #tpu.memory_space<vmem>> -> memref<32x128xi32, #tpu.memory_space<vmem>>
    %dma_start3A_87 = arith.constant 0 : i32
    %dma_start3A_88 = tpu.memref_slice %arg4[%arg0, %add3A_80, %dma_start3A_87] : memref<2x2560x128xi32, #tpu.memory_space<hbm>> -> memref<1x32x128xi32, #tpu.memory_space<hbm>>
    %dma_start3A_89 = tpu.memref_squeeze %dma_start3A_88 : memref<1x32x128xi32, #tpu.memory_space<hbm>> -> memref<32x128xi32, #tpu.memory_space<hbm>>
    %dma_start3A_90 = tpu.memref_slice %arg11[%dma_start3A_82] : memref<3x!tpu.dma_semaphore, #tpu.memory_space<semaphore_mem>> -> memref<1x!tpu.dma_semaphore, #tpu.memory_space<semaphore_mem>>
    %dma_start3A_91 = tpu.memref_squeeze %dma_start3A_90 : memref<1x!tpu.dma_semaphore, #tpu.memory_space<semaphore_mem>> -> memref<!tpu.dma_semaphore, #tpu.memory_space<semaphore_mem>>
    %dma_start3A_92 = arith.constant 0 : i32
    %dma_start3A_93 = arith.constant 0 : i32
    %dma_start3A_94 = tpu.memref_slice %arg7[%dma_start3A_81, %dma_start3A_92, %dma_start3A_93] : memref<3x32x128xi32, #tpu.memory_space<vmem>> -> memref<1x32x128xi32, #tpu.memory_space<vmem>>
    %dma_start3A_95 = tpu.memref_squeeze %dma_start3A_94 : memref<1x32x128xi32, #tpu.memory_space<vmem>> -> memref<32x128xi32, #tpu.memory_space<vmem>>
    %dma_start3A_96 = arith.constant 0 : i32
    %dma_start3A_97 = tpu.memref_slice %arg4[%arg0, %add3A_80, %dma_start3A_96] : memref<2x2560x128xi32, #tpu.memory_space<hbm>> -> memref<1x32x128xi32, #tpu.memory_space<hbm>>
    %dma_start3A_98 = tpu.memref_squeeze %dma_start3A_97 : memref<1x32x128xi32, #tpu.memory_space<hbm>> -> memref<32x128xi32, #tpu.memory_space<hbm>>
    tpu.enqueue_dma source(%dma_start3A_98 : memref<32x128xi32, #tpu.memory_space<hbm>>) target(%dma_start3A_95 : memref<32x128xi32, #tpu.memory_space<vmem>>) target_semaphore(%dma_start3A_91 : memref<!tpu.dma_semaphore, #tpu.memory_space<semaphore_mem>>)
    %add3A_99 = arith.constant 64 : i32
    %add3A_100 = arith.addi %mul3A_0, %add3A_99 : i32
    %dma_start3A_101 = arith.constant 2 : i32
    %dma_start3A_102 = arith.constant 2 : i32
    %dma_start3A_103 = arith.constant 0 : i32
    %dma_start3A_104 = arith.constant 0 : i32
    %dma_start3A_105 = tpu.memref_slice %arg8[%dma_start3A_101, %dma_start3A_103, %dma_start3A_104] : memref<3x32x128xi32, #tpu.memory_space<vmem>> -> memref<1x32x128xi32, #tpu.memory_space<vmem>>
    %dma_start3A_106 = tpu.memref_squeeze %dma_start3A_105 : memref<1x32x128xi32, #tpu.memory_space<vmem>> -> memref<32x128xi32, #tpu.memory_space<vmem>>
    %dma_start3A_107 = arith.constant 0 : i32
    %dma_start3A_108 = tpu.memref_slice %arg5[%add3A_100, %dma_start3A_107] : memref<2560x128xi32, #tpu.memory_space<hbm>> -> memref<32x128xi32, #tpu.memory_space<hbm>>
    %dma_start3A_109 = tpu.memref_slice %arg11[%dma_start3A_102] : memref<3x!tpu.dma_semaphore, #tpu.memory_space<semaphore_mem>> -> memref<1x!tpu.dma_semaphore, #tpu.memory_space<semaphore_mem>>
    %dma_start3A_110 = tpu.memref_squeeze %dma_start3A_109 : memref<1x!tpu.dma_semaphore, #tpu.memory_space<semaphore_mem>> -> memref<!tpu.dma_semaphore, #tpu.memory_space<semaphore_mem>>
    %dma_start3A_111 = arith.constant 0 : i32
    %dma_start3A_112 = arith.constant 0 : i32
    %dma_start3A_113 = tpu.memref_slice %arg8[%dma_start3A_101, %dma_start3A_111, %dma_start3A_112] : memref<3x32x128xi32, #tpu.memory_space<vmem>> -> memref<1x32x128xi32, #tpu.memory_space<vmem>>
    %dma_start3A_114 = tpu.memref_squeeze %dma_start3A_113 : memref<1x32x128xi32, #tpu.memory_space<vmem>> -> memref<32x128xi32, #tpu.memory_space<vmem>>
    %dma_start3A_115 = arith.constant 0 : i32
    %dma_start3A_116 = tpu.memref_slice %arg5[%add3A_100, %dma_start3A_115] : memref<2560x128xi32, #tpu.memory_space<hbm>> -> memref<32x128xi32, #tpu.memory_space<hbm>>
    tpu.enqueue_dma source(%dma_start3A_116 : memref<32x128xi32, #tpu.memory_space<hbm>>) target(%dma_start3A_114 : memref<32x128xi32, #tpu.memory_space<vmem>>) target_semaphore(%dma_start3A_110 : memref<!tpu.dma_semaphore, #tpu.memory_space<semaphore_mem>>)
    %barrier3A = arith.constant 0 : index
    tpu.barrier barrier_id(%barrier3A)
    %add3A_117 = arith.constant 0 : i32
    %add3A_118 = arith.addi %mul3A_0, %add3A_117 : i32
    %dma_wait3A = arith.constant 0 : i32
    %dma_wait3A_119 = arith.constant 0 : i32
    %dma_wait3A_120 = arith.constant 0 : i32
    %dma_wait3A_121 = arith.constant 0 : i32
    %dma_wait3A_122 = tpu.memref_slice %arg7[%dma_wait3A, %dma_wait3A_120, %dma_wait3A_121] : memref<3x32x128xi32, #tpu.memory_space<vmem>> -> memref<1x32x128xi32, #tpu.memory_space<vmem>>
    %dma_wait3A_123 = tpu.memref_squeeze %dma_wait3A_122 : memref<1x32x128xi32, #tpu.memory_space<vmem>> -> memref<32x128xi32, #tpu.memory_space<vmem>>
    %dma_wait3A_124 = arith.constant 0 : i32
    %dma_wait3A_125 = tpu.memref_slice %arg4[%arg0, %add3A_118, %dma_wait3A_124] : memref<2x2560x128xi32, #tpu.memory_space<hbm>> -> memref<1x32x128xi32, #tpu.memory_space<hbm>>
    %dma_wait3A_126 = tpu.memref_squeeze %dma_wait3A_125 : memref<1x32x128xi32, #tpu.memory_space<hbm>> -> memref<32x128xi32, #tpu.memory_space<hbm>>
    %dma_wait3A_127 = tpu.memref_slice %arg11[%dma_wait3A_119] : memref<3x!tpu.dma_semaphore, #tpu.memory_space<semaphore_mem>> -> memref<1x!tpu.dma_semaphore, #tpu.memory_space<semaphore_mem>>
    %dma_wait3A_128 = tpu.memref_squeeze %dma_wait3A_127 : memref<1x!tpu.dma_semaphore, #tpu.memory_space<semaphore_mem>> -> memref<!tpu.dma_semaphore, #tpu.memory_space<semaphore_mem>>
    %dma_wait3A_129 = arith.constant 0 : i32
    %dma_wait3A_130 = arith.constant 0 : i32
    %dma_wait3A_131 = tpu.memref_slice %arg7[%dma_wait3A, %dma_wait3A_129, %dma_wait3A_130] : memref<3x32x128xi32, #tpu.memory_space<vmem>> -> memref<1x32x128xi32, #tpu.memory_space<vmem>>
    %dma_wait3A_132 = tpu.memref_squeeze %dma_wait3A_131 : memref<1x32x128xi32, #tpu.memory_space<vmem>> -> memref<32x128xi32, #tpu.memory_space<vmem>>
    %dma_wait3A_133 = arith.constant 0 : i32
    %dma_wait3A_134 = tpu.memref_slice %arg4[%arg0, %add3A_118, %dma_wait3A_133] : memref<2x2560x128xi32, #tpu.memory_space<hbm>> -> memref<1x32x128xi32, #tpu.memory_space<hbm>>
    %dma_wait3A_135 = tpu.memref_squeeze %dma_wait3A_134 : memref<1x32x128xi32, #tpu.memory_space<hbm>> -> memref<32x128xi32, #tpu.memory_space<hbm>>
    tpu.wait_dma2 semaphore(%dma_wait3A_128 : memref<!tpu.dma_semaphore, #tpu.memory_space<semaphore_mem>>) src(%dma_wait3A_135 : memref<32x128xi32, #tpu.memory_space<hbm>>) dst(%dma_wait3A_132 : memref<32x128xi32, #tpu.memory_space<vmem>>)
    %add3A_136 = arith.constant 0 : i32
    %add3A_137 = arith.addi %mul3A_0, %add3A_136 : i32
    %dma_wait3A_138 = arith.constant 0 : i32
    %dma_wait3A_139 = arith.constant 0 : i32
    %dma_wait3A_140 = arith.constant 0 : i32
    %dma_wait3A_141 = arith.constant 0 : i32
    %dma_wait3A_142 = tpu.memref_slice %arg8[%dma_wait3A_138, %dma_wait3A_140, %dma_wait3A_141] : memref<3x32x128xi32, #tpu.memory_space<vmem>> -> memref<1x32x128xi32, #tpu.memory_space<vmem>>
    %dma_wait3A_143 = tpu.memref_squeeze %dma_wait3A_142 : memref<1x32x128xi32, #tpu.memory_space<vmem>> -> memref<32x128xi32, #tpu.memory_space<vmem>>
    %dma_wait3A_144 = arith.constant 0 : i32
    %dma_wait3A_145 = tpu.memref_slice %arg5[%add3A_137, %dma_wait3A_144] : memref<2560x128xi32, #tpu.memory_space<hbm>> -> memref<32x128xi32, #tpu.memory_space<hbm>>
    %dma_wait3A_146 = tpu.memref_slice %arg11[%dma_wait3A_139] : memref<3x!tpu.dma_semaphore, #tpu.memory_space<semaphore_mem>> -> memref<1x!tpu.dma_semaphore, #tpu.memory_space<semaphore_mem>>
    %dma_wait3A_147 = tpu.memref_squeeze %dma_wait3A_146 : memref<1x!tpu.dma_semaphore, #tpu.memory_space<semaphore_mem>> -> memref<!tpu.dma_semaphore, #tpu.memory_space<semaphore_mem>>
    %dma_wait3A_148 = arith.constant 0 : i32
    %dma_wait3A_149 = arith.constant 0 : i32
    %dma_wait3A_150 = tpu.memref_slice %arg8[%dma_wait3A_138, %dma_wait3A_148, %dma_wait3A_149] : memref<3x32x128xi32, #tpu.memory_space<vmem>> -> memref<1x32x128xi32, #tpu.memory_space<vmem>>
    %dma_wait3A_151 = tpu.memref_squeeze %dma_wait3A_150 : memref<1x32x128xi32, #tpu.memory_space<vmem>> -> memref<32x128xi32, #tpu.memory_space<vmem>>
    %dma_wait3A_152 = arith.constant 0 : i32
    %dma_wait3A_153 = tpu.memref_slice %arg5[%add3A_137, %dma_wait3A_152] : memref<2560x128xi32, #tpu.memory_space<hbm>> -> memref<32x128xi32, #tpu.memory_space<hbm>>
    tpu.wait_dma2 semaphore(%dma_wait3A_147 : memref<!tpu.dma_semaphore, #tpu.memory_space<semaphore_mem>>) src(%dma_wait3A_153 : memref<32x128xi32, #tpu.memory_space<hbm>>) dst(%dma_wait3A_151 : memref<32x128xi32, #tpu.memory_space<vmem>>)
    %dma_start3A_154 = arith.constant 2 : i32
    %dma_start3A_155 = arith.constant 2 : i32
    %dma_start3A_156 = arith.constant 0 : i32
    %dma_start3A_157 = arith.constant 0 : i32
    %dma_start3A_158 = tpu.memref_slice %arg9[%dma_start3A_154, %dma_start3A_156, %dma_start3A_157] : memref<4x128x64xf32, #tpu.memory_space<vmem>> -> memref<1x128x64xf32, #tpu.memory_space<vmem>>
    %dma_start3A_159 = tpu.memref_squeeze %dma_start3A_158 : memref<1x128x64xf32, #tpu.memory_space<vmem>> -> memref<128x64xf32, #tpu.memory_space<vmem>>
    %dma_start3A_160 = arith.constant 0 : i32
    %dma_start3A_161 = arith.constant 0 : i32
    %dma_start3A_162 = tpu.memref_slice %arg2[%dma_start3A_160, %dma_start3A_161] : memref<20480x64xf32, #tpu.memory_space<hbm>> -> memref<128x64xf32, #tpu.memory_space<hbm>>
    %dma_start3A_163 = tpu.memref_slice %arg13[%dma_start3A_155] : memref<4x!tpu.dma_semaphore, #tpu.memory_space<semaphore_mem>> -> memref<1x!tpu.dma_semaphore, #tpu.memory_space<semaphore_mem>>
    %dma_start3A_164 = tpu.memref_squeeze %dma_start3A_163 : memref<1x!tpu.dma_semaphore, #tpu.memory_space<semaphore_mem>> -> memref<!tpu.dma_semaphore, #tpu.memory_space<semaphore_mem>>
    %dma_start3A_165 = arith.constant 0 : i32
    %dma_start3A_166 = arith.constant 0 : i32
    %dma_start3A_167 = tpu.memref_slice %arg9[%dma_start3A_154, %dma_start3A_165, %dma_start3A_166] : memref<4x128x64xf32, #tpu.memory_space<vmem>> -> memref<1x128x64xf32, #tpu.memory_space<vmem>>
    %dma_start3A_168 = tpu.memref_squeeze %dma_start3A_167 : memref<1x128x64xf32, #tpu.memory_space<vmem>> -> memref<128x64xf32, #tpu.memory_space<vmem>>
    %dma_start3A_169 = arith.constant 0 : i32
    %dma_start3A_170 = arith.constant 0 : i32
    %dma_start3A_171 = tpu.memref_slice %arg2[%dma_start3A_169, %dma_start3A_170] : memref<20480x64xf32, #tpu.memory_space<hbm>> -> memref<128x64xf32, #tpu.memory_space<hbm>>
    tpu.enqueue_dma source(%dma_start3A_171 : memref<128x64xf32, #tpu.memory_space<hbm>>) target(%dma_start3A_168 : memref<128x64xf32, #tpu.memory_space<vmem>>) target_semaphore(%dma_start3A_164 : memref<!tpu.dma_semaphore, #tpu.memory_space<semaphore_mem>>)
    %dma_start3A_172 = arith.constant 3 : i32
    %dma_start3A_173 = arith.constant 3 : i32
    %dma_start3A_174 = arith.constant 0 : i32
    %dma_start3A_175 = arith.constant 0 : i32
    %dma_start3A_176 = tpu.memref_slice %arg9[%dma_start3A_172, %dma_start3A_174, %dma_start3A_175] : memref<4x128x64xf32, #tpu.memory_space<vmem>> -> memref<1x128x64xf32, #tpu.memory_space<vmem>>
    %dma_start3A_177 = tpu.memref_squeeze %dma_start3A_176 : memref<1x128x64xf32, #tpu.memory_space<vmem>> -> memref<128x64xf32, #tpu.memory_space<vmem>>
    %dma_start3A_178 = arith.constant 0 : i32
    %dma_start3A_179 = arith.constant 0 : i32
    %dma_start3A_180 = tpu.memref_slice %arg2[%dma_start3A_178, %dma_start3A_179] : memref<20480x64xf32, #tpu.memory_space<hbm>> -> memref<128x64xf32, #tpu.memory_space<hbm>>
    %dma_start3A_181 = tpu.memref_slice %arg13[%dma_start3A_173] : memref<4x!tpu.dma_semaphore, #tpu.memory_space<semaphore_mem>> -> memref<1x!tpu.dma_semaphore, #tpu.memory_space<semaphore_mem>>
    %dma_start3A_182 = tpu.memref_squeeze %dma_start3A_181 : memref<1x!tpu.dma_semaphore, #tpu.memory_space<semaphore_mem>> -> memref<!tpu.dma_semaphore, #tpu.memory_space<semaphore_mem>>
    %dma_start3A_183 = arith.constant 0 : i32
    %dma_start3A_184 = arith.constant 0 : i32
    %dma_start3A_185 = tpu.memref_slice %arg9[%dma_start3A_172, %dma_start3A_183, %dma_start3A_184] : memref<4x128x64xf32, #tpu.memory_space<vmem>> -> memref<1x128x64xf32, #tpu.memory_space<vmem>>
    %dma_start3A_186 = tpu.memref_squeeze %dma_start3A_185 : memref<1x128x64xf32, #tpu.memory_space<vmem>> -> memref<128x64xf32, #tpu.memory_space<vmem>>
    %dma_start3A_187 = arith.constant 0 : i32
    %dma_start3A_188 = arith.constant 0 : i32
    %dma_start3A_189 = tpu.memref_slice %arg2[%dma_start3A_187, %dma_start3A_188] : memref<20480x64xf32, #tpu.memory_space<hbm>> -> memref<128x64xf32, #tpu.memory_space<hbm>>
    tpu.enqueue_dma source(%dma_start3A_189 : memref<128x64xf32, #tpu.memory_space<hbm>>) target(%dma_start3A_186 : memref<128x64xf32, #tpu.memory_space<vmem>>) target_semaphore(%dma_start3A_182 : memref<!tpu.dma_semaphore, #tpu.memory_space<semaphore_mem>>)
    %dma_start3A_190 = arith.constant 0 : i32
    %dma_start3A_191 = arith.constant 0 : i32
    %dma_start3A_192 = arith.constant 0 : i32
    %dma_start3A_193 = arith.constant 0 : i32
    %dma_start3A_194 = arith.constant 0 : i32
    %dma_start3A_195 = arith.constant 0 : i32
    %dma_start3A_196 = tpu.memref_slice %arg9[%dma_start3A_192, %dma_start3A_194, %dma_start3A_195] : memref<4x128x64xf32, #tpu.memory_space<vmem>> -> memref<1x128x64xf32, #tpu.memory_space<vmem>>
    %dma_start3A_197 = tpu.memref_squeeze %dma_start3A_196 : memref<1x128x64xf32, #tpu.memory_space<vmem>> -> memref<128x64xf32, #tpu.memory_space<vmem>>
    %dma_start3A_198 = arith.constant 0 : i32
    %dma_start3A_199 = tpu.memref_slice %arg7[%dma_start3A_190, %dma_start3A_191, %dma_start3A_198] : memref<3x32x128xi32, #tpu.memory_space<vmem>> -> memref<1x1x128xi32, #tpu.memory_space<vmem>>
    %dma_start3A_200 = tpu.memref_squeeze %dma_start3A_199 : memref<1x1x128xi32, #tpu.memory_space<vmem>> -> memref<128xi32, #tpu.memory_space<vmem>>
    %dma_start3A_201 = arith.constant 0 : i32
    %dma_start3A_202 = arith.constant 0 : i32
    %dma_start3A_203 = tpu.memref_slice %arg2[%dma_start3A_201, %dma_start3A_202] : memref<20480x64xf32, #tpu.memory_space<hbm>> -> memref<20480x64xf32, #tpu.memory_space<hbm>>
    %dma_start3A_204 = tpu.memref_slice %arg12[%dma_start3A_193] : memref<4x!tpu.dma_semaphore, #tpu.memory_space<semaphore_mem>> -> memref<1x!tpu.dma_semaphore, #tpu.memory_space<semaphore_mem>>
    %dma_start3A_205 = tpu.memref_squeeze %dma_start3A_204 : memref<1x!tpu.dma_semaphore, #tpu.memory_space<semaphore_mem>> -> memref<!tpu.dma_semaphore, #tpu.memory_space<semaphore_mem>>
    tpu.enqueue_indirect_dma source(%dma_start3A_203 : memref<20480x64xf32, #tpu.memory_space<hbm>>) target(%dma_start3A_197 : memref<128x64xf32, #tpu.memory_space<vmem>>) offsets(%dma_start3A_200 : memref<128xi32, #tpu.memory_space<vmem>>) semaphore(%dma_start3A_205 : memref<!tpu.dma_semaphore, #tpu.memory_space<semaphore_mem>>)
    %dma_start3A_206 = arith.constant 0 : i32
    %dma_start3A_207 = arith.constant 1 : i32
    %dma_start3A_208 = arith.constant 1 : i32
    %dma_start3A_209 = arith.constant 1 : i32
    %dma_start3A_210 = arith.constant 0 : i32
    %dma_start3A_211 = arith.constant 0 : i32
    %dma_start3A_212 = tpu.memref_slice %arg9[%dma_start3A_208, %dma_start3A_210, %dma_start3A_211] : memref<4x128x64xf32, #tpu.memory_space<vmem>> -> memref<1x128x64xf32, #tpu.memory_space<vmem>>
    %dma_start3A_213 = tpu.memref_squeeze %dma_start3A_212 : memref<1x128x64xf32, #tpu.memory_space<vmem>> -> memref<128x64xf32, #tpu.memory_space<vmem>>
    %dma_start3A_214 = arith.constant 0 : i32
    %dma_start3A_215 = tpu.memref_slice %arg7[%dma_start3A_206, %dma_start3A_207, %dma_start3A_214] : memref<3x32x128xi32, #tpu.memory_space<vmem>> -> memref<1x1x128xi32, #tpu.memory_space<vmem>>
    %dma_start3A_216 = tpu.memref_squeeze %dma_start3A_215 : memref<1x1x128xi32, #tpu.memory_space<vmem>> -> memref<128xi32, #tpu.memory_space<vmem>>
    %dma_start3A_217 = arith.constant 0 : i32
    %dma_start3A_218 = arith.constant 0 : i32
    %dma_start3A_219 = tpu.memref_slice %arg2[%dma_start3A_217, %dma_start3A_218] : memref<20480x64xf32, #tpu.memory_space<hbm>> -> memref<20480x64xf32, #tpu.memory_space<hbm>>
    %dma_start3A_220 = tpu.memref_slice %arg12[%dma_start3A_209] : memref<4x!tpu.dma_semaphore, #tpu.memory_space<semaphore_mem>> -> memref<1x!tpu.dma_semaphore, #tpu.memory_space<semaphore_mem>>
    %dma_start3A_221 = tpu.memref_squeeze %dma_start3A_220 : memref<1x!tpu.dma_semaphore, #tpu.memory_space<semaphore_mem>> -> memref<!tpu.dma_semaphore, #tpu.memory_space<semaphore_mem>>
    tpu.enqueue_indirect_dma source(%dma_start3A_219 : memref<20480x64xf32, #tpu.memory_space<hbm>>) target(%dma_start3A_213 : memref<128x64xf32, #tpu.memory_space<vmem>>) offsets(%dma_start3A_216 : memref<128xi32, #tpu.memory_space<vmem>>) semaphore(%dma_start3A_221 : memref<!tpu.dma_semaphore, #tpu.memory_space<semaphore_mem>>)
    %scan3A = arith.constant 0 : i32
    %scan3A_222 = arith.constant 40 : i32
    %scan3A_223 = arith.addi %scan3A, %scan3A_222 : i32
    %scan3A_224 = arith.constant 1 : i32
    scf.for %scan3A_265 = %scan3A to %scan3A_223 step %scan3A_224  : i32 {
      %mul3A_266 = arith.constant 4 : i32
      %mul3A_267 = arith.muli %mul3A_266, %scan3A_265 : i32
      %rem3A = arith.constant 32 : i32
      %rem3A_268 = arith.remsi %mul3A_267, %rem3A : i32
      %jit3A = arith.constant 32 : i32
      %div3A = arith.divsi %mul3A_267, %jit3A : i32
      %sign3A = arith.constant 0 : i32
      %sign3A_269 = arith.cmpi sgt, %mul3A_267, %sign3A : i32
      %sign3A_270 = arith.extui %sign3A_269 : i1 to i32
      %sign3A_271 = arith.constant 0 : i32
      %sign3A_272 = arith.cmpi slt, %mul3A_267, %sign3A_271 : i32
      %sign3A_273 = arith.extui %sign3A_272 : i1 to i32
      %sign3A_274 = arith.subi %sign3A_270, %sign3A_273 : i32
      %sign3A_275 = arith.constant 0 : i32
      %sign3A_276 = arith.cmpi sgt, %jit3A, %sign3A_275 : i32
      %sign3A_277 = arith.extui %sign3A_276 : i1 to i32
      %sign3A_278 = arith.constant 0 : i32
      %sign3A_279 = arith.cmpi slt, %jit3A, %sign3A_278 : i32
      %sign3A_280 = arith.extui %sign3A_279 : i1 to i32
      %sign3A_281 = arith.subi %sign3A_277, %sign3A_280 : i32
      %ne3A = arith.cmpi ne, %sign3A_274, %sign3A_281 : i32
      %rem3A_282 = arith.remsi %mul3A_267, %jit3A : i32
      %ne3A_283 = arith.constant 0 : i32
      %ne3A_284 = arith.cmpi ne, %rem3A_282, %ne3A_283 : i32
      %and3A = arith.andi %ne3A, %ne3A_284 : i1
      %sub3A = arith.constant 1 : i32
      %sub3A_285 = arith.subi %div3A, %sub3A : i32
      %select_n3A = arith.select %and3A, %sub3A_285, %div3A : i32
      %rem3A_286 = arith.constant 3 : i32
      %rem3A_287 = arith.remsi %select_n3A, %rem3A_286 : i32
      %add3A_288 = arith.constant 1 : i32
      %add3A_289 = arith.addi %select_n3A, %add3A_288 : i32
      %rem3A_290 = arith.constant 3 : i32
      %rem3A_291 = arith.remsi %add3A_289, %rem3A_290 : i32
      %eq3A = arith.constant 28 : i32
      %eq3A_292 = arith.cmpi eq, %rem3A_268, %eq3A : i32
      %dma_wait3A_293 = arith.constant 2 : i32
      %dma_wait3A_294 = arith.constant 2 : i32
      %dma_wait3A_295 = arith.constant 0 : i32
      %dma_wait3A_296 = arith.constant 0 : i32
      %dma_wait3A_297 = tpu.memref_slice %arg9[%dma_wait3A_293, %dma_wait3A_295, %dma_wait3A_296] : memref<4x128x64xf32, #tpu.memory_space<vmem>> -> memref<1x128x64xf32, #tpu.memory_space<vmem>>
      %dma_wait3A_298 = tpu.memref_squeeze %dma_wait3A_297 : memref<1x128x64xf32, #tpu.memory_space<vmem>> -> memref<128x64xf32, #tpu.memory_space<vmem>>
      %dma_wait3A_299 = arith.constant 0 : i32
      %dma_wait3A_300 = tpu.memref_slice %arg8[%rem3A_287, %rem3A_268, %dma_wait3A_299] : memref<3x32x128xi32, #tpu.memory_space<vmem>> -> memref<1x1x128xi32, #tpu.memory_space<vmem>>
      %dma_wait3A_301 = tpu.memref_squeeze %dma_wait3A_300 : memref<1x1x128xi32, #tpu.memory_space<vmem>> -> memref<128xi32, #tpu.memory_space<vmem>>
      %dma_wait3A_302 = arith.constant 0 : i32
      %dma_wait3A_303 = arith.constant 0 : i32
      %dma_wait3A_304 = tpu.memref_slice %arg10[%dma_wait3A_302, %dma_wait3A_303] : memref<10240x64xf32, #tpu.memory_space<vmem_shared>> -> memref<10240x64xf32, #tpu.memory_space<vmem_shared>>
      %dma_wait3A_305 = tpu.memref_slice %arg13[%dma_wait3A_294] : memref<4x!tpu.dma_semaphore, #tpu.memory_space<semaphore_mem>> -> memref<1x!tpu.dma_semaphore, #tpu.memory_space<semaphore_mem>>
      %dma_wait3A_306 = tpu.memref_squeeze %dma_wait3A_305 : memref<1x!tpu.dma_semaphore, #tpu.memory_space<semaphore_mem>> -> memref<!tpu.dma_semaphore, #tpu.memory_space<semaphore_mem>>
      tpu.wait_indirect_dma semaphore(%dma_wait3A_306 : memref<!tpu.dma_semaphore, #tpu.memory_space<semaphore_mem>>) src(%dma_wait3A_298 : memref<128x64xf32, #tpu.memory_space<vmem>>) dst(%dma_wait3A_304 : memref<10240x64xf32, #tpu.memory_space<vmem_shared>>)
      %add3A_307 = arith.constant 2 : i32
      %add3A_308 = arith.addi %rem3A_268, %add3A_307 : i32
      %dma_start3A_309 = arith.constant 2 : i32
      %dma_start3A_310 = arith.constant 2 : i32
      %dma_start3A_311 = arith.constant 0 : i32
      %dma_start3A_312 = arith.constant 0 : i32
      %dma_start3A_313 = tpu.memref_slice %arg9[%dma_start3A_309, %dma_start3A_311, %dma_start3A_312] : memref<4x128x64xf32, #tpu.memory_space<vmem>> -> memref<1x128x64xf32, #tpu.memory_space<vmem>>
      %dma_start3A_314 = tpu.memref_squeeze %dma_start3A_313 : memref<1x128x64xf32, #tpu.memory_space<vmem>> -> memref<128x64xf32, #tpu.memory_space<vmem>>
      %dma_start3A_315 = arith.constant 0 : i32
      %dma_start3A_316 = tpu.memref_slice %arg7[%rem3A_287, %add3A_308, %dma_start3A_315] : memref<3x32x128xi32, #tpu.memory_space<vmem>> -> memref<1x1x128xi32, #tpu.memory_space<vmem>>
      %dma_start3A_317 = tpu.memref_squeeze %dma_start3A_316 : memref<1x1x128xi32, #tpu.memory_space<vmem>> -> memref<128xi32, #tpu.memory_space<vmem>>
      %dma_start3A_318 = arith.constant 0 : i32
      %dma_start3A_319 = arith.constant 0 : i32
      %dma_start3A_320 = tpu.memref_slice %arg2[%dma_start3A_318, %dma_start3A_319] : memref<20480x64xf32, #tpu.memory_space<hbm>> -> memref<20480x64xf32, #tpu.memory_space<hbm>>
      %dma_start3A_321 = tpu.memref_slice %arg12[%dma_start3A_310] : memref<4x!tpu.dma_semaphore, #tpu.memory_space<semaphore_mem>> -> memref<1x!tpu.dma_semaphore, #tpu.memory_space<semaphore_mem>>
      %dma_start3A_322 = tpu.memref_squeeze %dma_start3A_321 : memref<1x!tpu.dma_semaphore, #tpu.memory_space<semaphore_mem>> -> memref<!tpu.dma_semaphore, #tpu.memory_space<semaphore_mem>>
      tpu.enqueue_indirect_dma source(%dma_start3A_320 : memref<20480x64xf32, #tpu.memory_space<hbm>>) target(%dma_start3A_314 : memref<128x64xf32, #tpu.memory_space<vmem>>) offsets(%dma_start3A_317 : memref<128xi32, #tpu.memory_space<vmem>>) semaphore(%dma_start3A_322 : memref<!tpu.dma_semaphore, #tpu.memory_space<semaphore_mem>>)
      %dma_wait3A_323 = arith.constant 0 : i32
      %dma_wait3A_324 = arith.constant 0 : i32
      %dma_wait3A_325 = arith.constant 0 : i32
      %dma_wait3A_326 = arith.constant 0 : i32
      %dma_wait3A_327 = tpu.memref_slice %arg9[%dma_wait3A_323, %dma_wait3A_325, %dma_wait3A_326] : memref<4x128x64xf32, #tpu.memory_space<vmem>> -> memref<1x128x64xf32, #tpu.memory_space<vmem>>
      %dma_wait3A_328 = tpu.memref_squeeze %dma_wait3A_327 : memref<1x128x64xf32, #tpu.memory_space<vmem>> -> memref<128x64xf32, #tpu.memory_space<vmem>>
      %dma_wait3A_329 = arith.constant 0 : i32
      %dma_wait3A_330 = tpu.memref_slice %arg7[%rem3A_287, %rem3A_268, %dma_wait3A_329] : memref<3x32x128xi32, #tpu.memory_space<vmem>> -> memref<1x1x128xi32, #tpu.memory_space<vmem>>
      %dma_wait3A_331 = tpu.memref_squeeze %dma_wait3A_330 : memref<1x1x128xi32, #tpu.memory_space<vmem>> -> memref<128xi32, #tpu.memory_space<vmem>>
      %dma_wait3A_332 = arith.constant 0 : i32
      %dma_wait3A_333 = arith.constant 0 : i32
      %dma_wait3A_334 = tpu.memref_slice %arg2[%dma_wait3A_332, %dma_wait3A_333] : memref<20480x64xf32, #tpu.memory_space<hbm>> -> memref<20480x64xf32, #tpu.memory_space<hbm>>
      %dma_wait3A_335 = tpu.memref_slice %arg12[%dma_wait3A_324] : memref<4x!tpu.dma_semaphore, #tpu.memory_space<semaphore_mem>> -> memref<1x!tpu.dma_semaphore, #tpu.memory_space<semaphore_mem>>
      %dma_wait3A_336 = tpu.memref_squeeze %dma_wait3A_335 : memref<1x!tpu.dma_semaphore, #tpu.memory_space<semaphore_mem>> -> memref<!tpu.dma_semaphore, #tpu.memory_space<semaphore_mem>>
      tpu.wait_indirect_dma semaphore(%dma_wait3A_336 : memref<!tpu.dma_semaphore, #tpu.memory_space<semaphore_mem>>) src(%dma_wait3A_334 : memref<20480x64xf32, #tpu.memory_space<hbm>>) dst(%dma_wait3A_328 : memref<128x64xf32, #tpu.memory_space<vmem>>)
      %dma_start3A_337 = arith.constant 0 : i32
      %dma_start3A_338 = arith.constant 0 : i32
      %dma_start3A_339 = arith.constant 0 : i32
      %dma_start3A_340 = arith.constant 0 : i32
      %dma_start3A_341 = tpu.memref_slice %arg9[%dma_start3A_337, %dma_start3A_339, %dma_start3A_340] : memref<4x128x64xf32, #tpu.memory_space<vmem>> -> memref<1x128x64xf32, #tpu.memory_space<vmem>>
      %dma_start3A_342 = tpu.memref_squeeze %dma_start3A_341 : memref<1x128x64xf32, #tpu.memory_space<vmem>> -> memref<128x64xf32, #tpu.memory_space<vmem>>
      %dma_start3A_343 = arith.constant 0 : i32
      %dma_start3A_344 = tpu.memref_slice %arg8[%rem3A_287, %rem3A_268, %dma_start3A_343] : memref<3x32x128xi32, #tpu.memory_space<vmem>> -> memref<1x1x128xi32, #tpu.memory_space<vmem>>
      %dma_start3A_345 = tpu.memref_squeeze %dma_start3A_344 : memref<1x1x128xi32, #tpu.memory_space<vmem>> -> memref<128xi32, #tpu.memory_space<vmem>>
      %dma_start3A_346 = arith.constant 0 : i32
      %dma_start3A_347 = arith.constant 0 : i32
      %dma_start3A_348 = tpu.memref_slice %arg10[%dma_start3A_346, %dma_start3A_347] : memref<10240x64xf32, #tpu.memory_space<vmem_shared>> -> memref<10240x64xf32, #tpu.memory_space<vmem_shared>>
      %dma_start3A_349 = tpu.memref_slice %arg13[%dma_start3A_338] : memref<4x!tpu.dma_semaphore, #tpu.memory_space<semaphore_mem>> -> memref<1x!tpu.dma_semaphore, #tpu.memory_space<semaphore_mem>>
      %dma_start3A_350 = tpu.memref_squeeze %dma_start3A_349 : memref<1x!tpu.dma_semaphore, #tpu.memory_space<semaphore_mem>> -> memref<!tpu.dma_semaphore, #tpu.memory_space<semaphore_mem>>
      tpu.enqueue_indirect_dma source(%dma_start3A_342 : memref<128x64xf32, #tpu.memory_space<vmem>>) target(%dma_start3A_348 : memref<10240x64xf32, #tpu.memory_space<vmem_shared>>) offsets(%dma_start3A_345 : memref<128xi32, #tpu.memory_space<vmem>>) semaphore(%dma_start3A_350 : memref<!tpu.dma_semaphore, #tpu.memory_space<semaphore_mem>>) {add = true}
      %dma_wait3A_351 = arith.constant 3 : i32
      %dma_wait3A_352 = arith.constant 3 : i32
      %dma_wait3A_353 = arith.constant 0 : i32
      %dma_wait3A_354 = arith.constant 0 : i32
      %dma_wait3A_355 = tpu.memref_slice %arg9[%dma_wait3A_351, %dma_wait3A_353, %dma_wait3A_354] : memref<4x128x64xf32, #tpu.memory_space<vmem>> -> memref<1x128x64xf32, #tpu.memory_space<vmem>>
      %dma_wait3A_356 = tpu.memref_squeeze %dma_wait3A_355 : memref<1x128x64xf32, #tpu.memory_space<vmem>> -> memref<128x64xf32, #tpu.memory_space<vmem>>
      %dma_wait3A_357 = arith.constant 0 : i32
      %dma_wait3A_358 = tpu.memref_slice %arg8[%rem3A_287, %rem3A_268, %dma_wait3A_357] : memref<3x32x128xi32, #tpu.memory_space<vmem>> -> memref<1x1x128xi32, #tpu.memory_space<vmem>>
      %dma_wait3A_359 = tpu.memref_squeeze %dma_wait3A_358 : memref<1x1x128xi32, #tpu.memory_space<vmem>> -> memref<128xi32, #tpu.memory_space<vmem>>
      %dma_wait3A_360 = arith.constant 0 : i32
      %dma_wait3A_361 = arith.constant 0 : i32
      %dma_wait3A_362 = tpu.memref_slice %arg10[%dma_wait3A_360, %dma_wait3A_361] : memref<10240x64xf32, #tpu.memory_space<vmem_shared>> -> memref<10240x64xf32, #tpu.memory_space<vmem_shared>>
      %dma_wait3A_363 = tpu.memref_slice %arg13[%dma_wait3A_352] : memref<4x!tpu.dma_semaphore, #tpu.memory_space<semaphore_mem>> -> memref<1x!tpu.dma_semaphore, #tpu.memory_space<semaphore_mem>>
      %dma_wait3A_364 = tpu.memref_squeeze %dma_wait3A_363 : memref<1x!tpu.dma_semaphore, #tpu.memory_space<semaphore_mem>> -> memref<!tpu.dma_semaphore, #tpu.memory_space<semaphore_mem>>
      tpu.wait_indirect_dma semaphore(%dma_wait3A_364 : memref<!tpu.dma_semaphore, #tpu.memory_space<semaphore_mem>>) src(%dma_wait3A_356 : memref<128x64xf32, #tpu.memory_space<vmem>>) dst(%dma_wait3A_362 : memref<10240x64xf32, #tpu.memory_space<vmem_shared>>)
      %eq3A_365 = arith.constant 0 : i32
      %eq3A_366 = arith.cmpi eq, %rem3A_268, %eq3A_365 : i32
      %ge3A = arith.constant 1 : i32
      %ge3A_367 = arith.cmpi sge, %select_n3A, %ge3A : i32
      %and3A_368 = arith.andi %eq3A_366, %ge3A_367 : i1
      %add3A_369 = arith.constant 2 : i32
      %add3A_370 = arith.addi %select_n3A, %add3A_369 : i32
      %lt3A = arith.constant 5 : i32
      %lt3A_371 = arith.cmpi slt, %add3A_370, %lt3A : i32
      %and3A_372 = arith.andi %and3A_368, %lt3A_371 : i1
      %convert_element_type3A = arith.extui %and3A_372 : i1 to i32
      %cond3A = arith.constant 0 : i32
      %cond3A_373 = arith.cmpi ne, %convert_element_type3A, %cond3A : i32
      scf.if %cond3A_373 {
        %add3A_536 = arith.constant 2 : i32
        %add3A_537 = arith.addi %select_n3A, %add3A_536 : i32
        %add3A_538 = arith.constant 2 : i32
        %add3A_539 = arith.addi %select_n3A, %add3A_538 : i32
        %rem3A_540 = arith.constant 3 : i32
        %rem3A_541 = arith.remsi %add3A_539, %rem3A_540 : i32
        %mul3A_542 = arith.constant 32 : i32
        %mul3A_543 = arith.muli %add3A_537, %mul3A_542 : i32
        %add3A_544 = arith.addi %mul3A_0, %mul3A_543 : i32
        %dma_start3A_545 = arith.constant 0 : i32
        %dma_start3A_546 = arith.constant 0 : i32
        %dma_start3A_547 = tpu.memref_slice %arg7[%rem3A_541, %dma_start3A_545, %dma_start3A_546] : memref<3x32x128xi32, #tpu.memory_space<vmem>> -> memref<1x32x128xi32, #tpu.memory_space<vmem>>
        %dma_start3A_548 = tpu.memref_squeeze %dma_start3A_547 : memref<1x32x128xi32, #tpu.memory_space<vmem>> -> memref<32x128xi32, #tpu.memory_space<vmem>>
        %dma_start3A_549 = arith.constant 0 : i32
        %dma_start3A_550 = tpu.memref_slice %arg4[%arg0, %add3A_544, %dma_start3A_549] : memref<2x2560x128xi32, #tpu.memory_space<hbm>> -> memref<1x32x128xi32, #tpu.memory_space<hbm>>
        %dma_start3A_551 = tpu.memref_squeeze %dma_start3A_550 : memref<1x32x128xi32, #tpu.memory_space<hbm>> -> memref<32x128xi32, #tpu.memory_space<hbm>>
        %dma_start3A_552 = tpu.memref_slice %arg11[%rem3A_541] : memref<3x!tpu.dma_semaphore, #tpu.memory_space<semaphore_mem>> -> memref<1x!tpu.dma_semaphore, #tpu.memory_space<semaphore_mem>>
        %dma_start3A_553 = tpu.memref_squeeze %dma_start3A_552 : memref<1x!tpu.dma_semaphore, #tpu.memory_space<semaphore_mem>> -> memref<!tpu.dma_semaphore, #tpu.memory_space<semaphore_mem>>
        %dma_start3A_554 = arith.constant 0 : i32
        %dma_start3A_555 = arith.constant 0 : i32
        %dma_start3A_556 = tpu.memref_slice %arg7[%rem3A_541, %dma_start3A_554, %dma_start3A_555] : memref<3x32x128xi32, #tpu.memory_space<vmem>> -> memref<1x32x128xi32, #tpu.memory_space<vmem>>
        %dma_start3A_557 = tpu.memref_squeeze %dma_start3A_556 : memref<1x32x128xi32, #tpu.memory_space<vmem>> -> memref<32x128xi32, #tpu.memory_space<vmem>>
        %dma_start3A_558 = arith.constant 0 : i32
        %dma_start3A_559 = tpu.memref_slice %arg4[%arg0, %add3A_544, %dma_start3A_558] : memref<2x2560x128xi32, #tpu.memory_space<hbm>> -> memref<1x32x128xi32, #tpu.memory_space<hbm>>
        %dma_start3A_560 = tpu.memref_squeeze %dma_start3A_559 : memref<1x32x128xi32, #tpu.memory_space<hbm>> -> memref<32x128xi32, #tpu.memory_space<hbm>>
        tpu.enqueue_dma source(%dma_start3A_560 : memref<32x128xi32, #tpu.memory_space<hbm>>) target(%dma_start3A_557 : memref<32x128xi32, #tpu.memory_space<vmem>>) target_semaphore(%dma_start3A_553 : memref<!tpu.dma_semaphore, #tpu.memory_space<semaphore_mem>>)
        %mul3A_561 = arith.constant 32 : i32
        %mul3A_562 = arith.muli %add3A_537, %mul3A_561 : i32
        %add3A_563 = arith.addi %mul3A_0, %mul3A_562 : i32
        %dma_start3A_564 = arith.constant 0 : i32
        %dma_start3A_565 = arith.constant 0 : i32
        %dma_start3A_566 = tpu.memref_slice %arg8[%rem3A_541, %dma_start3A_564, %dma_start3A_565] : memref<3x32x128xi32, #tpu.memory_space<vmem>> -> memref<1x32x128xi32, #tpu.memory_space<vmem>>
        %dma_start3A_567 = tpu.memref_squeeze %dma_start3A_566 : memref<1x32x128xi32, #tpu.memory_space<vmem>> -> memref<32x128xi32, #tpu.memory_space<vmem>>
        %dma_start3A_568 = arith.constant 0 : i32
        %dma_start3A_569 = tpu.memref_slice %arg5[%add3A_563, %dma_start3A_568] : memref<2560x128xi32, #tpu.memory_space<hbm>> -> memref<32x128xi32, #tpu.memory_space<hbm>>
        %dma_start3A_570 = tpu.memref_slice %arg11[%rem3A_541] : memref<3x!tpu.dma_semaphore, #tpu.memory_space<semaphore_mem>> -> memref<1x!tpu.dma_semaphore, #tpu.memory_space<semaphore_mem>>
        %dma_start3A_571 = tpu.memref_squeeze %dma_start3A_570 : memref<1x!tpu.dma_semaphore, #tpu.memory_space<semaphore_mem>> -> memref<!tpu.dma_semaphore, #tpu.memory_space<semaphore_mem>>
        %dma_start3A_572 = arith.constant 0 : i32
        %dma_start3A_573 = arith.constant 0 : i32
        %dma_start3A_574 = tpu.memref_slice %arg8[%rem3A_541, %dma_start3A_572, %dma_start3A_573] : memref<3x32x128xi32, #tpu.memory_space<vmem>> -> memref<1x32x128xi32, #tpu.memory_space<vmem>>
        %dma_start3A_575 = tpu.memref_squeeze %dma_start3A_574 : memref<1x32x128xi32, #tpu.memory_space<vmem>> -> memref<32x128xi32, #tpu.memory_space<vmem>>
        %dma_start3A_576 = arith.constant 0 : i32
        %dma_start3A_577 = tpu.memref_slice %arg5[%add3A_563, %dma_start3A_576] : memref<2560x128xi32, #tpu.memory_space<hbm>> -> memref<32x128xi32, #tpu.memory_space<hbm>>
        tpu.enqueue_dma source(%dma_start3A_577 : memref<32x128xi32, #tpu.memory_space<hbm>>) target(%dma_start3A_575 : memref<32x128xi32, #tpu.memory_space<vmem>>) target_semaphore(%dma_start3A_571 : memref<!tpu.dma_semaphore, #tpu.memory_space<semaphore_mem>>)
      } else {
      }
      %add3A_374 = arith.constant 3 : i32
      %add3A_375 = arith.addi %rem3A_268, %add3A_374 : i32
      %dma_start3A_376 = arith.constant 3 : i32
      %dma_start3A_377 = arith.constant 3 : i32
      %dma_start3A_378 = arith.constant 0 : i32
      %dma_start3A_379 = arith.constant 0 : i32
      %dma_start3A_380 = tpu.memref_slice %arg9[%dma_start3A_376, %dma_start3A_378, %dma_start3A_379] : memref<4x128x64xf32, #tpu.memory_space<vmem>> -> memref<1x128x64xf32, #tpu.memory_space<vmem>>
      %dma_start3A_381 = tpu.memref_squeeze %dma_start3A_380 : memref<1x128x64xf32, #tpu.memory_space<vmem>> -> memref<128x64xf32, #tpu.memory_space<vmem>>
      %dma_start3A_382 = arith.constant 0 : i32
      %dma_start3A_383 = tpu.memref_slice %arg7[%rem3A_287, %add3A_375, %dma_start3A_382] : memref<3x32x128xi32, #tpu.memory_space<vmem>> -> memref<1x1x128xi32, #tpu.memory_space<vmem>>
      %dma_start3A_384 = tpu.memref_squeeze %dma_start3A_383 : memref<1x1x128xi32, #tpu.memory_space<vmem>> -> memref<128xi32, #tpu.memory_space<vmem>>
      %dma_start3A_385 = arith.constant 0 : i32
      %dma_start3A_386 = arith.constant 0 : i32
      %dma_start3A_387 = tpu.memref_slice %arg2[%dma_start3A_385, %dma_start3A_386] : memref<20480x64xf32, #tpu.memory_space<hbm>> -> memref<20480x64xf32, #tpu.memory_space<hbm>>
      %dma_start3A_388 = tpu.memref_slice %arg12[%dma_start3A_377] : memref<4x!tpu.dma_semaphore, #tpu.memory_space<semaphore_mem>> -> memref<1x!tpu.dma_semaphore, #tpu.memory_space<semaphore_mem>>
      %dma_start3A_389 = tpu.memref_squeeze %dma_start3A_388 : memref<1x!tpu.dma_semaphore, #tpu.memory_space<semaphore_mem>> -> memref<!tpu.dma_semaphore, #tpu.memory_space<semaphore_mem>>
      tpu.enqueue_indirect_dma source(%dma_start3A_387 : memref<20480x64xf32, #tpu.memory_space<hbm>>) target(%dma_start3A_381 : memref<128x64xf32, #tpu.memory_space<vmem>>) offsets(%dma_start3A_384 : memref<128xi32, #tpu.memory_space<vmem>>) semaphore(%dma_start3A_389 : memref<!tpu.dma_semaphore, #tpu.memory_space<semaphore_mem>>)
      %add3A_390 = arith.constant 1 : i32
      %add3A_391 = arith.addi %rem3A_268, %add3A_390 : i32
      %dma_wait3A_392 = arith.constant 1 : i32
      %dma_wait3A_393 = arith.constant 1 : i32
      %dma_wait3A_394 = arith.constant 0 : i32
      %dma_wait3A_395 = arith.constant 0 : i32
      %dma_wait3A_396 = tpu.memref_slice %arg9[%dma_wait3A_392, %dma_wait3A_394, %dma_wait3A_395] : memref<4x128x64xf32, #tpu.memory_space<vmem>> -> memref<1x128x64xf32, #tpu.memory_space<vmem>>
      %dma_wait3A_397 = tpu.memref_squeeze %dma_wait3A_396 : memref<1x128x64xf32, #tpu.memory_space<vmem>> -> memref<128x64xf32, #tpu.memory_space<vmem>>
      %dma_wait3A_398 = arith.constant 0 : i32
      %dma_wait3A_399 = tpu.memref_slice %arg7[%rem3A_287, %add3A_391, %dma_wait3A_398] : memref<3x32x128xi32, #tpu.memory_space<vmem>> -> memref<1x1x128xi32, #tpu.memory_space<vmem>>
      %dma_wait3A_400 = tpu.memref_squeeze %dma_wait3A_399 : memref<1x1x128xi32, #tpu.memory_space<vmem>> -> memref<128xi32, #tpu.memory_space<vmem>>
      %dma_wait3A_401 = arith.constant 0 : i32
      %dma_wait3A_402 = arith.constant 0 : i32
      %dma_wait3A_403 = tpu.memref_slice %arg2[%dma_wait3A_401, %dma_wait3A_402] : memref<20480x64xf32, #tpu.memory_space<hbm>> -> memref<20480x64xf32, #tpu.memory_space<hbm>>
      %dma_wait3A_404 = tpu.memref_slice %arg12[%dma_wait3A_393] : memref<4x!tpu.dma_semaphore, #tpu.memory_space<semaphore_mem>> -> memref<1x!tpu.dma_semaphore, #tpu.memory_space<semaphore_mem>>
      %dma_wait3A_405 = tpu.memref_squeeze %dma_wait3A_404 : memref<1x!tpu.dma_semaphore, #tpu.memory_space<semaphore_mem>> -> memref<!tpu.dma_semaphore, #tpu.memory_space<semaphore_mem>>
      tpu.wait_indirect_dma semaphore(%dma_wait3A_405 : memref<!tpu.dma_semaphore, #tpu.memory_space<semaphore_mem>>) src(%dma_wait3A_403 : memref<20480x64xf32, #tpu.memory_space<hbm>>) dst(%dma_wait3A_397 : memref<128x64xf32, #tpu.memory_space<vmem>>)
      %add3A_406 = arith.constant 1 : i32
      %add3A_407 = arith.addi %rem3A_268, %add3A_406 : i32
      %dma_start3A_408 = arith.constant 1 : i32
      %dma_start3A_409 = arith.constant 1 : i32
      %dma_start3A_410 = arith.constant 0 : i32
      %dma_start3A_411 = arith.constant 0 : i32
      %dma_start3A_412 = tpu.memref_slice %arg9[%dma_start3A_408, %dma_start3A_410, %dma_start3A_411] : memref<4x128x64xf32, #tpu.memory_space<vmem>> -> memref<1x128x64xf32, #tpu.memory_space<vmem>>
      %dma_start3A_413 = tpu.memref_squeeze %dma_start3A_412 : memref<1x128x64xf32, #tpu.memory_space<vmem>> -> memref<128x64xf32, #tpu.memory_space<vmem>>
      %dma_start3A_414 = arith.constant 0 : i32
      %dma_start3A_415 = tpu.memref_slice %arg8[%rem3A_287, %add3A_407, %dma_start3A_414] : memref<3x32x128xi32, #tpu.memory_space<vmem>> -> memref<1x1x128xi32, #tpu.memory_space<vmem>>
      %dma_start3A_416 = tpu.memref_squeeze %dma_start3A_415 : memref<1x1x128xi32, #tpu.memory_space<vmem>> -> memref<128xi32, #tpu.memory_space<vmem>>
      %dma_start3A_417 = arith.constant 0 : i32
      %dma_start3A_418 = arith.constant 0 : i32
      %dma_start3A_419 = tpu.memref_slice %arg10[%dma_start3A_417, %dma_start3A_418] : memref<10240x64xf32, #tpu.memory_space<vmem_shared>> -> memref<10240x64xf32, #tpu.memory_space<vmem_shared>>
      %dma_start3A_420 = tpu.memref_slice %arg13[%dma_start3A_409] : memref<4x!tpu.dma_semaphore, #tpu.memory_space<semaphore_mem>> -> memref<1x!tpu.dma_semaphore, #tpu.memory_space<semaphore_mem>>
      %dma_start3A_421 = tpu.memref_squeeze %dma_start3A_420 : memref<1x!tpu.dma_semaphore, #tpu.memory_space<semaphore_mem>> -> memref<!tpu.dma_semaphore, #tpu.memory_space<semaphore_mem>>
      tpu.enqueue_indirect_dma source(%dma_start3A_413 : memref<128x64xf32, #tpu.memory_space<vmem>>) target(%dma_start3A_419 : memref<10240x64xf32, #tpu.memory_space<vmem_shared>>) offsets(%dma_start3A_416 : memref<128xi32, #tpu.memory_space<vmem>>) semaphore(%dma_start3A_421 : memref<!tpu.dma_semaphore, #tpu.memory_space<semaphore_mem>>) {add = true}
      %dma_wait3A_422 = arith.constant 0 : i32
      %dma_wait3A_423 = arith.constant 0 : i32
      %dma_wait3A_424 = arith.constant 0 : i32
      %dma_wait3A_425 = arith.constant 0 : i32
      %dma_wait3A_426 = tpu.memref_slice %arg9[%dma_wait3A_422, %dma_wait3A_424, %dma_wait3A_425] : memref<4x128x64xf32, #tpu.memory_space<vmem>> -> memref<1x128x64xf32, #tpu.memory_space<vmem>>
      %dma_wait3A_427 = tpu.memref_squeeze %dma_wait3A_426 : memref<1x128x64xf32, #tpu.memory_space<vmem>> -> memref<128x64xf32, #tpu.memory_space<vmem>>
      %dma_wait3A_428 = arith.constant 0 : i32
      %dma_wait3A_429 = tpu.memref_slice %arg8[%rem3A_287, %rem3A_268, %dma_wait3A_428] : memref<3x32x128xi32, #tpu.memory_space<vmem>> -> memref<1x1x128xi32, #tpu.memory_space<vmem>>
      %dma_wait3A_430 = tpu.memref_squeeze %dma_wait3A_429 : memref<1x1x128xi32, #tpu.memory_space<vmem>> -> memref<128xi32, #tpu.memory_space<vmem>>
      %dma_wait3A_431 = arith.constant 0 : i32
      %dma_wait3A_432 = arith.constant 0 : i32
      %dma_wait3A_433 = tpu.memref_slice %arg10[%dma_wait3A_431, %dma_wait3A_432] : memref<10240x64xf32, #tpu.memory_space<vmem_shared>> -> memref<10240x64xf32, #tpu.memory_space<vmem_shared>>
      %dma_wait3A_434 = tpu.memref_slice %arg13[%dma_wait3A_423] : memref<4x!tpu.dma_semaphore, #tpu.memory_space<semaphore_mem>> -> memref<1x!tpu.dma_semaphore, #tpu.memory_space<semaphore_mem>>
      %dma_wait3A_435 = tpu.memref_squeeze %dma_wait3A_434 : memref<1x!tpu.dma_semaphore, #tpu.memory_space<semaphore_mem>> -> memref<!tpu.dma_semaphore, #tpu.memory_space<semaphore_mem>>
      tpu.wait_indirect_dma semaphore(%dma_wait3A_435 : memref<!tpu.dma_semaphore, #tpu.memory_space<semaphore_mem>>) src(%dma_wait3A_427 : memref<128x64xf32, #tpu.memory_space<vmem>>) dst(%dma_wait3A_433 : memref<10240x64xf32, #tpu.memory_space<vmem_shared>>)
      %add3A_436 = arith.constant 1 : i32
      %add3A_437 = arith.addi %select_n3A, %add3A_436 : i32
      %lt3A_438 = arith.constant 5 : i32
      %lt3A_439 = arith.cmpi slt, %add3A_437, %lt3A_438 : i32
      %and3A_440 = arith.andi %eq3A_292, %lt3A_439 : i1
      %convert_element_type3A_441 = arith.extui %and3A_440 : i1 to i32
      %cond3A_442 = arith.constant 0 : i32
      %cond3A_443 = arith.cmpi ne, %convert_element_type3A_441, %cond3A_442 : i32
      scf.if %cond3A_443 {
        %add3A_536 = arith.constant 1 : i32
        %add3A_537 = arith.addi %select_n3A, %add3A_536 : i32
        %mul3A_538 = arith.constant 32 : i32
        %mul3A_539 = arith.muli %add3A_537, %mul3A_538 : i32
        %add3A_540 = arith.addi %mul3A_0, %mul3A_539 : i32
        %dma_wait3A_541 = arith.constant 0 : i32
        %dma_wait3A_542 = arith.constant 0 : i32
        %dma_wait3A_543 = tpu.memref_slice %arg7[%rem3A_291, %dma_wait3A_541, %dma_wait3A_542] : memref<3x32x128xi32, #tpu.memory_space<vmem>> -> memref<1x32x128xi32, #tpu.memory_space<vmem>>
        %dma_wait3A_544 = tpu.memref_squeeze %dma_wait3A_543 : memref<1x32x128xi32, #tpu.memory_space<vmem>> -> memref<32x128xi32, #tpu.memory_space<vmem>>
        %dma_wait3A_545 = arith.constant 0 : i32
        %dma_wait3A_546 = tpu.memref_slice %arg4[%arg0, %add3A_540, %dma_wait3A_545] : memref<2x2560x128xi32, #tpu.memory_space<hbm>> -> memref<1x32x128xi32, #tpu.memory_space<hbm>>
        %dma_wait3A_547 = tpu.memref_squeeze %dma_wait3A_546 : memref<1x32x128xi32, #tpu.memory_space<hbm>> -> memref<32x128xi32, #tpu.memory_space<hbm>>
        %dma_wait3A_548 = tpu.memref_slice %arg11[%rem3A_291] : memref<3x!tpu.dma_semaphore, #tpu.memory_space<semaphore_mem>> -> memref<1x!tpu.dma_semaphore, #tpu.memory_space<semaphore_mem>>
        %dma_wait3A_549 = tpu.memref_squeeze %dma_wait3A_548 : memref<1x!tpu.dma_semaphore, #tpu.memory_space<semaphore_mem>> -> memref<!tpu.dma_semaphore, #tpu.memory_space<semaphore_mem>>
        %dma_wait3A_550 = arith.constant 0 : i32
        %dma_wait3A_551 = arith.constant 0 : i32
        %dma_wait3A_552 = tpu.memref_slice %arg7[%rem3A_291, %dma_wait3A_550, %dma_wait3A_551] : memref<3x32x128xi32, #tpu.memory_space<vmem>> -> memref<1x32x128xi32, #tpu.memory_space<vmem>>
        %dma_wait3A_553 = tpu.memref_squeeze %dma_wait3A_552 : memref<1x32x128xi32, #tpu.memory_space<vmem>> -> memref<32x128xi32, #tpu.memory_space<vmem>>
        %dma_wait3A_554 = arith.constant 0 : i32
        %dma_wait3A_555 = tpu.memref_slice %arg4[%arg0, %add3A_540, %dma_wait3A_554] : memref<2x2560x128xi32, #tpu.memory_space<hbm>> -> memref<1x32x128xi32, #tpu.memory_space<hbm>>
        %dma_wait3A_556 = tpu.memref_squeeze %dma_wait3A_555 : memref<1x32x128xi32, #tpu.memory_space<hbm>> -> memref<32x128xi32, #tpu.memory_space<hbm>>
        tpu.wait_dma2 semaphore(%dma_wait3A_549 : memref<!tpu.dma_semaphore, #tpu.memory_space<semaphore_mem>>) src(%dma_wait3A_556 : memref<32x128xi32, #tpu.memory_space<hbm>>) dst(%dma_wait3A_553 : memref<32x128xi32, #tpu.memory_space<vmem>>)
        %mul3A_557 = arith.constant 32 : i32
        %mul3A_558 = arith.muli %add3A_537, %mul3A_557 : i32
        %add3A_559 = arith.addi %mul3A_0, %mul3A_558 : i32
        %dma_wait3A_560 = arith.constant 0 : i32
        %dma_wait3A_561 = arith.constant 0 : i32
        %dma_wait3A_562 = tpu.memref_slice %arg8[%rem3A_291, %dma_wait3A_560, %dma_wait3A_561] : memref<3x32x128xi32, #tpu.memory_space<vmem>> -> memref<1x32x128xi32, #tpu.memory_space<vmem>>
        %dma_wait3A_563 = tpu.memref_squeeze %dma_wait3A_562 : memref<1x32x128xi32, #tpu.memory_space<vmem>> -> memref<32x128xi32, #tpu.memory_space<vmem>>
        %dma_wait3A_564 = arith.constant 0 : i32
        %dma_wait3A_565 = tpu.memref_slice %arg5[%add3A_559, %dma_wait3A_564] : memref<2560x128xi32, #tpu.memory_space<hbm>> -> memref<32x128xi32, #tpu.memory_space<hbm>>
        %dma_wait3A_566 = tpu.memref_slice %arg11[%rem3A_291] : memref<3x!tpu.dma_semaphore, #tpu.memory_space<semaphore_mem>> -> memref<1x!tpu.dma_semaphore, #tpu.memory_space<semaphore_mem>>
        %dma_wait3A_567 = tpu.memref_squeeze %dma_wait3A_566 : memref<1x!tpu.dma_semaphore, #tpu.memory_space<semaphore_mem>> -> memref<!tpu.dma_semaphore, #tpu.memory_space<semaphore_mem>>
        %dma_wait3A_568 = arith.constant 0 : i32
        %dma_wait3A_569 = arith.constant 0 : i32
        %dma_wait3A_570 = tpu.memref_slice %arg8[%rem3A_291, %dma_wait3A_568, %dma_wait3A_569] : memref<3x32x128xi32, #tpu.memory_space<vmem>> -> memref<1x32x128xi32, #tpu.memory_space<vmem>>
        %dma_wait3A_571 = tpu.memref_squeeze %dma_wait3A_570 : memref<1x32x128xi32, #tpu.memory_space<vmem>> -> memref<32x128xi32, #tpu.memory_space<vmem>>
        %dma_wait3A_572 = arith.constant 0 : i32
        %dma_wait3A_573 = tpu.memref_slice %arg5[%add3A_559, %dma_wait3A_572] : memref<2560x128xi32, #tpu.memory_space<hbm>> -> memref<32x128xi32, #tpu.memory_space<hbm>>
        tpu.wait_dma2 semaphore(%dma_wait3A_567 : memref<!tpu.dma_semaphore, #tpu.memory_space<semaphore_mem>>) src(%dma_wait3A_573 : memref<32x128xi32, #tpu.memory_space<hbm>>) dst(%dma_wait3A_571 : memref<32x128xi32, #tpu.memory_space<vmem>>)
      } else {
      }
      %add3A_444 = arith.constant 4 : i32
      %add3A_445 = arith.addi %mul3A_267, %add3A_444 : i32
      %lt3A_446 = arith.constant 160 : i32
      %lt3A_447 = arith.cmpi slt, %add3A_445, %lt3A_446 : i32
      %convert_element_type3A_448 = arith.extui %lt3A_447 : i1 to i32
      %cond3A_449 = arith.constant 0 : i32
      %cond3A_450 = arith.cmpi ne, %convert_element_type3A_448, %cond3A_449 : i32
      scf.if %cond3A_450 {
        %select_n3A_536 = arith.select %eq3A_292, %rem3A_291, %rem3A_287 : i32
        %add3A_537 = arith.constant 4 : i32
        %add3A_538 = arith.addi %rem3A_268, %add3A_537 : i32
        %jit3A_539 = arith.constant 0 : i32
        %select_n3A_540 = arith.select %eq3A_292, %jit3A_539, %add3A_538 : i32
        %dma_start3A_541 = arith.constant 0 : i32
        %dma_start3A_542 = arith.constant 0 : i32
        %dma_start3A_543 = arith.constant 0 : i32
        %dma_start3A_544 = arith.constant 0 : i32
        %dma_start3A_545 = tpu.memref_slice %arg9[%dma_start3A_541, %dma_start3A_543, %dma_start3A_544] : memref<4x128x64xf32, #tpu.memory_space<vmem>> -> memref<1x128x64xf32, #tpu.memory_space<vmem>>
        %dma_start3A_546 = tpu.memref_squeeze %dma_start3A_545 : memref<1x128x64xf32, #tpu.memory_space<vmem>> -> memref<128x64xf32, #tpu.memory_space<vmem>>
        %dma_start3A_547 = arith.constant 0 : i32
        %dma_start3A_548 = tpu.memref_slice %arg7[%select_n3A_536, %select_n3A_540, %dma_start3A_547] : memref<3x32x128xi32, #tpu.memory_space<vmem>> -> memref<1x1x128xi32, #tpu.memory_space<vmem>>
        %dma_start3A_549 = tpu.memref_squeeze %dma_start3A_548 : memref<1x1x128xi32, #tpu.memory_space<vmem>> -> memref<128xi32, #tpu.memory_space<vmem>>
        %dma_start3A_550 = arith.constant 0 : i32
        %dma_start3A_551 = arith.constant 0 : i32
        %dma_start3A_552 = tpu.memref_slice %arg2[%dma_start3A_550, %dma_start3A_551] : memref<20480x64xf32, #tpu.memory_space<hbm>> -> memref<20480x64xf32, #tpu.memory_space<hbm>>
        %dma_start3A_553 = tpu.memref_slice %arg12[%dma_start3A_542] : memref<4x!tpu.dma_semaphore, #tpu.memory_space<semaphore_mem>> -> memref<1x!tpu.dma_semaphore, #tpu.memory_space<semaphore_mem>>
        %dma_start3A_554 = tpu.memref_squeeze %dma_start3A_553 : memref<1x!tpu.dma_semaphore, #tpu.memory_space<semaphore_mem>> -> memref<!tpu.dma_semaphore, #tpu.memory_space<semaphore_mem>>
        tpu.enqueue_indirect_dma source(%dma_start3A_552 : memref<20480x64xf32, #tpu.memory_space<hbm>>) target(%dma_start3A_546 : memref<128x64xf32, #tpu.memory_space<vmem>>) offsets(%dma_start3A_549 : memref<128xi32, #tpu.memory_space<vmem>>) semaphore(%dma_start3A_554 : memref<!tpu.dma_semaphore, #tpu.memory_space<semaphore_mem>>)
      } else {
      }
      %add3A_451 = arith.constant 2 : i32
      %add3A_452 = arith.addi %rem3A_268, %add3A_451 : i32
      %dma_wait3A_453 = arith.constant 2 : i32
      %dma_wait3A_454 = arith.constant 2 : i32
      %dma_wait3A_455 = arith.constant 0 : i32
      %dma_wait3A_456 = arith.constant 0 : i32
      %dma_wait3A_457 = tpu.memref_slice %arg9[%dma_wait3A_453, %dma_wait3A_455, %dma_wait3A_456] : memref<4x128x64xf32, #tpu.memory_space<vmem>> -> memref<1x128x64xf32, #tpu.memory_space<vmem>>
      %dma_wait3A_458 = tpu.memref_squeeze %dma_wait3A_457 : memref<1x128x64xf32, #tpu.memory_space<vmem>> -> memref<128x64xf32, #tpu.memory_space<vmem>>
      %dma_wait3A_459 = arith.constant 0 : i32
      %dma_wait3A_460 = tpu.memref_slice %arg7[%rem3A_287, %add3A_452, %dma_wait3A_459] : memref<3x32x128xi32, #tpu.memory_space<vmem>> -> memref<1x1x128xi32, #tpu.memory_space<vmem>>
      %dma_wait3A_461 = tpu.memref_squeeze %dma_wait3A_460 : memref<1x1x128xi32, #tpu.memory_space<vmem>> -> memref<128xi32, #tpu.memory_space<vmem>>
      %dma_wait3A_462 = arith.constant 0 : i32
      %dma_wait3A_463 = arith.constant 0 : i32
      %dma_wait3A_464 = tpu.memref_slice %arg2[%dma_wait3A_462, %dma_wait3A_463] : memref<20480x64xf32, #tpu.memory_space<hbm>> -> memref<20480x64xf32, #tpu.memory_space<hbm>>
      %dma_wait3A_465 = tpu.memref_slice %arg12[%dma_wait3A_454] : memref<4x!tpu.dma_semaphore, #tpu.memory_space<semaphore_mem>> -> memref<1x!tpu.dma_semaphore, #tpu.memory_space<semaphore_mem>>
      %dma_wait3A_466 = tpu.memref_squeeze %dma_wait3A_465 : memref<1x!tpu.dma_semaphore, #tpu.memory_space<semaphore_mem>> -> memref<!tpu.dma_semaphore, #tpu.memory_space<semaphore_mem>>
      tpu.wait_indirect_dma semaphore(%dma_wait3A_466 : memref<!tpu.dma_semaphore, #tpu.memory_space<semaphore_mem>>) src(%dma_wait3A_464 : memref<20480x64xf32, #tpu.memory_space<hbm>>) dst(%dma_wait3A_458 : memref<128x64xf32, #tpu.memory_space<vmem>>)
      %add3A_467 = arith.constant 2 : i32
      %add3A_468 = arith.addi %rem3A_268, %add3A_467 : i32
      %dma_start3A_469 = arith.constant 2 : i32
      %dma_start3A_470 = arith.constant 2 : i32
      %dma_start3A_471 = arith.constant 0 : i32
      %dma_start3A_472 = arith.constant 0 : i32
      %dma_start3A_473 = tpu.memref_slice %arg9[%dma_start3A_469, %dma_start3A_471, %dma_start3A_472] : memref<4x128x64xf32, #tpu.memory_space<vmem>> -> memref<1x128x64xf32, #tpu.memory_space<vmem>>
      %dma_start3A_474 = tpu.memref_squeeze %dma_start3A_473 : memref<1x128x64xf32, #tpu.memory_space<vmem>> -> memref<128x64xf32, #tpu.memory_space<vmem>>
      %dma_start3A_475 = arith.constant 0 : i32
      %dma_start3A_476 = tpu.memref_slice %arg8[%rem3A_287, %add3A_468, %dma_start3A_475] : memref<3x32x128xi32, #tpu.memory_space<vmem>> -> memref<1x1x128xi32, #tpu.memory_space<vmem>>
      %dma_start3A_477 = tpu.memref_squeeze %dma_start3A_476 : memref<1x1x128xi32, #tpu.memory_space<vmem>> -> memref<128xi32, #tpu.memory_space<vmem>>
      %dma_start3A_478 = arith.constant 0 : i32
      %dma_start3A_479 = arith.constant 0 : i32
      %dma_start3A_480 = tpu.memref_slice %arg10[%dma_start3A_478, %dma_start3A_479] : memref<10240x64xf32, #tpu.memory_space<vmem_shared>> -> memref<10240x64xf32, #tpu.memory_space<vmem_shared>>
      %dma_start3A_481 = tpu.memref_slice %arg13[%dma_start3A_470] : memref<4x!tpu.dma_semaphore, #tpu.memory_space<semaphore_mem>> -> memref<1x!tpu.dma_semaphore, #tpu.memory_space<semaphore_mem>>
      %dma_start3A_482 = tpu.memref_squeeze %dma_start3A_481 : memref<1x!tpu.dma_semaphore, #tpu.memory_space<semaphore_mem>> -> memref<!tpu.dma_semaphore, #tpu.memory_space<semaphore_mem>>
      tpu.enqueue_indirect_dma source(%dma_start3A_474 : memref<128x64xf32, #tpu.memory_space<vmem>>) target(%dma_start3A_480 : memref<10240x64xf32, #tpu.memory_space<vmem_shared>>) offsets(%dma_start3A_477 : memref<128xi32, #tpu.memory_space<vmem>>) semaphore(%dma_start3A_482 : memref<!tpu.dma_semaphore, #tpu.memory_space<semaphore_mem>>) {add = true}
      %dma_wait3A_483 = arith.constant 1 : i32
      %dma_wait3A_484 = arith.constant 1 : i32
      %dma_wait3A_485 = arith.constant 0 : i32
      %dma_wait3A_486 = arith.constant 0 : i32
      %dma_wait3A_487 = tpu.memref_slice %arg9[%dma_wait3A_483, %dma_wait3A_485, %dma_wait3A_486] : memref<4x128x64xf32, #tpu.memory_space<vmem>> -> memref<1x128x64xf32, #tpu.memory_space<vmem>>
      %dma_wait3A_488 = tpu.memref_squeeze %dma_wait3A_487 : memref<1x128x64xf32, #tpu.memory_space<vmem>> -> memref<128x64xf32, #tpu.memory_space<vmem>>
      %dma_wait3A_489 = arith.constant 0 : i32
      %dma_wait3A_490 = tpu.memref_slice %arg8[%rem3A_287, %rem3A_268, %dma_wait3A_489] : memref<3x32x128xi32, #tpu.memory_space<vmem>> -> memref<1x1x128xi32, #tpu.memory_space<vmem>>
      %dma_wait3A_491 = tpu.memref_squeeze %dma_wait3A_490 : memref<1x1x128xi32, #tpu.memory_space<vmem>> -> memref<128xi32, #tpu.memory_space<vmem>>
      %dma_wait3A_492 = arith.constant 0 : i32
      %dma_wait3A_493 = arith.constant 0 : i32
      %dma_wait3A_494 = tpu.memref_slice %arg10[%dma_wait3A_492, %dma_wait3A_493] : memref<10240x64xf32, #tpu.memory_space<vmem_shared>> -> memref<10240x64xf32, #tpu.memory_space<vmem_shared>>
      %dma_wait3A_495 = tpu.memref_slice %arg13[%dma_wait3A_484] : memref<4x!tpu.dma_semaphore, #tpu.memory_space<semaphore_mem>> -> memref<1x!tpu.dma_semaphore, #tpu.memory_space<semaphore_mem>>
      %dma_wait3A_496 = tpu.memref_squeeze %dma_wait3A_495 : memref<1x!tpu.dma_semaphore, #tpu.memory_space<semaphore_mem>> -> memref<!tpu.dma_semaphore, #tpu.memory_space<semaphore_mem>>
      tpu.wait_indirect_dma semaphore(%dma_wait3A_496 : memref<!tpu.dma_semaphore, #tpu.memory_space<semaphore_mem>>) src(%dma_wait3A_488 : memref<128x64xf32, #tpu.memory_space<vmem>>) dst(%dma_wait3A_494 : memref<10240x64xf32, #tpu.memory_space<vmem_shared>>)
      %add3A_497 = arith.constant 5 : i32
      %add3A_498 = arith.addi %mul3A_267, %add3A_497 : i32
      %lt3A_499 = arith.constant 160 : i32
      %lt3A_500 = arith.cmpi slt, %add3A_498, %lt3A_499 : i32
      %convert_element_type3A_501 = arith.extui %lt3A_500 : i1 to i32
      %cond3A_502 = arith.constant 0 : i32
      %cond3A_503 = arith.cmpi ne, %convert_element_type3A_501, %cond3A_502 : i32
      scf.if %cond3A_503 {
        %select_n3A_536 = arith.select %eq3A_292, %rem3A_291, %rem3A_287 : i32
        %add3A_537 = arith.constant 5 : i32
        %add3A_538 = arith.addi %rem3A_268, %add3A_537 : i32
        %jit3A_539 = arith.constant 1 : i32
        %select_n3A_540 = arith.select %eq3A_292, %jit3A_539, %add3A_538 : i32
        %dma_start3A_541 = arith.constant 1 : i32
        %dma_start3A_542 = arith.constant 1 : i32
        %dma_start3A_543 = arith.constant 0 : i32
        %dma_start3A_544 = arith.constant 0 : i32
        %dma_start3A_545 = tpu.memref_slice %arg9[%dma_start3A_541, %dma_start3A_543, %dma_start3A_544] : memref<4x128x64xf32, #tpu.memory_space<vmem>> -> memref<1x128x64xf32, #tpu.memory_space<vmem>>
        %dma_start3A_546 = tpu.memref_squeeze %dma_start3A_545 : memref<1x128x64xf32, #tpu.memory_space<vmem>> -> memref<128x64xf32, #tpu.memory_space<vmem>>
        %dma_start3A_547 = arith.constant 0 : i32
        %dma_start3A_548 = tpu.memref_slice %arg7[%select_n3A_536, %select_n3A_540, %dma_start3A_547] : memref<3x32x128xi32, #tpu.memory_space<vmem>> -> memref<1x1x128xi32, #tpu.memory_space<vmem>>
        %dma_start3A_549 = tpu.memref_squeeze %dma_start3A_548 : memref<1x1x128xi32, #tpu.memory_space<vmem>> -> memref<128xi32, #tpu.memory_space<vmem>>
        %dma_start3A_550 = arith.constant 0 : i32
        %dma_start3A_551 = arith.constant 0 : i32
        %dma_start3A_552 = tpu.memref_slice %arg2[%dma_start3A_550, %dma_start3A_551] : memref<20480x64xf32, #tpu.memory_space<hbm>> -> memref<20480x64xf32, #tpu.memory_space<hbm>>
        %dma_start3A_553 = tpu.memref_slice %arg12[%dma_start3A_542] : memref<4x!tpu.dma_semaphore, #tpu.memory_space<semaphore_mem>> -> memref<1x!tpu.dma_semaphore, #tpu.memory_space<semaphore_mem>>
        %dma_start3A_554 = tpu.memref_squeeze %dma_start3A_553 : memref<1x!tpu.dma_semaphore, #tpu.memory_space<semaphore_mem>> -> memref<!tpu.dma_semaphore, #tpu.memory_space<semaphore_mem>>
        tpu.enqueue_indirect_dma source(%dma_start3A_552 : memref<20480x64xf32, #tpu.memory_space<hbm>>) target(%dma_start3A_546 : memref<128x64xf32, #tpu.memory_space<vmem>>) offsets(%dma_start3A_549 : memref<128xi32, #tpu.memory_space<vmem>>) semaphore(%dma_start3A_554 : memref<!tpu.dma_semaphore, #tpu.memory_space<semaphore_mem>>)
      } else {
      }
      %add3A_504 = arith.constant 3 : i32
      %add3A_505 = arith.addi %rem3A_268, %add3A_504 : i32
      %dma_wait3A_506 = arith.constant 3 : i32
      %dma_wait3A_507 = arith.constant 3 : i32
      %dma_wait3A_508 = arith.constant 0 : i32
      %dma_wait3A_509 = arith.constant 0 : i32
      %dma_wait3A_510 = tpu.memref_slice %arg9[%dma_wait3A_506, %dma_wait3A_508, %dma_wait3A_509] : memref<4x128x64xf32, #tpu.memory_space<vmem>> -> memref<1x128x64xf32, #tpu.memory_space<vmem>>
      %dma_wait3A_511 = tpu.memref_squeeze %dma_wait3A_510 : memref<1x128x64xf32, #tpu.memory_space<vmem>> -> memref<128x64xf32, #tpu.memory_space<vmem>>
      %dma_wait3A_512 = arith.constant 0 : i32
      %dma_wait3A_513 = tpu.memref_slice %arg7[%rem3A_287, %add3A_505, %dma_wait3A_512] : memref<3x32x128xi32, #tpu.memory_space<vmem>> -> memref<1x1x128xi32, #tpu.memory_space<vmem>>
      %dma_wait3A_514 = tpu.memref_squeeze %dma_wait3A_513 : memref<1x1x128xi32, #tpu.memory_space<vmem>> -> memref<128xi32, #tpu.memory_space<vmem>>
      %dma_wait3A_515 = arith.constant 0 : i32
      %dma_wait3A_516 = arith.constant 0 : i32
      %dma_wait3A_517 = tpu.memref_slice %arg2[%dma_wait3A_515, %dma_wait3A_516] : memref<20480x64xf32, #tpu.memory_space<hbm>> -> memref<20480x64xf32, #tpu.memory_space<hbm>>
      %dma_wait3A_518 = tpu.memref_slice %arg12[%dma_wait3A_507] : memref<4x!tpu.dma_semaphore, #tpu.memory_space<semaphore_mem>> -> memref<1x!tpu.dma_semaphore, #tpu.memory_space<semaphore_mem>>
      %dma_wait3A_519 = tpu.memref_squeeze %dma_wait3A_518 : memref<1x!tpu.dma_semaphore, #tpu.memory_space<semaphore_mem>> -> memref<!tpu.dma_semaphore, #tpu.memory_space<semaphore_mem>>
      tpu.wait_indirect_dma semaphore(%dma_wait3A_519 : memref<!tpu.dma_semaphore, #tpu.memory_space<semaphore_mem>>) src(%dma_wait3A_517 : memref<20480x64xf32, #tpu.memory_space<hbm>>) dst(%dma_wait3A_511 : memref<128x64xf32, #tpu.memory_space<vmem>>)
      %add3A_520 = arith.constant 3 : i32
      %add3A_521 = arith.addi %rem3A_268, %add3A_520 : i32
      %dma_start3A_522 = arith.constant 3 : i32
      %dma_start3A_523 = arith.constant 3 : i32
      %dma_start3A_524 = arith.constant 0 : i32
      %dma_start3A_525 = arith.constant 0 : i32
      %dma_start3A_526 = tpu.memref_slice %arg9[%dma_start3A_522, %dma_start3A_524, %dma_start3A_525] : memref<4x128x64xf32, #tpu.memory_space<vmem>> -> memref<1x128x64xf32, #tpu.memory_space<vmem>>
      %dma_start3A_527 = tpu.memref_squeeze %dma_start3A_526 : memref<1x128x64xf32, #tpu.memory_space<vmem>> -> memref<128x64xf32, #tpu.memory_space<vmem>>
      %dma_start3A_528 = arith.constant 0 : i32
      %dma_start3A_529 = tpu.memref_slice %arg8[%rem3A_287, %add3A_521, %dma_start3A_528] : memref<3x32x128xi32, #tpu.memory_space<vmem>> -> memref<1x1x128xi32, #tpu.memory_space<vmem>>
      %dma_start3A_530 = tpu.memref_squeeze %dma_start3A_529 : memref<1x1x128xi32, #tpu.memory_space<vmem>> -> memref<128xi32, #tpu.memory_space<vmem>>
      %dma_start3A_531 = arith.constant 0 : i32
      %dma_start3A_532 = arith.constant 0 : i32
      %dma_start3A_533 = tpu.memref_slice %arg10[%dma_start3A_531, %dma_start3A_532] : memref<10240x64xf32, #tpu.memory_space<vmem_shared>> -> memref<10240x64xf32, #tpu.memory_space<vmem_shared>>
      %dma_start3A_534 = tpu.memref_slice %arg13[%dma_start3A_523] : memref<4x!tpu.dma_semaphore, #tpu.memory_space<semaphore_mem>> -> memref<1x!tpu.dma_semaphore, #tpu.memory_space<semaphore_mem>>
      %dma_start3A_535 = tpu.memref_squeeze %dma_start3A_534 : memref<1x!tpu.dma_semaphore, #tpu.memory_space<semaphore_mem>> -> memref<!tpu.dma_semaphore, #tpu.memory_space<semaphore_mem>>
      tpu.enqueue_indirect_dma source(%dma_start3A_527 : memref<128x64xf32, #tpu.memory_space<vmem>>) target(%dma_start3A_533 : memref<10240x64xf32, #tpu.memory_space<vmem_shared>>) offsets(%dma_start3A_530 : memref<128xi32, #tpu.memory_space<vmem>>) semaphore(%dma_start3A_535 : memref<!tpu.dma_semaphore, #tpu.memory_space<semaphore_mem>>) {add = true}
    }
    %scan3A_225 = arith.constant 40 : i32
    %dma_wait3A_226 = arith.constant 2 : i32
    %dma_wait3A_227 = arith.constant 0 : i32
    %dma_wait3A_228 = arith.constant 0 : i32
    %dma_wait3A_229 = arith.constant 2 : i32
    %dma_wait3A_230 = arith.constant 0 : i32
    %dma_wait3A_231 = arith.constant 0 : i32
    %dma_wait3A_232 = tpu.memref_slice %arg9[%dma_wait3A_226, %dma_wait3A_230, %dma_wait3A_231] : memref<4x128x64xf32, #tpu.memory_space<vmem>> -> memref<1x128x64xf32, #tpu.memory_space<vmem>>
    %dma_wait3A_233 = tpu.memref_squeeze %dma_wait3A_232 : memref<1x128x64xf32, #tpu.memory_space<vmem>> -> memref<128x64xf32, #tpu.memory_space<vmem>>
    %dma_wait3A_234 = arith.constant 0 : i32
    %dma_wait3A_235 = tpu.memref_slice %arg8[%dma_wait3A_227, %dma_wait3A_228, %dma_wait3A_234] : memref<3x32x128xi32, #tpu.memory_space<vmem>> -> memref<1x1x128xi32, #tpu.memory_space<vmem>>
    %dma_wait3A_236 = tpu.memref_squeeze %dma_wait3A_235 : memref<1x1x128xi32, #tpu.memory_space<vmem>> -> memref<128xi32, #tpu.memory_space<vmem>>
    %dma_wait3A_237 = arith.constant 0 : i32
    %dma_wait3A_238 = arith.constant 0 : i32
    %dma_wait3A_239 = tpu.memref_slice %arg10[%dma_wait3A_237, %dma_wait3A_238] : memref<10240x64xf32, #tpu.memory_space<vmem_shared>> -> memref<10240x64xf32, #tpu.memory_space<vmem_shared>>
    %dma_wait3A_240 = tpu.memref_slice %arg13[%dma_wait3A_229] : memref<4x!tpu.dma_semaphore, #tpu.memory_space<semaphore_mem>> -> memref<1x!tpu.dma_semaphore, #tpu.memory_space<semaphore_mem>>
    %dma_wait3A_241 = tpu.memref_squeeze %dma_wait3A_240 : memref<1x!tpu.dma_semaphore, #tpu.memory_space<semaphore_mem>> -> memref<!tpu.dma_semaphore, #tpu.memory_space<semaphore_mem>>
    tpu.wait_indirect_dma semaphore(%dma_wait3A_241 : memref<!tpu.dma_semaphore, #tpu.memory_space<semaphore_mem>>) src(%dma_wait3A_233 : memref<128x64xf32, #tpu.memory_space<vmem>>) dst(%dma_wait3A_239 : memref<10240x64xf32, #tpu.memory_space<vmem_shared>>)
    %dma_wait3A_242 = arith.constant 3 : i32
    %dma_wait3A_243 = arith.constant 0 : i32
    %dma_wait3A_244 = arith.constant 0 : i32
    %dma_wait3A_245 = arith.constant 3 : i32
    %dma_wait3A_246 = arith.constant 0 : i32
    %dma_wait3A_247 = arith.constant 0 : i32
    %dma_wait3A_248 = tpu.memref_slice %arg9[%dma_wait3A_242, %dma_wait3A_246, %dma_wait3A_247] : memref<4x128x64xf32, #tpu.memory_space<vmem>> -> memref<1x128x64xf32, #tpu.memory_space<vmem>>
    %dma_wait3A_249 = tpu.memref_squeeze %dma_wait3A_248 : memref<1x128x64xf32, #tpu.memory_space<vmem>> -> memref<128x64xf32, #tpu.memory_space<vmem>>
    %dma_wait3A_250 = arith.constant 0 : i32
    %dma_wait3A_251 = tpu.memref_slice %arg8[%dma_wait3A_243, %dma_wait3A_244, %dma_wait3A_250] : memref<3x32x128xi32, #tpu.memory_space<vmem>> -> memref<1x1x128xi32, #tpu.memory_space<vmem>>
    %dma_wait3A_252 = tpu.memref_squeeze %dma_wait3A_251 : memref<1x1x128xi32, #tpu.memory_space<vmem>> -> memref<128xi32, #tpu.memory_space<vmem>>
    %dma_wait3A_253 = arith.constant 0 : i32
    %dma_wait3A_254 = arith.constant 0 : i32
    %dma_wait3A_255 = tpu.memref_slice %arg10[%dma_wait3A_253, %dma_wait3A_254] : memref<10240x64xf32, #tpu.memory_space<vmem_shared>> -> memref<10240x64xf32, #tpu.memory_space<vmem_shared>>
    %dma_wait3A_256 = tpu.memref_slice %arg13[%dma_wait3A_245] : memref<4x!tpu.dma_semaphore, #tpu.memory_space<semaphore_mem>> -> memref<1x!tpu.dma_semaphore, #tpu.memory_space<semaphore_mem>>
    %dma_wait3A_257 = tpu.memref_squeeze %dma_wait3A_256 : memref<1x!tpu.dma_semaphore, #tpu.memory_space<semaphore_mem>> -> memref<!tpu.dma_semaphore, #tpu.memory_space<semaphore_mem>>
    tpu.wait_indirect_dma semaphore(%dma_wait3A_257 : memref<!tpu.dma_semaphore, #tpu.memory_space<semaphore_mem>>) src(%dma_wait3A_249 : memref<128x64xf32, #tpu.memory_space<vmem>>) dst(%dma_wait3A_255 : memref<10240x64xf32, #tpu.memory_space<vmem_shared>>)
    %barrier3A_258 = arith.constant 0 : index
    tpu.barrier barrier_id(%barrier3A_258)
    %mul3A_259 = arith.constant 640 : i32
    %mul3A_260 = arith.muli %arg1, %mul3A_259 : i32
    %mul3A_261 = arith.constant 640 : i32
    %mul3A_262 = arith.muli %arg1, %mul3A_261 : i32
    %mul3A_263 = arith.constant 64 : i32
    %mul3A_264 = arith.muli %arg0, %mul3A_263 : i32
    "tpu.region"() ({
      %run_scoped3A = tpu.sem_alloc : memref<!tpu.dma_semaphore, #tpu.memory_space<semaphore_mem>>
      %dma_start3A_265 = tpu.memref_slice %arg6[%mul3A_262, %mul3A_264] : memref<10240x128xf32, #tpu.memory_space<hbm>> -> memref<640x64xf32, #tpu.memory_space<hbm>>
      %dma_start3A_266 = arith.constant 0 : i32
      %dma_start3A_267 = tpu.memref_slice %arg10[%mul3A_260, %dma_start3A_266] : memref<10240x64xf32, #tpu.memory_space<vmem_shared>> -> memref<640x64xf32, #tpu.memory_space<vmem_shared>>
      tpu.enqueue_dma source(%dma_start3A_267 : memref<640x64xf32, #tpu.memory_space<vmem_shared>>) target(%dma_start3A_265 : memref<640x64xf32, #tpu.memory_space<hbm>>) target_semaphore(%run_scoped3A : memref<!tpu.dma_semaphore, #tpu.memory_space<semaphore_mem>>)
      %dma_wait3A_268 = tpu.memref_slice %arg6[%mul3A_262, %mul3A_264] : memref<10240x128xf32, #tpu.memory_space<hbm>> -> memref<640x64xf32, #tpu.memory_space<hbm>>
      %dma_wait3A_269 = arith.constant 0 : i32
      %dma_wait3A_270 = tpu.memref_slice %arg10[%mul3A_260, %dma_wait3A_269] : memref<10240x64xf32, #tpu.memory_space<vmem_shared>> -> memref<640x64xf32, #tpu.memory_space<vmem_shared>>
      tpu.wait_dma2 semaphore(%run_scoped3A : memref<!tpu.dma_semaphore, #tpu.memory_space<semaphore_mem>>) src(%dma_wait3A_270 : memref<640x64xf32, #tpu.memory_space<vmem_shared>>) dst(%dma_wait3A_268 : memref<640x64xf32, #tpu.memory_space<hbm>>)
      tpu.yield
    }) : () -> ()
    return
  }
}

#map = affine_map<(d0, d1) -> (0, 0)>
#map1 = affine_map<(d0, d1) -> (0)>
module attributes {stable_mosaic.version = 14 : i64} {
  func.func @_deg_kernel(%arg0: i32, %arg1: i32, %arg2: memref<2560x128xi32, #tpu.memory_space<hbm>>, %arg3: memref<10240xf32, #tpu.memory_space<hbm>>, %arg4: memref<2x10240xf32, #tpu.memory_space<hbm>>, %arg5: memref<80x128xi32, #tpu.memory_space<vmem>>, %arg6: memref<128xf32, #tpu.memory_space<vmem>>, %arg7: memref<10240xf32, #tpu.memory_space<vmem_shared>>) attributes {dimension_semantics = [#tpu.dimension_semantics<core_parallel>, #tpu.dimension_semantics<subcore_parallel>], iteration_bounds = array<i64: 2, 16>, scalar_prefetch = 0 : i64, scratch_operands = 3 : i64, tpu.core_type = #tpu.core_type<sc_vector_subcore>, window_params = [{transform_indices = #map}, {transform_indices = #map1}, {transform_indices = #map}]} {
    %mul3A = arith.constant 2 : i32
    %mul3A_0 = arith.muli %arg1, %mul3A : i32
    %add3A = arith.addi %mul3A_0, %arg0 : i32
    %broadcast_in_dim3A = arith.constant 1.000000e+00 : f32
    %broadcast_in_dim3A_1 = vector.broadcast %broadcast_in_dim3A : f32 to vector<16xf32>
    %swap3A = arith.constant 0 : index
    %swap3A_2 = tpu.vector_load %arg6[%swap3A] {strides = array<i32>} : memref<128xf32, #tpu.memory_space<vmem>>, vector<16xf32>,
    %swap3A_3 = vector.shape_cast %swap3A_2 : vector<16xf32> to vector<16xf32>
    %swap3A_4 = vector.shape_cast %broadcast_in_dim3A_1 : vector<16xf32> to vector<16xf32>
    tpu.vector_store %arg6[%swap3A], %swap3A_4 {strides = array<i32>} : memref<128xf32, #tpu.memory_space<vmem>>, vector<16xf32>,
    %broadcast_in_dim3A_5 = arith.constant 1.000000e+00 : f32
    %broadcast_in_dim3A_6 = vector.broadcast %broadcast_in_dim3A_5 : f32 to vector<16xf32>
    %swap3A_7 = arith.constant 16 : index
    %swap3A_8 = tpu.vector_load %arg6[%swap3A_7] {strides = array<i32>} : memref<128xf32, #tpu.memory_space<vmem>>, vector<16xf32>,
    %swap3A_9 = vector.shape_cast %swap3A_8 : vector<16xf32> to vector<16xf32>
    %swap3A_10 = vector.shape_cast %broadcast_in_dim3A_6 : vector<16xf32> to vector<16xf32>
    tpu.vector_store %arg6[%swap3A_7], %swap3A_10 {strides = array<i32>} : memref<128xf32, #tpu.memory_space<vmem>>, vector<16xf32>,
    %broadcast_in_dim3A_11 = arith.constant 1.000000e+00 : f32
    %broadcast_in_dim3A_12 = vector.broadcast %broadcast_in_dim3A_11 : f32 to vector<16xf32>
    %swap3A_13 = arith.constant 32 : index
    %swap3A_14 = tpu.vector_load %arg6[%swap3A_13] {strides = array<i32>} : memref<128xf32, #tpu.memory_space<vmem>>, vector<16xf32>,
    %swap3A_15 = vector.shape_cast %swap3A_14 : vector<16xf32> to vector<16xf32>
    %swap3A_16 = vector.shape_cast %broadcast_in_dim3A_12 : vector<16xf32> to vector<16xf32>
    tpu.vector_store %arg6[%swap3A_13], %swap3A_16 {strides = array<i32>} : memref<128xf32, #tpu.memory_space<vmem>>, vector<16xf32>,
    %broadcast_in_dim3A_17 = arith.constant 1.000000e+00 : f32
    %broadcast_in_dim3A_18 = vector.broadcast %broadcast_in_dim3A_17 : f32 to vector<16xf32>
    %swap3A_19 = arith.constant 48 : index
    %swap3A_20 = tpu.vector_load %arg6[%swap3A_19] {strides = array<i32>} : memref<128xf32, #tpu.memory_space<vmem>>, vector<16xf32>,
    %swap3A_21 = vector.shape_cast %swap3A_20 : vector<16xf32> to vector<16xf32>
    %swap3A_22 = vector.shape_cast %broadcast_in_dim3A_18 : vector<16xf32> to vector<16xf32>
    tpu.vector_store %arg6[%swap3A_19], %swap3A_22 {strides = array<i32>} : memref<128xf32, #tpu.memory_space<vmem>>, vector<16xf32>,
    %broadcast_in_dim3A_23 = arith.constant 1.000000e+00 : f32
    %broadcast_in_dim3A_24 = vector.broadcast %broadcast_in_dim3A_23 : f32 to vector<16xf32>
    %swap3A_25 = arith.constant 64 : index
    %swap3A_26 = tpu.vector_load %arg6[%swap3A_25] {strides = array<i32>} : memref<128xf32, #tpu.memory_space<vmem>>, vector<16xf32>,
    %swap3A_27 = vector.shape_cast %swap3A_26 : vector<16xf32> to vector<16xf32>
    %swap3A_28 = vector.shape_cast %broadcast_in_dim3A_24 : vector<16xf32> to vector<16xf32>
    tpu.vector_store %arg6[%swap3A_25], %swap3A_28 {strides = array<i32>} : memref<128xf32, #tpu.memory_space<vmem>>, vector<16xf32>,
    %broadcast_in_dim3A_29 = arith.constant 1.000000e+00 : f32
    %broadcast_in_dim3A_30 = vector.broadcast %broadcast_in_dim3A_29 : f32 to vector<16xf32>
    %swap3A_31 = arith.constant 80 : index
    %swap3A_32 = tpu.vector_load %arg6[%swap3A_31] {strides = array<i32>} : memref<128xf32, #tpu.memory_space<vmem>>, vector<16xf32>,
    %swap3A_33 = vector.shape_cast %swap3A_32 : vector<16xf32> to vector<16xf32>
    %swap3A_34 = vector.shape_cast %broadcast_in_dim3A_30 : vector<16xf32> to vector<16xf32>
    tpu.vector_store %arg6[%swap3A_31], %swap3A_34 {strides = array<i32>} : memref<128xf32, #tpu.memory_space<vmem>>, vector<16xf32>,
    %broadcast_in_dim3A_35 = arith.constant 1.000000e+00 : f32
    %broadcast_in_dim3A_36 = vector.broadcast %broadcast_in_dim3A_35 : f32 to vector<16xf32>
    %swap3A_37 = arith.constant 96 : index
    %swap3A_38 = tpu.vector_load %arg6[%swap3A_37] {strides = array<i32>} : memref<128xf32, #tpu.memory_space<vmem>>, vector<16xf32>,
    %swap3A_39 = vector.shape_cast %swap3A_38 : vector<16xf32> to vector<16xf32>
    %swap3A_40 = vector.shape_cast %broadcast_in_dim3A_36 : vector<16xf32> to vector<16xf32>
    tpu.vector_store %arg6[%swap3A_37], %swap3A_40 {strides = array<i32>} : memref<128xf32, #tpu.memory_space<vmem>>, vector<16xf32>,
    %broadcast_in_dim3A_41 = arith.constant 1.000000e+00 : f32
    %broadcast_in_dim3A_42 = vector.broadcast %broadcast_in_dim3A_41 : f32 to vector<16xf32>
    %swap3A_43 = arith.constant 112 : index
    %swap3A_44 = tpu.vector_load %arg6[%swap3A_43] {strides = array<i32>} : memref<128xf32, #tpu.memory_space<vmem>>, vector<16xf32>,
    %swap3A_45 = vector.shape_cast %swap3A_44 : vector<16xf32> to vector<16xf32>
    %swap3A_46 = vector.shape_cast %broadcast_in_dim3A_42 : vector<16xf32> to vector<16xf32>
    tpu.vector_store %arg6[%swap3A_43], %swap3A_46 {strides = array<i32>} : memref<128xf32, #tpu.memory_space<vmem>>, vector<16xf32>,
    %mul3A_47 = arith.constant 640 : i32
    %mul3A_48 = arith.muli %arg1, %mul3A_47 : i32
    %mul3A_49 = arith.constant 640 : i32
    %mul3A_50 = arith.muli %arg1, %mul3A_49 : i32
    "tpu.region"() ({
      %run_scoped3A = tpu.sem_alloc : memref<!tpu.dma_semaphore, #tpu.memory_space<semaphore_mem>>
      %dma_start3A = tpu.memref_slice %arg7[%mul3A_50] : memref<10240xf32, #tpu.memory_space<vmem_shared>> -> memref<640xf32, #tpu.memory_space<vmem_shared>>
      %dma_start3A_62 = tpu.memref_slice %arg3[%mul3A_48] : memref<10240xf32, #tpu.memory_space<hbm>> -> memref<640xf32, #tpu.memory_space<hbm>>
      tpu.enqueue_dma source(%dma_start3A_62 : memref<640xf32, #tpu.memory_space<hbm>>) target(%dma_start3A : memref<640xf32, #tpu.memory_space<vmem_shared>>) target_semaphore(%run_scoped3A : memref<!tpu.dma_semaphore, #tpu.memory_space<semaphore_mem>>)
      %dma_wait3A = tpu.memref_slice %arg7[%mul3A_50] : memref<10240xf32, #tpu.memory_space<vmem_shared>> -> memref<640xf32, #tpu.memory_space<vmem_shared>>
      %dma_wait3A_63 = tpu.memref_slice %arg3[%mul3A_48] : memref<10240xf32, #tpu.memory_space<hbm>> -> memref<640xf32, #tpu.memory_space<hbm>>
      tpu.wait_dma2 semaphore(%run_scoped3A : memref<!tpu.dma_semaphore, #tpu.memory_space<semaphore_mem>>) src(%dma_wait3A_63 : memref<640xf32, #tpu.memory_space<hbm>>) dst(%dma_wait3A : memref<640xf32, #tpu.memory_space<vmem_shared>>)
      tpu.yield
    }) : () -> ()
    %mul3A_51 = arith.constant 80 : i32
    %mul3A_52 = arith.muli %add3A, %mul3A_51 : i32
    "tpu.region"() ({
      %run_scoped3A = tpu.sem_alloc : memref<!tpu.dma_semaphore, #tpu.memory_space<semaphore_mem>>
      %dma_start3A = arith.constant 0 : i32
      %dma_start3A_62 = tpu.memref_slice %arg2[%mul3A_52, %dma_start3A] : memref<2560x128xi32, #tpu.memory_space<hbm>> -> memref<80x128xi32, #tpu.memory_space<hbm>>
      %dma_start3A_63 = arith.constant 0 : i32
      %dma_start3A_64 = tpu.memref_slice %arg2[%mul3A_52, %dma_start3A_63] : memref<2560x128xi32, #tpu.memory_space<hbm>> -> memref<80x128xi32, #tpu.memory_space<hbm>>
      tpu.enqueue_dma source(%dma_start3A_64 : memref<80x128xi32, #tpu.memory_space<hbm>>) target(%arg5 : memref<80x128xi32, #tpu.memory_space<vmem>>) target_semaphore(%run_scoped3A : memref<!tpu.dma_semaphore, #tpu.memory_space<semaphore_mem>>)
      %dma_wait3A = arith.constant 0 : i32
      %dma_wait3A_65 = tpu.memref_slice %arg2[%mul3A_52, %dma_wait3A] : memref<2560x128xi32, #tpu.memory_space<hbm>> -> memref<80x128xi32, #tpu.memory_space<hbm>>
      %dma_wait3A_66 = arith.constant 0 : i32
      %dma_wait3A_67 = tpu.memref_slice %arg2[%mul3A_52, %dma_wait3A_66] : memref<2560x128xi32, #tpu.memory_space<hbm>> -> memref<80x128xi32, #tpu.memory_space<hbm>>
      tpu.wait_dma2 semaphore(%run_scoped3A : memref<!tpu.dma_semaphore, #tpu.memory_space<semaphore_mem>>) src(%dma_wait3A_67 : memref<80x128xi32, #tpu.memory_space<hbm>>) dst(%arg5 : memref<80x128xi32, #tpu.memory_space<vmem>>)
      tpu.yield
    }) : () -> ()
    %barrier3A = arith.constant 0 : index
    tpu.barrier barrier_id(%barrier3A)
    %scan3A = arith.constant 0 : i32
    %scan3A_53 = arith.constant 80 : i32
    %scan3A_54 = arith.addi %scan3A, %scan3A_53 : i32
    %scan3A_55 = arith.constant 1 : i32
    scf.for %scan3A_62 = %scan3A to %scan3A_54 step %scan3A_55  : i32 {
      "tpu.region"() ({
        %run_scoped3A = tpu.sem_alloc : memref<!tpu.dma_semaphore, #tpu.memory_space<semaphore_mem>>
        %dma_start3A = arith.constant 0 : i32
        %dma_start3A_63 = tpu.memref_slice %arg5[%scan3A_62, %dma_start3A] : memref<80x128xi32, #tpu.memory_space<vmem>> -> memref<1x128xi32, #tpu.memory_space<vmem>>
        %dma_start3A_64 = tpu.memref_squeeze %dma_start3A_63 : memref<1x128xi32, #tpu.memory_space<vmem>> -> memref<128xi32, #tpu.memory_space<vmem>>
        %dma_start3A_65 = arith.constant 0 : i32
        %dma_start3A_66 = tpu.memref_slice %arg7[%dma_start3A_65] : memref<10240xf32, #tpu.memory_space<vmem_shared>> -> memref<10240xf32, #tpu.memory_space<vmem_shared>>
        tpu.enqueue_indirect_dma source(%arg6 : memref<128xf32, #tpu.memory_space<vmem>>) target(%dma_start3A_66 : memref<10240xf32, #tpu.memory_space<vmem_shared>>) offsets(%dma_start3A_64 : memref<128xi32, #tpu.memory_space<vmem>>) semaphore(%run_scoped3A : memref<!tpu.dma_semaphore, #tpu.memory_space<semaphore_mem>>) {add = true}
        %dma_wait3A = arith.constant 0 : i32
        %dma_wait3A_67 = tpu.memref_slice %arg5[%scan3A_62, %dma_wait3A] : memref<80x128xi32, #tpu.memory_space<vmem>> -> memref<1x128xi32, #tpu.memory_space<vmem>>
        %dma_wait3A_68 = tpu.memref_squeeze %dma_wait3A_67 : memref<1x128xi32, #tpu.memory_space<vmem>> -> memref<128xi32, #tpu.memory_space<vmem>>
        %dma_wait3A_69 = arith.constant 0 : i32
        %dma_wait3A_70 = tpu.memref_slice %arg7[%dma_wait3A_69] : memref<10240xf32, #tpu.memory_space<vmem_shared>> -> memref<10240xf32, #tpu.memory_space<vmem_shared>>
        tpu.wait_indirect_dma semaphore(%run_scoped3A : memref<!tpu.dma_semaphore, #tpu.memory_space<semaphore_mem>>) src(%arg6 : memref<128xf32, #tpu.memory_space<vmem>>) dst(%dma_wait3A_70 : memref<10240xf32, #tpu.memory_space<vmem_shared>>)
        tpu.yield
      }) : () -> ()
    }
    %scan3A_56 = arith.constant 80 : i32
    %barrier3A_57 = arith.constant 0 : index
    tpu.barrier barrier_id(%barrier3A_57)
    %mul3A_58 = arith.constant 640 : i32
    %mul3A_59 = arith.muli %arg1, %mul3A_58 : i32
    %mul3A_60 = arith.constant 640 : i32
    %mul3A_61 = arith.muli %arg1, %mul3A_60 : i32
    "tpu.region"() ({
      %run_scoped3A = tpu.sem_alloc : memref<!tpu.dma_semaphore, #tpu.memory_space<semaphore_mem>>
      %dma_start3A = tpu.memref_slice %arg4[%arg0, %mul3A_61] : memref<2x10240xf32, #tpu.memory_space<hbm>> -> memref<1x640xf32, #tpu.memory_space<hbm>>
      %dma_start3A_62 = tpu.memref_squeeze %dma_start3A : memref<1x640xf32, #tpu.memory_space<hbm>> -> memref<640xf32, #tpu.memory_space<hbm>>
      %dma_start3A_63 = tpu.memref_slice %arg7[%mul3A_59] : memref<10240xf32, #tpu.memory_space<vmem_shared>> -> memref<640xf32, #tpu.memory_space<vmem_shared>>
      tpu.enqueue_dma source(%dma_start3A_63 : memref<640xf32, #tpu.memory_space<vmem_shared>>) target(%dma_start3A_62 : memref<640xf32, #tpu.memory_space<hbm>>) target_semaphore(%run_scoped3A : memref<!tpu.dma_semaphore, #tpu.memory_space<semaphore_mem>>)
      %dma_wait3A = tpu.memref_slice %arg4[%arg0, %mul3A_61] : memref<2x10240xf32, #tpu.memory_space<hbm>> -> memref<1x640xf32, #tpu.memory_space<hbm>>
      %dma_wait3A_64 = tpu.memref_squeeze %dma_wait3A : memref<1x640xf32, #tpu.memory_space<hbm>> -> memref<640xf32, #tpu.memory_space<hbm>>
      %dma_wait3A_65 = tpu.memref_slice %arg7[%mul3A_59] : memref<10240xf32, #tpu.memory_space<vmem_shared>> -> memref<640xf32, #tpu.memory_space<vmem_shared>>
      tpu.wait_dma2 semaphore(%run_scoped3A : memref<!tpu.dma_semaphore, #tpu.memory_space<semaphore_mem>>) src(%dma_wait3A_65 : memref<640xf32, #tpu.memory_space<vmem_shared>>) dst(%dma_wait3A_64 : memref<640xf32, #tpu.memory_space<hbm>>)
      tpu.yield
    }) : () -> ()
    return
  }
}

module attributes {stable_mosaic.version = 14 : i64} {
  func.func @_tc_mm_body(%arg0: memref<10000x128xf32, #tpu.memory_space<vmem>>, %arg1: memref<128x128xf32, #tpu.memory_space<vmem>>, %arg2: memref<10240x128xf32, #tpu.memory_space<vmem>>) attributes {dimension_semantics = [], scalar_prefetch = 0 : i64, scratch_operands = 0 : i64, tpu.core_type = #tpu.core_type<tc>} {
    %get3A = arith.constant 0 : index
    %get3A_0 = arith.constant 0 : index
    %get3A_1 = vector.load %arg0[%get3A, %get3A_0] : memref<10000x128xf32, #tpu.memory_space<vmem>>, vector<10000x128xf32>
    %get3A_2 = arith.constant 0 : index
    %get3A_3 = arith.constant 0 : index
    %get3A_4 = vector.load %arg1[%get3A_2, %get3A_3] : memref<128x128xf32, #tpu.memory_space<vmem>>, vector<128x128xf32>
    %dot_general3A = arith.constant dense<0.000000e+00> : vector<10000x128xf32>
    %dot_general3A_5 = tpu.matmul %get3A_1, %get3A_4, %dot_general3A {dimension_numbers = #tpu.dot_dimension_numbers<[1], [0], [0], [1], [0, 0, 1, 1], [], []>, transpose_lhs_hint = false} : vector<10000x128xf32>, vector<128x128xf32>, vector<10000x128xf32> -> vector<10000x128xf32>
    %swap3A = arith.constant 0 : index
    %swap3A_6 = arith.constant 0 : index
    %swap3A_7 = vector.load %arg2[%swap3A, %swap3A_6] : memref<10240x128xf32, #tpu.memory_space<vmem>>, vector<10000x128xf32>
    tpu.vector_store %arg2[%swap3A, %swap3A_6], %dot_general3A_5 {strides = array<i32>} : memref<10240x128xf32, #tpu.memory_space<vmem>>, vector<10000x128xf32>,
    %broadcast_in_dim3A = arith.constant 0.000000e+00 : f32
    %broadcast_in_dim3A_8 = vector.broadcast %broadcast_in_dim3A : f32 to vector<240x128xf32>
    %swap3A_9 = arith.constant 10000 : index
    %swap3A_10 = arith.constant 0 : index
    %swap3A_11 = vector.load %arg2[%swap3A_9, %swap3A_10] : memref<10240x128xf32, #tpu.memory_space<vmem>>, vector<240x128xf32>
    tpu.vector_store %arg2[%swap3A_9, %swap3A_10], %broadcast_in_dim3A_8 {strides = array<i32>} : memref<10240x128xf32, #tpu.memory_space<vmem>>, vector<240x128xf32>,
    return
  }
}

module attributes {stable_mosaic.version = 14 : i64} {
  func.func @_tc_scale_body(%arg0: memref<10240x128xf32, #tpu.memory_space<vmem>>, %arg1: memref<10240x2xf32, #tpu.memory_space<vmem>>, %arg2: memref<10240x128xf32, #tpu.memory_space<vmem>>) attributes {dimension_semantics = [], scalar_prefetch = 0 : i64, scratch_operands = 0 : i64, tpu.core_type = #tpu.core_type<tc>} {
    %get3A = arith.constant 0 : index
    %get3A_0 = arith.constant 0 : index
    %get3A_1 = vector.load %arg0[%get3A, %get3A_0] : memref<10240x128xf32, #tpu.memory_space<vmem>>, vector<10240x128xf32>
    %get3A_2 = arith.constant 0 : index
    %get3A_3 = arith.constant 0 : index
    %get3A_4 = vector.load %arg1[%get3A_2, %get3A_3] : memref<10240x2xf32, #tpu.memory_space<vmem>>, vector<10240x2xf32>
    %reduce_sum3A = arith.constant dense<0.000000e+00> : vector<10240xf32>
    %reduce_sum3A_5 = vector.multi_reduction <add>, %get3A_4, %reduce_sum3A [1] : vector<10240x2xf32> to vector<10240xf32>
    %broadcast_in_dim3A = vector.shape_cast %reduce_sum3A_5 : vector<10240xf32> to vector<10240x1xf32>
    %add3A = arith.constant 1.000000e+00 : f32
    %add3A_6 = vector.broadcast %add3A : f32 to vector<10240x1xf32>
    %add3A_7 = arith.addf %add3A_6, %broadcast_in_dim3A : vector<10240x1xf32>
    %rsqrt3A = math.rsqrt %add3A_7 : vector<10240x1xf32>
    %mul3A = vector.broadcast %rsqrt3A : vector<10240x1xf32> to vector<10240x128xf32>
    %mul3A_8 = arith.mulf %get3A_1, %mul3A : vector<10240x128xf32>
    %swap3A = arith.constant 0 : index
    %swap3A_9 = arith.constant 0 : index
    %swap3A_10 = vector.load %arg2[%swap3A, %swap3A_9] : memref<10240x128xf32, #tpu.memory_space<vmem>>, vector<10240x128xf32>
    tpu.vector_store %arg2[%swap3A, %swap3A_9], %mul3A_8 {strides = array<i32>} : memref<10240x128xf32, #tpu.memory_space<vmem>>, vector<10240x128xf32>,
    return
  }
}

module attributes {stable_mosaic.version = 14 : i64} {
  func.func @_tc2_body(%arg0: memref<10240x128xf32, #tpu.memory_space<vmem>>, %arg1: memref<10240x128xf32, #tpu.memory_space<vmem>>, %arg2: memref<10240x2xf32, #tpu.memory_space<vmem>>, %arg3: memref<1x128xf32, #tpu.memory_space<vmem>>, %arg4: memref<128x128xf32, #tpu.memory_space<vmem>>, %arg5: memref<10240x128xf32, #tpu.memory_space<vmem>>) attributes {dimension_semantics = [], scalar_prefetch = 0 : i64, scratch_operands = 0 : i64, tpu.core_type = #tpu.core_type<tc>} {
    %get3A = arith.constant 0 : index
    %get3A_0 = arith.constant 0 : index
    %get3A_1 = vector.load %arg2[%get3A, %get3A_0] : memref<10240x2xf32, #tpu.memory_space<vmem>>, vector<10240x2xf32>
    %reduce_sum3A = arith.constant dense<0.000000e+00> : vector<10240xf32>
    %reduce_sum3A_2 = vector.multi_reduction <add>, %get3A_1, %reduce_sum3A [1] : vector<10240x2xf32> to vector<10240xf32>
    %broadcast_in_dim3A = vector.shape_cast %reduce_sum3A_2 : vector<10240xf32> to vector<10240x1xf32>
    %add3A = arith.constant 1.000000e+00 : f32
    %add3A_3 = vector.broadcast %add3A : f32 to vector<10240x1xf32>
    %add3A_4 = arith.addf %add3A_3, %broadcast_in_dim3A : vector<10240x1xf32>
    %rsqrt3A = math.rsqrt %add3A_4 : vector<10240x1xf32>
    %get3A_5 = arith.constant 0 : index
    %get3A_6 = arith.constant 0 : index
    %get3A_7 = vector.load %arg0[%get3A_5, %get3A_6] : memref<10240x128xf32, #tpu.memory_space<vmem>>, vector<10240x128xf32>
    %get3A_8 = arith.constant 0 : index
    %get3A_9 = arith.constant 0 : index
    %get3A_10 = vector.load %arg1[%get3A_8, %get3A_9] : memref<10240x128xf32, #tpu.memory_space<vmem>>, vector<10240x128xf32>
    %add3A_11 = arith.addf %get3A_7, %get3A_10 : vector<10240x128xf32>
    %mul3A = vector.broadcast %rsqrt3A : vector<10240x1xf32> to vector<10240x128xf32>
    %mul3A_12 = arith.mulf %mul3A, %add3A_11 : vector<10240x128xf32>
    %get3A_13 = arith.constant 0 : index
    %get3A_14 = arith.constant 0 : index
    %get3A_15 = vector.load %arg3[%get3A_13, %get3A_14] : memref<1x128xf32, #tpu.memory_space<vmem>>, vector<1x128xf32>
    %add3A_16 = vector.broadcast %get3A_15 : vector<1x128xf32> to vector<10240x128xf32>
    %add3A_17 = arith.addf %mul3A_12, %add3A_16 : vector<10240x128xf32>
    %max3A = arith.constant 0.000000e+00 : f32
    %max3A_18 = vector.broadcast %max3A : f32 to vector<10240x128xf32>
    %max3A_19 = arith.maximumf %add3A_17, %max3A_18 : vector<10240x128xf32>
    %get3A_20 = arith.constant 0 : index
    %get3A_21 = arith.constant 0 : index
    %get3A_22 = vector.load %arg4[%get3A_20, %get3A_21] : memref<128x128xf32, #tpu.memory_space<vmem>>, vector<128x128xf32>
    %dot_general3A = arith.constant dense<0.000000e+00> : vector<10240x128xf32>
    %dot_general3A_23 = tpu.matmul %max3A_19, %get3A_22, %dot_general3A {dimension_numbers = #tpu.dot_dimension_numbers<[1], [0], [0], [1], [0, 0, 1, 1], [], []>, transpose_lhs_hint = false} : vector<10240x128xf32>, vector<128x128xf32>, vector<10240x128xf32> -> vector<10240x128xf32>
    %mul3A_24 = vector.broadcast %rsqrt3A : vector<10240x1xf32> to vector<10240x128xf32>
    %mul3A_25 = arith.mulf %dot_general3A_23, %mul3A_24 : vector<10240x128xf32>
    %swap3A = arith.constant 0 : index
    %swap3A_26 = arith.constant 0 : index
    %swap3A_27 = vector.load %arg5[%swap3A, %swap3A_26] : memref<10240x128xf32, #tpu.memory_space<vmem>>, vector<10240x128xf32>
    tpu.vector_store %arg5[%swap3A, %swap3A_26], %mul3A_25 {strides = array<i32>} : memref<10240x128xf32, #tpu.memory_space<vmem>>, vector<10240x128xf32>,
    return
  }
}

module attributes {stable_mosaic.version = 14 : i64} {
  func.func @_tc3_body(%arg0: memref<10240x128xf32, #tpu.memory_space<vmem>>, %arg1: memref<10240x128xf32, #tpu.memory_space<vmem>>, %arg2: memref<10240x2xf32, #tpu.memory_space<vmem>>, %arg3: memref<1x128xf32, #tpu.memory_space<vmem>>, %arg4: memref<10000x128xf32, #tpu.memory_space<vmem>>) attributes {dimension_semantics = [], scalar_prefetch = 0 : i64, scratch_operands = 0 : i64, tpu.core_type = #tpu.core_type<tc>} {
    %get3A = arith.constant 0 : index
    %get3A_0 = arith.constant 0 : index
    %get3A_1 = vector.load %arg2[%get3A, %get3A_0] : memref<10240x2xf32, #tpu.memory_space<vmem>>, vector<10240x2xf32>
    %reduce_sum3A = arith.constant dense<0.000000e+00> : vector<10240xf32>
    %reduce_sum3A_2 = vector.multi_reduction <add>, %get3A_1, %reduce_sum3A [1] : vector<10240x2xf32> to vector<10240xf32>
    %broadcast_in_dim3A = vector.shape_cast %reduce_sum3A_2 : vector<10240xf32> to vector<10240x1xf32>
    %add3A = arith.constant 1.000000e+00 : f32
    %add3A_3 = vector.broadcast %add3A : f32 to vector<10240x1xf32>
    %add3A_4 = arith.addf %add3A_3, %broadcast_in_dim3A : vector<10240x1xf32>
    %rsqrt3A = math.rsqrt %add3A_4 : vector<10240x1xf32>
    %slice3A = vector.extract_strided_slice %rsqrt3A {offsets = [0, 0], sizes = [10000, 1], strides = [1, 1]} : vector<10240x1xf32> to vector<10000x1xf32>
    %get3A_5 = arith.constant 0 : index
    %get3A_6 = arith.constant 0 : index
    %get3A_7 = vector.load %arg0[%get3A_5, %get3A_6] : memref<10240x128xf32, #tpu.memory_space<vmem>>, vector<10000x128xf32>
    %get3A_8 = arith.constant 0 : index
    %get3A_9 = arith.constant 0 : index
    %get3A_10 = vector.load %arg1[%get3A_8, %get3A_9] : memref<10240x128xf32, #tpu.memory_space<vmem>>, vector<10000x128xf32>
    %add3A_11 = arith.addf %get3A_7, %get3A_10 : vector<10000x128xf32>
    %mul3A = vector.broadcast %slice3A : vector<10000x1xf32> to vector<10000x128xf32>
    %mul3A_12 = arith.mulf %mul3A, %add3A_11 : vector<10000x128xf32>
    %get3A_13 = arith.constant 0 : index
    %get3A_14 = arith.constant 0 : index
    %get3A_15 = vector.load %arg3[%get3A_13, %get3A_14] : memref<1x128xf32, #tpu.memory_space<vmem>>, vector<1x128xf32>
    %add3A_16 = vector.broadcast %get3A_15 : vector<1x128xf32> to vector<10000x128xf32>
    %add3A_17 = arith.addf %mul3A_12, %add3A_16 : vector<10000x128xf32>
    %max3A = arith.constant 0.000000e+00 : f32
    %max3A_18 = vector.broadcast %max3A : f32 to vector<10000x128xf32>
    %max3A_19 = arith.maximumf %add3A_17, %max3A_18 : vector<10000x128xf32>
    %swap3A = arith.constant 0 : index
    %swap3A_20 = arith.constant 0 : index
    %swap3A_21 = vector.load %arg4[%swap3A, %swap3A_20] : memref<10000x128xf32, #tpu.memory_space<vmem>>, vector<10000x128xf32>
    tpu.vector_store %arg4[%swap3A, %swap3A_20], %max3A_19 {strides = array<i32>} : memref<10000x128xf32, #tpu.memory_space<vmem>>, vector<10000x128xf32>,
    return
  }
}

</mosaic_0001>

<sc_bundles>
// kernel: kernel.12.cloned.1.call-start
scs
__scs_entry_jumppad:
0x0: {  	(pc) =	sbr.rel $0x88, $3  }
0x1: {  	(tag) =	ssettag $0x0;
	lr =	simm.s32 $0x1  }
0x2: {  	[smem:$0x3F9B] =	sst lr;
	_ =	strace $0xD0000000  }
0x3: {  	_ = 	snop  }
0x4: {  	_ = 	snop  }
0x5: {  	_ = 	snop  }
0x6: {  	_ = 	snop  }
0x7: {  	_ = 	snop  }
__scs_overlays_trampoline_lowered:
0x8: {  	[smem:$0x3FAA] =	sst s0  }
0x9: {  	[smem:$0x3FAB] =	sst s1  }
0xa: {  	[smem:$0x3FAC] =	sst s2  }
0xb: {  	[smem:$0x3FAD] =	sst s3  }
0xc: {  	[smem:$0x3FAE] =	sst s4  }
0xd: {  	[smem:$0x3FAF] =	sst s5  }
0xe: {  	[smem:$0x3FB0] =	sst s6  }
0xf: {  	[smem:$0x3FB1] =	sst s7  }
0x10: {  	[smem:$0x3FB2] =	sst s8  }
0x11: {  	[smem:$0x3FB3] =	sst s9;
	s0 =	simm.s32 @!p0 $0x0  }
0x12: {  	s1 =	sld [smem:$0x3F99];
	s0 =	simm.s32 @p0 $0x1  }
0x13: {  	[smem:$0x3FB4] =	sst s0;
	s0 =	simm.s32 @!p1 $0x0  }
0x14: {  	s2 =	sld [smem:$0x3F98];
	s0 =	simm.s32 @p1 $0x1  }
0x15: {  	[smem:$0x3FB5] =	sst s0;
	s0 =	simm.s32 @!p2 $0x0  }
0x16: {  	s3 =	sld [smem:$0x3FDB];
	s0 =	simm.s32 @p2 $0x1  }
0x17: {  	s4 =	simm.s32 $0x1BF5;
	[smem:$0x3FB7] =	sst s0  }
0x18: {  	s0 =	sld [smem:$0x3F9A];
	_ =	swait.ge [sflag:s4], $0x0  }
0x19: {  	s7 =	sld [smem:$0x3F9B]  }
0x1a: {  	s8 =	sadd.s32 $0xFFFFE003, lr  }
0x1b: {  	s9 =	sadd.s32 $0xFFFFFEF7, lr;
	s5 =	simm.s32 $0xFFFFFFFF;
	p2 =	slt.u32 s8, $0xFFFFF086  }
0x1c: {  	p1 =	slt.u32 s9, $0xF7A;
	s5 =	simm.s32 @!p2 $0x0  }
0x1d: {  	s5 =	simm.s32 @p1 $0x1;
	p0 =	seq.s32 s7, s2  }
0x1e: {  	s7 =	smul.u32 @!p0 $0xF7A, s2;
	p2 =	seq.s32 @!p0 s5, $0x0  }
0x1f: {  	s9 =	smul.u32 $0xF7A, s1;
	s8 =	simm.s32 @!p0 $0x1BF5;
	p2 =	por !p2, p0  }
0x20: {  	[sflag:s8] =	ssyncset.s32 @!p0 $0xFFFFF086;
	s6 =	sadd.s32 @!p0 s3, s7;
	s7 =	simm.s32 @!p0 $0x108  }
0x21: {  	s3 =	sadd.s32 s3, s9;
	s6 =	sadd.s32 @!p0 $0x88, s6;
	s7 =	simm.s32 @p2 $0x1082  }
0x22: {  	[simem:s7], [sflag:s8] =	dma.local @!p0 [hbm:s6], $0xF7A  }
0x23: {  	s9 =	sor.u32 $0xD0000000, s2;
	s6 =	simm.s32 $0x108;
	_ =	swait.ge @!p0 [sflag:s8], $0x0  }
0x24: {  	s3 =	sadd.s32 $0x88, s3;
	s6 =	simm.s32 @!p1 $0x1082;
	[sflag:s4] =	ssyncset.s32 $0xFFFFF086  }
0x25: {  	[simem:s6], [sflag:s4] =	dma.local [hbm:s3], $0xF7A  }
0x26: {  	[smem:$0x3F9B] =	sst s1;
	(tag) =	ssettag s2;
	_ =	strace s9  }
0x27: {  	s1 =	sld [smem:$0x3FAB]  }
0x28: {  	s2 =	sld [smem:$0x3FAC]  }
0x29: {  	s4 =	sld [smem:$0x3FAE]  }
0x2a: {  	p0 =	seq.s32 s5, $0x0;
	s5 =	sld [smem:$0x3FAF]  }
0x2b: {  	s6 =	sld [smem:$0x3FB0]  }
0x2c: {  	s7 =	sld [smem:$0x3FB1]  }
0x2d: {  	s3 =	simm.s32 $0x108;
	s8 =	sld [smem:$0x3FB2]  }
0x2e: {  	s3 =	simm.s32 @!p0 $0x1082;
	s9 =	sld [smem:$0x3FB3]  }
0x2f: {  	lr =	sadd.s32 s0, s3;
	s0 =	sld [smem:$0x3FAA]  }
0x30: {  	s3 =	sld [smem:$0x3FAD]  }
0x31: {  	[smem:$0x3FB6] =	sst s10  }
0x32: {  	s10 =	sld [smem:$0x3FB4];
	_ =	sdelay $0x3  }
0x33: {  	p0 =	seq.s32 s10, $0x1;
	s10 =	sld [smem:$0x3FB6];
	_ =	sdelay $0x3  }
0x34: {  	[smem:$0x3FB6] =	sst s10  }
0x35: {  	s10 =	sld [smem:$0x3FB5];
	_ =	sdelay $0x3  }
0x36: {  	p1 =	seq.s32 s10, $0x1;
	s10 =	sld [smem:$0x3FB6];
	_ =	sdelay $0x3  }
0x37: {  	[smem:$0x3FB6] =	sst s10  }
0x38: {  	s10 =	sld [smem:$0x3FB7]  }
0x39: {  	_ = 	snop;
	(pc) =	sbr.ind lr, $3  }
0x3a: {  	_ = 	snop  }
0x3b: {  	_ = 	snop  }
0x3c: {  	p2 =	seq.s32 s10, $0x1;
	s10 =	sld [smem:$0x3FB6]  }
0x3d: {  	_ =	shalt  }
0x3e: {  	_ =	shalt  }
0x3f: {  	_ =	shalt  }
0x40: {  	_ =	shalt  }
0x41: {  	_ =	shalt  }
0x42: {  	_ =	shalt  }
0x43: {  	_ =	shalt  }
0x44: {  	_ =	shalt  }
0x45: {  	_ =	shalt  }
0x46: {  	_ =	shalt  }
0x47: {  	_ =	shalt  }
0x48: {  	_ =	shalt  }
0x49: {  	_ =	shalt  }
0x4a: {  	_ =	shalt  }
0x4b: {  	_ =	shalt  }
0x4c: {  	_ =	shalt  }
0x4d: {  	_ =	shalt  }
0x4e: {  	_ =	shalt  }
0x4f: {  	_ =	shalt  }
0x50: {  	_ =	shalt  }
0x51: {  	_ =	shalt  }
0x52: {  	_ =	shalt  }
0x53: {  	_ =	shalt  }
0x54: {  	_ =	shalt  }
0x55: {  	_ =	shalt  }
0x56: {  	_ =	shalt  }
0x57: {  	_ =	shalt  }
0x58: {  	_ =	shalt  }
0x59: {  	_ =	shalt  }
0x5a: {  	_ =	shalt  }
0x5b: {  	_ =	shalt  }
0x5c: {  	_ =	shalt  }
0x5d: {  	_ =	shalt  }
0x5e: {  	_ =	shalt  }
0x5f: {  	_ =	shalt  }
0x60: {  	_ =	shalt  }
0x61: {  	_ =	shalt  }
0x62: {  	_ =	shalt  }
0x63: {  	_ =	shalt  }
0x64: {  	_ =	shalt  }
0x65: {  	_ =	shalt  }
0x66: {  	_ =	shalt  }
0x67: {  	_ =	shalt  }
0x68: {  	_ =	shalt  }
0x69: {  	_ =	shalt  }
0x6a: {  	_ =	shalt  }
0x6b: {  	_ =	shalt  }
0x6c: {  	_ =	shalt  }
0x6d: {  	_ =	shalt  }
0x6e: {  	_ =	shalt  }
0x6f: {  	_ =	shalt  }
0x70: {  	_ =	shalt  }
0x71: {  	_ =	shalt  }
0x72: {  	_ =	shalt  }
0x73: {  	_ =	shalt  }
0x74: {  	_ =	shalt  }
0x75: {  	_ =	shalt  }
0x76: {  	_ =	shalt  }
0x77: {  	_ =	shalt  }
0x78: {  	_ =	shalt  }
0x79: {  	_ =	shalt  }
0x7a: {  	_ =	shalt  }
0x7b: {  	_ =	shalt  }
0x7c: {  	_ =	shalt  }
0x7d: {  	_ =	shalt  }
0x7e: {  	_ =	shalt  }
0x7f: {  	_ =	shalt  }
0x80: {  	_ =	shalt  }
0x81: {  	_ =	shalt  }
0x82: {  	_ =	shalt  }
0x83: {  	_ =	shalt  }
0x84: {  	_ =	shalt  }
0x85: {  	_ =	shalt  }
0x86: {  	_ =	shalt  }
0x87: {  	_ =	shalt  }
.Lfunc_end0:
.L_simem_size_0:
called_computation.1_lowered:
.L_overlay_start_0:
0x88: {  	s2 =	sld [smem:$0x3FD9]  }
0x89: {  	s3 =	sld [smem:$0x3FFE];
	_ =	sdelay $0x1  }
0x8a: {  	s1 =	srdreg.scid  }
0x8b: {  	s0 =	sand.u32 $0x1, s1  }
0x8c: {  	s17 =	sshll.u32 s0, $0xA;
	s2 =	sadd.s32 s3, s2  }
0x8d: {  	s2 =	sadd.s32 s2, s17  }
0x8e: {  	[smem:$0x3FC2] =	sst s2  }
0x8f: {  	_ = 	snop  }
0x90: {  	s2 =	sld [smem:$0x3FD0];
	(tm) =	ssettm $0x1  }
0x91: {  	s18 =	sld [smem:$0x3FFB];
	_ =	sdelay $0x3  }
0x92: {  	_ =	strace s18  }
0x93: {  	s3 =	sld [smem:$0x3FFC];
	_ =	sdelay $0x3  }
0x94: {  	_ =	strace s3  }
0x95: {  	s3 =	sld [smem:$0x3FFD];
	_ =	sdelay $0x3  }
0x96: {  	_ =	strace s3  }
0x97: {  	_ =	strace $0x8FFFFFFF  }
0x98: {  	s19 =	sld [smem:$0x3FDB];
	_ =	sdelay $0x1  }
0x99: {  	s4 =	simm.s32 $_scs_section_size  }
0x9a: {  	s5 =	simm.s32 $_size__tile_overlayer_lowered;
	s6 =	simm.s32 $_tile_overlayer_lowered  }
0x9b: {  	s22 =	simm.s32 $0x1BFF;
	s21 =	sshll.u32 s6, $0x1;
	s3 =	sadd.s32 s4, s19  }
0x9c: {  	s7 =	simm.s32 $0x0;
	s20 =	sshll.u32 s5, $0x1;
	s5 =	sadd.s32 s21, s3  }
0x9d: {  	[timem:s7], [sflag:s22] =	dma.local [hbm:s5], s20  }
0x9e: {  	_ =	swait.ge [sflag:s22], s20  }
0x9f: {  	s4 =	ssub.s32 $0x0, s20;
	[sflag:s22] =	ssyncset.done $0x0  }
0xa0: {  	[sflag:s22] =	ssyncadd.s32 s4;
	_ =	sdelay $0x1  }
0xa1: {  	s23 =	simm.s32 $0x1B8B  }
0xa2: {  	_ =	swait.ge [sflag:s23], $0x1  }
0xa3: {  	[sflag:s23] =	ssyncset.done $0x0  }
0xa4: {  	s25 =	simm.s32 $0x1B8E;
	s24 =	sld [smem:$0x3FFE];
	[sflag:s23] =	ssyncadd.s32 $0xFFFFFFFF  }
0xa5: {  	s26 =	simm.s32 $execute0_lowered;
	[smem:$0x3FD2] =	sst s25  }
0xa6: {  	s5 =	sshll.u32 s26, $0x1;
	_ =	strace $0x80000049;
	[dreg:$0x1] =	wrdreg $0xFFFFFFFF  }
0xa7: {  	s28 =	simm.s32 $_size_execute0_lowered;
	s3 =	sadd.s32 s3, s5;
	[dreg:$0x0] =	wrdreg $0x0  }
0xa8: {  	s5 =	sshll.u32 s28, $0x1;
	[dreg:$0x2] =	wrdreg s3  }
0xa9: {  	[dreg:$0x3] =	wrdreg s5  }
0xaa: {  	[dreg:$0x4] =	wrdreg $0xC0  }
0xab: {  	_ =	task [dreg:s7], $0x5FFFF  }
0xac: {  	[dreg:$0x1] =	wrdreg $0xFFFFFFFF  }
0xad: {  	[dreg:$0x0] =	wrdreg $0x60  }
0xae: {  	[dreg:$0x2] =	wrdreg s24  }
0xaf: {  	[dreg:$0x3] =	wrdreg s2  }
0xb0: {  	[dreg:$0x4] =	wrdreg $0xE0000  }
0xb1: {  	[dreg:$0x5] =	wrdreg $0x9  }
0xb2: {  	_ =	task.clear_ibuf [dreg:s7], $0x6FFFF;
	_ =	strace $0x90000049  }
0xb3: {  	s29 =	simm.s32 $0x9;
	_ =	strace $0x8000004B  }
0xb4: {  	_ =	swait.ge [sflag:s29], $0x1  }
0xb5: {  	[sflag:s29] =	ssyncadd.s32 $0xFFFFFFFF  }
0xb6: {  	_ =	strace $0x9000004B  }
0xb7: {  	_ =	sfence  }
0xb8: {  	s30 =	sld [smem:$0x0];
	_ =	sdelay $0x2  }
0xb9: {  	s31 =	sshll.u32 s1, $0xD;
	s1 =	sshrl.u32 s1, $0x2  }
0xba: {  	s3 =	sand.u32 $0x4000, s31;
	s1 =	sadd.s32 s1, s30  }
0xbb: {  	s0 =	sor.u32 s3, s0;
	s1 =	sshll.u32 s1, $0x11  }
0xbc: {  	s0 =	sor.u32 s1, s0  }
0xbd: {  	s0 =	sadd.s32 $0x8F2B, s0  }
0xbe: {  	[sflag:s0] =	ssyncadd.remote.s32 $0x1  }
0xbf: {  	_ =	sfence.sel $0xFFFF  }
0xc0: {  	[dreg:$0x0] =	wrdreg $0xFFFFFFFF;
	(pc) =	sbr.abs _section_cstart, $3  }
0xc1: {  	[dreg:$0x1] =	wrdreg $0xFFFFFFFF  }
0xc2: {  	_ =	task.clear_ibuf [dreg:s7], $0x2FFFF;
	_ =	strace $0x9FFFFFFF  }
0xc3: {  	(tm) =	ssettm $0x7FFFFFFF  }
tec
execute0_lowered:
.L_overlay_start_1:
0x0: {  	(tag) =	ssettag $0x1  }
0x1: {  	s0 =	rddreg [dreg:$0x0]  }
0x2: {  	s2 =	rddreg [dreg:$0x1]  }
0x3: {  	s1 =	rddreg [dreg:$0x2];
	s3 =	simm.s32 $0x0;
	s4 =	srdreg.scid  }
0x4: {  	s26 =	stileid.u32;
	s28 =	simm.s32 $0xA000;
	s29 =	simm.s32 $0xC000  }
0x5: {  	s30 =	simm.s32 $0x80;
	s31 =	simm.s32 $0x6000;
	[smem:$0x7FF] =	sst s3  }
0x6: {  	s7 =	sand.u32 $0x1, s4;
	s8 =	smul.u32 $0x14000, s26;
	s4 =	sadd.s32 $0x21C00, s0  }
0x7: {  	s5 =	sadd.s32 $0x3C00, s0;
	s6 =	sadd.s32 $0x17C00, s0;
	s12 =	smul.u32 $0xA000, s26  }
0x8: {  	s11 =	smul.u32 $0x5000, s26;
	s14 =	sshll.u32 s26, $0x6;
	_ =	strace $0x8000004A  }
0x9: {  	s9 =	sshll.u32 s7, $0x6;
	s10 =	ssub.s32 $0x2, s7;
	s7 =	smul.u32 $0x50000, s7  }
0xa: {  	s8 =	sor.u32 s9, s8;
	s13 =	sshrl.u32 s10, $0x1;
	s9 =	sshrl.u32 s12, $0x3  }
0xb: {  	s17 =	sadd.s32 $0x1000, s11;
	s18 =	sshrl.u32 s11, $0x3;
	s20 =	sadd.s32 $0x2000, s11  }
0xc: {  	s8 =	sshrl.u32 s8, $0x3;
	s2 =	sadd.s32 s2, s9;
	s15 =	sadd.s32 s11, s7  }
0xd: {  	s21 =	sshrl.u32 s17, $0x3;
	[dreg:$0x4] =	wrdreg s7;
	s22 =	sadd.s32 s7, s20  }
0xe: {  	[dreg:$0x9] =	wrdreg s20;
	s24 =	sshrl.u32 s20, $0x3;
	s9 =	simm.s32 $0x1  }
0xf: {  	s11 =	simm.s32 $0x0;
	s0 =	sadd.s32 s8, s0;
	s8 =	ssub.s32 s10, s13  }
0x10: {  	s10 =	sadd.s32 s12, s1;
	[dreg:$0x5] =	wrdreg s2;
	s13 =	sor.u32 $0x1C0C, s14  }
0x11: {  	s16 =	sshrl.u32 s15, $0x3;
	s12 =	sadd.s32 s7, s17;
	s23 =	sshrl.u32 s22, $0x3  }
0x12: {  	s7 =	smov.u32 s5;
	s25 =	sadd.s32 s6, s24;
	s22 =	simm.s32 $0xB  }
0x13: {  	s24 =	simm.s32 $0x8;
	s2 =	sadd.s32 s5, s16;
	[dreg:$0xd] =	wrdreg s25  }
0x14: {  	s19 =	sshrl.u32 s12, $0x3;
	s12 =	smov.u32 s6;
	[dreg:$0x6] =	wrdreg s13  }
0x15: {  	s0 =	sadd.s32 $0x49C00, s0;
	s26 =	smax.u32 s8, $0x1;
	[dreg:$0x7] =	wrdreg s2  }
0x16: {  	s25 =	simm.s32 $0x6;
	s8 =	simm.s32 $0x9;
	[dreg:$0xe] =	wrdreg s0  }
0x17: {  	s2 =	sadd.s32 s6, s18;
	[dreg:$0xf] =	wrdreg s26;
	s0 =	simm.s32 $0x8000  }
.Ltmp0:
0x18: {  	[dreg:$0x8] =	wrdreg s2;
	s2 =	sadd.s32 s5, s19;
	(pc) =	sbr.rel .LBB2_1-.Ltmp0, $4  }
0x19: {  	[dreg:$0xa] =	wrdreg s2;
	s2 =	sadd.s32 s6, s21;
	s6 =	simm.s32 $0xC  }
0x1a: {  	s21 =	simm.s32 $0x4;
	[dreg:$0xb] =	wrdreg s2;
	s2 =	sadd.s32 s5, s23  }
0x1b: {  	s5 =	sshrl.u32 s10, $0x3;
	s23 =	simm.s32 $0x5;
	[dreg:$0xc] =	wrdreg s2  }
0x1c: {  	s10 =	simm.s32 $0x7;
	s2 =	simm.s32 $0xA;
	[dreg:$0x10] =	wrdreg s5  }
.LBB2_8:
0x1d: {  	_ =	swait.ge [sflag:s2], $0x2000  }
0x1e: {  	[sflag:s2] =	ssyncset.done $0x0  }
0x1f: {  	[sflag:s2] =	ssyncadd.s32 $0xFFFFE000  }
0x20: {  	_ =	swait.ge [sflag:s22], $0x2000  }
0x21: {  	[sflag:s22] =	ssyncset.done $0x0  }
0x22: {  	[sflag:s22] =	ssyncadd.s32 $0xFFFFE000  }
0x23: {  	[bflag:$0x0] =	sbarrier.arrive $0xFFFF  }
0x24: {  	s13 =	rddreg [dreg:$0x6]  }
0x25: {  	s3 =	rddreg [dreg:$0xe]  }
0x26: {  	s9 =	simm.s32 $0x1;
	s6 =	simm.s32 $0x10;
	s5 =	rddreg [dreg:$0x10]  }
0x27: {  	[hbm:s3@s6], [sflag:s13] =	dma.strided [spmem:s5@s24], $0x1400, s9, $0x8   }
0x28: {  	s6 =	simm.s32 $0xC  }
0x29: {  	_ =	swait.ge [sflag:s6], $0x1400  }
0x2a: {  	s11 =	rddreg [dreg:$0x11]  }
0x2b: {  	s26 =	rddreg [dreg:$0xf];
	s11 =	sadd.s32 $0x1, s11  }
0x2c: {  	p0 =	sne.s32 s11, s26  }
.Ltmp1:
0x2d: {  	_ = 	snop;
	(pc) =	sbr.rel @!p0 .LBB2_9-.Ltmp1, $3  }
0x2e: {  	_ =	sdelay $0x1  }
0x2f: {  	[sflag:s6] =	ssyncset.done $0x0  }
0x30: {  	[sflag:s6] =	ssyncadd.s32 $0xFFFFEC00  }
.LBB2_1:
0x31: {  	[dreg:$0x11] =	wrdreg s11  }
0x32: {  	s3 =	rddreg [dreg:$0x5]  }
0x33: {  	[spmem:s5], [sflag:s13] =	dma.local [hbm:s3], $0x1400  }
0x34: {  	_ =	swait.ge [sflag:s6], $0x1400  }
0x35: {  	[sflag:s6] =	ssyncset.done $0x0  }
0x36: {  	s3 =	simm.s32 $0x0;
	[sflag:s6] =	ssyncadd.s32 $0xFFFFEC00;
	s6 =	rddreg [dreg:$0x7]  }
0x37: {  	[tilespmem:s3], [sflag:$0x1] =	stream.linear.gather [hbm4b:s6+s3], $0x1000, $0x38;
	[tilespmem:$0x18000] =	vst v63  }
0x38: {  	s13 =	simm.s32 $0x3000;
	s11 =	rddreg [dreg:$0x8]  }
0x39: {  	[tilespmem:s13], [sflag:$0x1] =	stream.linear.gather [hbm4b:s11+s3], $0x1000, $0x38;
	[tilespmem:$0x18000] =	vst v63  }
0x3a: {  	s15 =	simm.s32 $0x1000;
	s14 =	rddreg [dreg:$0xa]  }
0x3b: {  	[tilespmem:s15], [sflag:$0x2] =	stream.linear.gather [hbm4b:s14+s3], $0x1000, $0x38;
	[tilespmem:$0x18000] =	vst v63  }
0x3c: {  	s17 =	simm.s32 $0x4000;
	s16 =	rddreg [dreg:$0xb]  }
0x3d: {  	[tilespmem:s17], [sflag:$0x2] =	stream.linear.gather [hbm4b:s16+s3], $0x1000, $0x38;
	[tilespmem:$0x18000] =	vst v63  }
0x3e: {  	s19 =	simm.s32 $0x2000;
	s18 =	rddreg [dreg:$0xc]  }
0x3f: {  	[tilespmem:s19], [sflag:$0x3] =	stream.linear.gather [hbm4b:s18+s3], $0x1000, $0x38;
	[tilespmem:$0x18000] =	vst v63  }
0x40: {  	s26 =	simm.s32 $0x5000;
	s20 =	rddreg [dreg:$0xd]  }
0x41: {  	[tilespmem:s26], [sflag:$0x3] =	stream.linear.gather [hbm4b:s20+s3], $0x1000, $0x38;
	[tilespmem:$0x18000] =	vst v63  }
0x42: {  	[bflag:$0x0] =	sbarrier.arrive $0xFFFF  }
0x43: {  	_ =	swait.ge [sflag:s9], $0x1000  }
0x44: {  	[sflag:s9] =	ssyncset.done $0x0  }
0x45: {  	[sflag:s9] =	ssyncadd.s32 $0xFFFFF000  }
0x46: {  	_ =	swait.ge [sflag:s9], $0x1000  }
0x47: {  	[sflag:s9] =	ssyncset.done $0x0  }
0x48: {  	[sflag:s9] =	ssyncadd.s32 $0xFFFFF000  }
0x49: {  	[tilespmem:s28], [sflag:$0xA] =	stream.linear.gather [hbm4b:s4+s3], $0x2000, $0x38;
	[tilespmem:$0x18000] =	vst v63  }
0x4a: {  	_ = 	snop  }
0x4b: {  	[tilespmem:s29], [sflag:$0xB] =	stream.linear.gather [hbm4b:s4+s3], $0x2000, $0x38;
	[tilespmem:$0x18000] =	vst v63  }
.Ltmp2:
0x4c: {  	_ = 	snop;
	(pc) =	sbr.rel .LBB2_2-.Ltmp2, $4  }
0x4d: {  	_ = 	snop  }
0x4e: {  	[tilespmem:s31], [sflag:$0x4] =	stream.indirect.gather [hbm4b:s4+s30], $0x40, s3, s30, $0xb8;
	[tilespmem:$0x18000] =	vst v63  }
0x4f: {  	s13 =	simm.s32 $0x0;
	s14 =	simm.s32 $0x0  }
0x50: {  	[tilespmem:s0], [sflag:$0x5] =	stream.indirect.gather [hbm4b:s4+s30], $0x40, s30, s30, $0xb8;
	[tilespmem:$0x18000] =	vst v63  }
.LBB2_6:
0x51: {  	_ =	swait.ge [sflag:s25], $0x2000  }
0x52: {  	[sflag:s25] =	ssyncset.done $0x0  }
0x53: {  	s3 =	sadd.s32 $0x3000, s16;
	[sflag:s25] =	ssyncadd.s32 $0xFFFFE000  }
0x54: {  	[spmem:s1] =	stream.indirect.scatter.add.f32 [tilespmem:s28], [sflag:$0xA], $0x40, s3, s30, $0xb8;
	[tilespmem:$0x18000] =	vst v63  }
0x55: {  	_ =	swait.ge [sflag:s8], $0x2000  }
0x56: {  	[sflag:s8] =	ssyncset.done $0x0  }
0x57: {  	[sflag:s8] =	ssyncadd.s32 $0xFFFFE000  }
.LBB2_7:
0x58: {  	s13 =	sadd.s32 $0x4, s13  }
0x59: {  	p0 =	sne.s32 s13, $0xA0  }
.Ltmp3:
0x5a: {  	_ = 	snop;
	(pc) =	sbr.rel @!p0 .LBB2_8-.Ltmp3, $4  }
0x5b: {  	_ =	swait.ge [sflag:s10], $0x2000  }
0x5c: {  	[sflag:s10] =	ssyncset.done $0x0  }
0x5d: {  	s3 =	sadd.s32 $0x3000, s9;
	s14 =	sadd.s32 $0x1, s14;
	[sflag:s10] =	ssyncadd.s32 $0xFFFFE000  }
0x5e: {  	[spmem:s1] =	stream.indirect.scatter.add.f32 [tilespmem:s29], [sflag:$0xB], $0x40, s3, s30, $0xb8;
	[tilespmem:$0x18000] =	vst v63  }
.LBB2_2:
0x5f: {  	s19 =	sshrl.u32 s14, $0x3  }
0x60: {  	p0 =	slt.u32 s14, $0x18;
	s17 =	sadd.s32 $0xFFFFFFFD, s19  }
0x61: {  	s18 =	sand.u32 $0x1C, s13;
	s17 =	smov.u32 @p0 s19  }
0x62: {  	_ =	swait.ge [sflag:s2], $0x2000;
	s15 =	sshll.u32 s18, $0x7;
	s9 =	sshll.u32 s17, $0xC  }
0x63: {  	[sflag:s2] =	ssyncset.done $0x0;
	s9 =	sor.u32 s15, s9  }
0x64: {  	[sflag:s2] =	ssyncadd.s32 $0xFFFFE000;
	s16 =	sor.u32 $0x100, s9  }
0x65: {  	[tilespmem:s28], [sflag:$0x6] =	stream.indirect.gather [hbm4b:s4+s30], $0x40, s16, s30, $0xb8;
	[tilespmem:$0x18000] =	vst v63  }
0x66: {  	_ =	swait.ge [sflag:s21], $0x2000  }
0x67: {  	s26 =	sadd.s32 $0xFFFFFFFF, s19;
	p0 =	sne.s32 s18, $0x0;
	[sflag:s21] =	ssyncset.done $0x0  }
0x68: {  	p1 =	sgt.u32 @!p0 s26, $0x1;
	s20 =	sadd.s32 $0x3000, s9;
	[sflag:s21] =	ssyncadd.s32 $0xFFFFE000  }
0x69: {  	[spmem:s1] =	stream.indirect.scatter.add.f32 [tilespmem:s31], [sflag:$0x8], $0x40, s20, s30, $0xb8;
	[tilespmem:$0x18000] =	vst v63  }
0x6a: {  	p0 =	por p1, p0;
	_ =	swait.ge [sflag:s22], $0x2000  }
0x6b: {  	s3 =	sshll.u32 @!p0 s19, $0xC;
	s5 =	rddreg [dreg:$0x9]  }
0x6c: {  	s3 =	sadd.s32 @!p0 s3, s5;
	s5 =	rddreg [dreg:$0x4]  }
0x6d: {  	s6 =	simm.s32 @!p0 $0x0;
	[sflag:s22] =	ssyncset.done $0x0;
	s11 =	sadd.s32 @!p0 s5, s3  }
0x6e: {  	[sflag:s22] =	ssyncadd.s32 $0xFFFFE000;
	s5 =	sadd.s32 @!p0 $0x1, s26;
	s11 =	sshrl.u32 @!p0 s11, $0x3  }
0x6f: {  	s26 =	sshll.u32 @!p0 s26, $0xC;
	s3 =	sshrl.u32 @!p0 s3, $0x3;
	s11 =	sadd.s32 @!p0 s7, s11  }
0x70: {  	[tilespmem:s26], [sflag:s5] =	stream.linear.gather @!p0 [hbm4b:s11+s6], $0x1000, $0x38;
	[tilespmem:$0x18000] =	vst v63  }
0x71: {  	p1 =	sgt.u32 s14, $0x1F;
	s3 =	sadd.s32 @!p0 s12, s3;
	s11 =	sadd.s32 @!p0 $0x3000, s26  }
0x72: {  	[tilespmem:s11], [sflag:s5] =	stream.linear.gather @!p0 [hbm4b:s3+s6], $0x1000, $0x38;
	[tilespmem:$0x18000] =	vst v63  }
0x73: {  	s9 =	sor.u32 $0x180, s9;
	p2 =	sne.s32 @!p1 s18, $0x1C  }
0x74: {  	[tilespmem:s29], [sflag:$0x7] =	stream.indirect.gather [hbm4b:s4+s30], $0x40, s9, s30, $0xb8;
	[tilespmem:$0x18000] =	vst v63  }
0x75: {  	p0 =	slt.u32 s14, $0x10;
	s3 =	simm.s32 $0x1;
	_ =	swait.ge [sflag:s23], $0x2000  }
0x76: {  	s3 =	simm.s32 @!p0 $0xFFFFFFFE;
	p0 =	por p1, p2;
	[sflag:s23] =	ssyncset.done $0x0  }
.Ltmp4:
0x77: {  	s26 =	sadd.s32 $0x80, s20;
	[sflag:s23] =	ssyncadd.s32 $0xFFFFE000;
	(pc) =	sbr.rel @p0 .LBB2_4-.Ltmp4, $4  }
0x78: {  	[spmem:s1] =	stream.indirect.scatter.add.f32 [tilespmem:s0], [sflag:$0x9], $0x40, s26, s30, $0xb8;
	[tilespmem:$0x18000] =	vst v63  }
0x79: {  	_ =	swait.ge [sflag:s24], $0x2000  }
0x7a: {  	[sflag:s24] =	ssyncset.done $0x0  }
0x7b: {  	s19 =	sadd.s32 s19, s3;
	[sflag:s24] =	ssyncadd.s32 $0xFFFFE000  }
0x7c: {  	s3 =	sadd.s32 $0x1, s19  }
0x7d: {  	_ =	swait.ge [sflag:s3], $0x1000  }
0x7e: {  	[sflag:s3] =	ssyncset.done $0x0  }
0x7f: {  	[sflag:s3] =	ssyncadd.s32 $0xFFFFF000  }
0x80: {  	_ =	swait.ge [sflag:s3], $0x1000  }
0x81: {  	[sflag:s3] =	ssyncset.done $0x0  }
0x82: {  	[sflag:s3] =	ssyncadd.s32 $0xFFFFF000  }
.LBB2_5:
0x83: {  	p0 =	seq.s32 s18, $0x1C  }
0x84: {  	s17 =	smov.u32 @p0 s19  }
0x85: {  	s3 =	sadd.s32 $0x200, s15;
	s5 =	sshll.u32 s17, $0xC  }
0x86: {  	s3 =	simm.s32 @p0 $0x0;
	s5 =	sand.u32 $0x3FFFF000, s5  }
0x87: {  	s3 =	sadd.s32 s3, s5  }
0x88: {  	[tilespmem:s31], [sflag:$0x4] =	stream.indirect.gather [hbm4b:s4+s30], $0x40, s3, s30, $0xb8;
	[tilespmem:$0x18000] =	vst v63  }
0x89: {  	_ =	swait.ge [sflag:s25], $0x2000  }
0x8a: {  	[sflag:s25] =	ssyncset.done $0x0  }
0x8b: {  	s26 =	sadd.s32 $0x3000, s16;
	[sflag:s25] =	ssyncadd.s32 $0xFFFFE000  }
0x8c: {  	[spmem:s1] =	stream.indirect.scatter.add.f32 [tilespmem:s28], [sflag:$0xA], $0x40, s26, s30, $0xb8;
	[tilespmem:$0x18000] =	vst v63  }
.Ltmp5:
0x8d: {  	_ = 	snop;
	(pc) =	sbr.rel .LBB2_7-.Ltmp5, $4  }
0x8e: {  	s3 =	sadd.s32 $0x280, s15;
	_ =	swait.ge [sflag:s8], $0x2000  }
0x8f: {  	s3 =	simm.s32 @p0 $0x80;
	[sflag:s8] =	ssyncset.done $0x0  }
0x90: {  	s3 =	sadd.s32 s3, s5;
	[sflag:s8] =	ssyncadd.s32 $0xFFFFE000  }
0x91: {  	[tilespmem:s0], [sflag:$0x5] =	stream.indirect.gather [hbm4b:s4+s30], $0x40, s3, s30, $0xb8;
	[tilespmem:$0x18000] =	vst v63  }
.LBB2_4:
0x92: {  	p0 =	seq.s32 s14, $0x27  }
.Ltmp6:
0x93: {  	_ = 	snop;
	(pc) =	sbr.rel @p0 .LBB2_6-.Ltmp6, $4  }
.Ltmp7:
0x94: {  	_ = 	snop;
	(pc) =	sbr.rel @!p0 .LBB2_5-.Ltmp7, $4  }
0x95: {  	_ = 	snop  }
0x96: {  	_ = 	snop  }
0x97: {  	_ = 	snop  }
0x98: {  	_ = 	snop  }
.LBB2_9:
0x99: {  	_ =	sfence.sel $0x180000  }
0x9a: {  	[bflag:$0x0] =	sbarrier.arrive $0xFFFF  }
0x9b: {  	_ =	strace $0x9000004A  }
0x9c: {  	s0 =	stileid.u32;
	[bflag:$0x2] =	sbarrier.arrive $0xFFFF  }
0x9d: {  	p0 =	sne.s32 s0, $0x0;
	s0 =	rddreg [dreg:$0x3]  }
0x9e: {  	s0 =	sadd.s32 @!p0 $0x100000, s0  }
0x9f: {  	[sflag:s0] =	ssyncadd.tile.s32 @!p0 $0x1;
	_ =	shalt  }
.Lfunc_end2:
_tile_overlayer_lowered:
.L_overlay_start_2:
0xa0: {  	(tag) =	ssettag $0x2  }
0xa1: {  	s0 =	rddreg [dreg:$0x0];
	s2 =	stileid.u32  }
0xa2: {  	s1 =	rddreg [dreg:$0x1];
	p0 =	sne.s32 s2, $0x0  }
0xa3: {  	s3 =	rddreg [dreg:$0x2];
	[bflag:$0x3] =	sbarrier.arrive $0xFFFF;
	s2 =	simm.s32 @!p0 $0x1C0C  }
0xa4: {  	[timem:s3], [sflag:s2] =	dma.local @!p0 [hbm:s0], s1  }
0xa5: {  	s0 =	simm.s32 @!p0 $0xC  }
0xa6: {  	_ =	swait.ge @!p0 [sflag:s0], s1  }
0xa7: {  	s1 =	ssub.s32 @!p0 $0x0, s1;
	[sflag:s0] =	ssyncset.done @!p0 $0x0  }
0xa8: {  	[sflag:s0] =	ssyncadd.s32 @!p0 s1  }
0xa9: {  	[bflag:$0x3] =	sbarrier.arrive $0xFFFF  }
0xaa: {  	_ =	shalt  }

// kernel: kernel.15.cloned.1.call-start
scs
__scs_entry_jumppad:
0x0: {  	(pc) =	sbr.rel $0x88, $3  }
0x1: {  	(tag) =	ssettag $0x0;
	lr =	simm.s32 $0x1  }
0x2: {  	[smem:$0x3F9B] =	sst lr;
	_ =	strace $0xD0000000  }
0x3: {  	_ = 	snop  }
0x4: {  	_ = 	snop  }
0x5: {  	_ = 	snop  }
0x6: {  	_ = 	snop  }
0x7: {  	_ = 	snop  }
__scs_overlays_trampoline_lowered:
0x8: {  	[smem:$0x3FAA] =	sst s0  }
0x9: {  	[smem:$0x3FAB] =	sst s1  }
0xa: {  	[smem:$0x3FAC] =	sst s2  }
0xb: {  	[smem:$0x3FAD] =	sst s3  }
0xc: {  	[smem:$0x3FAE] =	sst s4  }
0xd: {  	[smem:$0x3FAF] =	sst s5  }
0xe: {  	[smem:$0x3FB0] =	sst s6  }
0xf: {  	[smem:$0x3FB1] =	sst s7  }
0x10: {  	[smem:$0x3FB2] =	sst s8  }
0x11: {  	[smem:$0x3FB3] =	sst s9;
	s0 =	simm.s32 @!p0 $0x0  }
0x12: {  	s1 =	sld [smem:$0x3F99];
	s0 =	simm.s32 @p0 $0x1  }
0x13: {  	[smem:$0x3FB4] =	sst s0;
	s0 =	simm.s32 @!p1 $0x0  }
0x14: {  	s2 =	sld [smem:$0x3F98];
	s0 =	simm.s32 @p1 $0x1  }
0x15: {  	[smem:$0x3FB5] =	sst s0;
	s0 =	simm.s32 @!p2 $0x0  }
0x16: {  	s3 =	sld [smem:$0x3FDB];
	s0 =	simm.s32 @p2 $0x1  }
0x17: {  	s4 =	simm.s32 $0x1BF5;
	[smem:$0x3FB7] =	sst s0  }
0x18: {  	s0 =	sld [smem:$0x3F9A];
	_ =	swait.ge [sflag:s4], $0x0  }
0x19: {  	s7 =	sld [smem:$0x3F9B]  }
0x1a: {  	s8 =	sadd.s32 $0xFFFFE003, lr  }
0x1b: {  	s9 =	sadd.s32 $0xFFFFFEF7, lr;
	s5 =	simm.s32 $0xFFFFFFFF;
	p2 =	slt.u32 s8, $0xFFFFF086  }
0x1c: {  	p1 =	slt.u32 s9, $0xF7A;
	s5 =	simm.s32 @!p2 $0x0  }
0x1d: {  	s5 =	simm.s32 @p1 $0x1;
	p0 =	seq.s32 s7, s2  }
0x1e: {  	s7 =	smul.u32 @!p0 $0xF7A, s2;
	p2 =	seq.s32 @!p0 s5, $0x0  }
0x1f: {  	s9 =	smul.u32 $0xF7A, s1;
	s8 =	simm.s32 @!p0 $0x1BF5;
	p2 =	por !p2, p0  }
0x20: {  	[sflag:s8] =	ssyncset.s32 @!p0 $0xFFFFF086;
	s6 =	sadd.s32 @!p0 s3, s7;
	s7 =	simm.s32 @!p0 $0x108  }
0x21: {  	s3 =	sadd.s32 s3, s9;
	s6 =	sadd.s32 @!p0 $0x88, s6;
	s7 =	simm.s32 @p2 $0x1082  }
0x22: {  	[simem:s7], [sflag:s8] =	dma.local @!p0 [hbm:s6], $0xF7A  }
0x23: {  	s9 =	sor.u32 $0xD0000000, s2;
	s6 =	simm.s32 $0x108;
	_ =	swait.ge @!p0 [sflag:s8], $0x0  }
0x24: {  	s3 =	sadd.s32 $0x88, s3;
	s6 =	simm.s32 @!p1 $0x1082;
	[sflag:s4] =	ssyncset.s32 $0xFFFFF086  }
0x25: {  	[simem:s6], [sflag:s4] =	dma.local [hbm:s3], $0xF7A  }
0x26: {  	[smem:$0x3F9B] =	sst s1;
	(tag) =	ssettag s2;
	_ =	strace s9  }
0x27: {  	s1 =	sld [smem:$0x3FAB]  }
0x28: {  	s2 =	sld [smem:$0x3FAC]  }
0x29: {  	s4 =	sld [smem:$0x3FAE]  }
0x2a: {  	p0 =	seq.s32 s5, $0x0;
	s5 =	sld [smem:$0x3FAF]  }
0x2b: {  	s6 =	sld [smem:$0x3FB0]  }
0x2c: {  	s7 =	sld [smem:$0x3FB1]  }
0x2d: {  	s3 =	simm.s32 $0x108;
	s8 =	sld [smem:$0x3FB2]  }
0x2e: {  	s3 =	simm.s32 @!p0 $0x1082;
	s9 =	sld [smem:$0x3FB3]  }
0x2f: {  	lr =	sadd.s32 s0, s3;
	s0 =	sld [smem:$0x3FAA]  }
0x30: {  	s3 =	sld [smem:$0x3FAD]  }
0x31: {  	[smem:$0x3FB6] =	sst s10  }
0x32: {  	s10 =	sld [smem:$0x3FB4];
	_ =	sdelay $0x3  }
0x33: {  	p0 =	seq.s32 s10, $0x1;
	s10 =	sld [smem:$0x3FB6];
	_ =	sdelay $0x3  }
0x34: {  	[smem:$0x3FB6] =	sst s10  }
0x35: {  	s10 =	sld [smem:$0x3FB5];
	_ =	sdelay $0x3  }
0x36: {  	p1 =	seq.s32 s10, $0x1;
	s10 =	sld [smem:$0x3FB6];
	_ =	sdelay $0x3  }
0x37: {  	[smem:$0x3FB6] =	sst s10  }
0x38: {  	s10 =	sld [smem:$0x3FB7]  }
0x39: {  	_ = 	snop;
	(pc) =	sbr.ind lr, $3  }
0x3a: {  	_ = 	snop  }
0x3b: {  	_ = 	snop  }
0x3c: {  	p2 =	seq.s32 s10, $0x1;
	s10 =	sld [smem:$0x3FB6]  }
0x3d: {  	_ =	shalt  }
0x3e: {  	_ =	shalt  }
0x3f: {  	_ =	shalt  }
0x40: {  	_ =	shalt  }
0x41: {  	_ =	shalt  }
0x42: {  	_ =	shalt  }
0x43: {  	_ =	shalt  }
0x44: {  	_ =	shalt  }
0x45: {  	_ =	shalt  }
0x46: {  	_ =	shalt  }
0x47: {  	_ =	shalt  }
0x48: {  	_ =	shalt  }
0x49: {  	_ =	shalt  }
0x4a: {  	_ =	shalt  }
0x4b: {  	_ =	shalt  }
0x4c: {  	_ =	shalt  }
0x4d: {  	_ =	shalt  }
0x4e: {  	_ =	shalt  }
0x4f: {  	_ =	shalt  }
0x50: {  	_ =	shalt  }
0x51: {  	_ =	shalt  }
0x52: {  	_ =	shalt  }
0x53: {  	_ =	shalt  }
0x54: {  	_ =	shalt  }
0x55: {  	_ =	shalt  }
0x56: {  	_ =	shalt  }
0x57: {  	_ =	shalt  }
0x58: {  	_ =	shalt  }
0x59: {  	_ =	shalt  }
0x5a: {  	_ =	shalt  }
0x5b: {  	_ =	shalt  }
0x5c: {  	_ =	shalt  }
0x5d: {  	_ =	shalt  }
0x5e: {  	_ =	shalt  }
0x5f: {  	_ =	shalt  }
0x60: {  	_ =	shalt  }
0x61: {  	_ =	shalt  }
0x62: {  	_ =	shalt  }
0x63: {  	_ =	shalt  }
0x64: {  	_ =	shalt  }
0x65: {  	_ =	shalt  }
0x66: {  	_ =	shalt  }
0x67: {  	_ =	shalt  }
0x68: {  	_ =	shalt  }
0x69: {  	_ =	shalt  }
0x6a: {  	_ =	shalt  }
0x6b: {  	_ =	shalt  }
0x6c: {  	_ =	shalt  }
0x6d: {  	_ =	shalt  }
0x6e: {  	_ =	shalt  }
0x6f: {  	_ =	shalt  }
0x70: {  	_ =	shalt  }
0x71: {  	_ =	shalt  }
0x72: {  	_ =	shalt  }
0x73: {  	_ =	shalt  }
0x74: {  	_ =	shalt  }
0x75: {  	_ =	shalt  }
0x76: {  	_ =	shalt  }
0x77: {  	_ =	shalt  }
0x78: {  	_ =	shalt  }
0x79: {  	_ =	shalt  }
0x7a: {  	_ =	shalt  }
0x7b: {  	_ =	shalt  }
0x7c: {  	_ =	shalt  }
0x7d: {  	_ =	shalt  }
0x7e: {  	_ =	shalt  }
0x7f: {  	_ =	shalt  }
0x80: {  	_ =	shalt  }
0x81: {  	_ =	shalt  }
0x82: {  	_ =	shalt  }
0x83: {  	_ =	shalt  }
0x84: {  	_ =	shalt  }
0x85: {  	_ =	shalt  }
0x86: {  	_ =	shalt  }
0x87: {  	_ =	shalt  }
.Lfunc_end0:
.L_simem_size_0:
called_computation.2_lowered:
.L_overlay_start_0:
0x88: {  	s2 =	sld [smem:$0x3FD9]  }
0x89: {  	s3 =	sld [smem:$0x3FFE];
	_ =	sdelay $0x1  }
0x8a: {  	s1 =	srdreg.scid  }
0x8b: {  	s0 =	sand.u32 $0x1, s1  }
0x8c: {  	s17 =	sshll.u32 s0, $0xA;
	s2 =	sadd.s32 s3, s2  }
0x8d: {  	s2 =	sadd.s32 s2, s17  }
0x8e: {  	[smem:$0x3FC2] =	sst s2  }
0x8f: {  	_ = 	snop  }
0x90: {  	s2 =	sld [smem:$0x3FD0];
	(tm) =	ssettm $0x1  }
0x91: {  	s18 =	sld [smem:$0x3FFB];
	_ =	sdelay $0x3  }
0x92: {  	_ =	strace s18  }
0x93: {  	s3 =	sld [smem:$0x3FFC];
	_ =	sdelay $0x3  }
0x94: {  	_ =	strace s3  }
0x95: {  	s3 =	sld [smem:$0x3FFD];
	_ =	sdelay $0x3  }
0x96: {  	_ =	strace s3  }
0x97: {  	_ =	strace $0x8FFFFFFF  }
0x98: {  	s19 =	sld [smem:$0x3FDB];
	_ =	sdelay $0x1  }
0x99: {  	s4 =	simm.s32 $_scs_section_size  }
0x9a: {  	s5 =	simm.s32 $_size__tile_overlayer_lowered;
	s6 =	simm.s32 $_tile_overlayer_lowered  }
0x9b: {  	s22 =	simm.s32 $0x1BFF;
	s21 =	sshll.u32 s6, $0x1;
	s3 =	sadd.s32 s4, s19  }
0x9c: {  	s7 =	simm.s32 $0x0;
	s20 =	sshll.u32 s5, $0x1;
	s5 =	sadd.s32 s21, s3  }
0x9d: {  	[timem:s7], [sflag:s22] =	dma.local [hbm:s5], s20  }
0x9e: {  	_ =	swait.ge [sflag:s22], s20  }
0x9f: {  	s4 =	ssub.s32 $0x0, s20;
	[sflag:s22] =	ssyncset.done $0x0  }
0xa0: {  	[sflag:s22] =	ssyncadd.s32 s4;
	_ =	sdelay $0x1  }
0xa1: {  	s23 =	simm.s32 $0x1B8B  }
0xa2: {  	_ =	swait.ge [sflag:s23], $0x1  }
0xa3: {  	[sflag:s23] =	ssyncset.done $0x0  }
0xa4: {  	s25 =	simm.s32 $0x1B8E;
	s24 =	sld [smem:$0x3FFE];
	[sflag:s23] =	ssyncadd.s32 $0xFFFFFFFF  }
0xa5: {  	s26 =	simm.s32 $execute0_lowered;
	[smem:$0x3FD2] =	sst s25  }
0xa6: {  	s5 =	sshll.u32 s26, $0x1;
	_ =	strace $0x8000004C;
	[dreg:$0x1] =	wrdreg $0xFFFFFFFF  }
0xa7: {  	s28 =	simm.s32 $_size_execute0_lowered;
	s3 =	sadd.s32 s3, s5;
	[dreg:$0x0] =	wrdreg $0x0  }
0xa8: {  	s5 =	sshll.u32 s28, $0x1;
	[dreg:$0x2] =	wrdreg s3  }
0xa9: {  	[dreg:$0x3] =	wrdreg s5  }
0xaa: {  	[dreg:$0x4] =	wrdreg $0xC0  }
0xab: {  	_ =	task [dreg:s7], $0x5FFFF  }
0xac: {  	[dreg:$0x1] =	wrdreg $0xFFFFFFFF  }
0xad: {  	[dreg:$0x0] =	wrdreg $0x60  }
0xae: {  	[dreg:$0x2] =	wrdreg s24  }
0xaf: {  	[dreg:$0x3] =	wrdreg s2  }
0xb0: {  	[dreg:$0x4] =	wrdreg $0xE0000  }
0xb1: {  	[dreg:$0x5] =	wrdreg $0x9  }
0xb2: {  	_ =	task.clear_ibuf [dreg:s7], $0x6FFFF;
	_ =	strace $0x9000004C  }
0xb3: {  	s29 =	simm.s32 $0x9;
	_ =	strace $0x8000004E  }
0xb4: {  	_ =	swait.ge [sflag:s29], $0x1  }
0xb5: {  	[sflag:s29] =	ssyncadd.s32 $0xFFFFFFFF  }
0xb6: {  	_ =	strace $0x9000004E  }
0xb7: {  	_ =	sfence  }
0xb8: {  	s30 =	sld [smem:$0x0];
	_ =	sdelay $0x2  }
0xb9: {  	s31 =	sshll.u32 s1, $0xD;
	s1 =	sshrl.u32 s1, $0x2  }
0xba: {  	s3 =	sand.u32 $0x4000, s31;
	s1 =	sadd.s32 s1, s30  }
0xbb: {  	s0 =	sor.u32 s3, s0;
	s1 =	sshll.u32 s1, $0x11  }
0xbc: {  	s0 =	sor.u32 s1, s0  }
0xbd: {  	s0 =	sadd.s32 $0x8F2B, s0  }
0xbe: {  	[sflag:s0] =	ssyncadd.remote.s32 $0x1  }
0xbf: {  	_ =	sfence.sel $0xFFFF  }
0xc0: {  	[dreg:$0x0] =	wrdreg $0xFFFFFFFF;
	(pc) =	sbr.abs _section_cstart, $3  }
0xc1: {  	[dreg:$0x1] =	wrdreg $0xFFFFFFFF  }
0xc2: {  	_ =	task.clear_ibuf [dreg:s7], $0x2FFFF;
	_ =	strace $0x9FFFFFFF  }
0xc3: {  	(tm) =	ssettm $0x7FFFFFFF  }
tec
execute0_lowered:
.L_overlay_start_1:
0x0: {  	(tag) =	ssettag $0x1  }
0x1: {  	s0 =	rddreg [dreg:$0x0]  }
0x2: {  	s2 =	rddreg [dreg:$0x1]  }
0x3: {  	s1 =	rddreg [dreg:$0x2];
	s3 =	simm.s32 $0x0;
	s4 =	srdreg.scid  }
0x4: {  	s26 =	stileid.u32;
	s28 =	simm.s32 $0xA000;
	s29 =	simm.s32 $0xC000  }
0x5: {  	s30 =	simm.s32 $0x80;
	s31 =	simm.s32 $0x6000;
	[smem:$0x7FF] =	sst s3  }
0x6: {  	s7 =	sand.u32 $0x1, s4;
	s8 =	smul.u32 $0x14000, s26;
	s4 =	sadd.s32 $0x21C00, s0  }
0x7: {  	s5 =	sadd.s32 $0x3C00, s0;
	s6 =	sadd.s32 $0x17C00, s0;
	s12 =	smul.u32 $0xA000, s26  }
0x8: {  	s11 =	smul.u32 $0x5000, s26;
	s14 =	sshll.u32 s26, $0x6;
	_ =	strace $0x8000004D  }
0x9: {  	s9 =	sshll.u32 s7, $0x6;
	s10 =	ssub.s32 $0x2, s7;
	s7 =	smul.u32 $0x50000, s7  }
0xa: {  	s8 =	sor.u32 s9, s8;
	s13 =	sshrl.u32 s10, $0x1;
	s9 =	sshrl.u32 s12, $0x3  }
0xb: {  	s17 =	sadd.s32 $0x1000, s11;
	s18 =	sshrl.u32 s11, $0x3;
	s20 =	sadd.s32 $0x2000, s11  }
0xc: {  	s8 =	sshrl.u32 s8, $0x3;
	s2 =	sadd.s32 s2, s9;
	s15 =	sadd.s32 s11, s7  }
0xd: {  	s21 =	sshrl.u32 s17, $0x3;
	[dreg:$0x4] =	wrdreg s7;
	s22 =	sadd.s32 s7, s20  }
0xe: {  	[dreg:$0x9] =	wrdreg s20;
	s24 =	sshrl.u32 s20, $0x3;
	s9 =	simm.s32 $0x1  }
0xf: {  	s11 =	simm.s32 $0x0;
	s0 =	sadd.s32 s8, s0;
	s8 =	ssub.s32 s10, s13  }
0x10: {  	s10 =	sadd.s32 s12, s1;
	[dreg:$0x5] =	wrdreg s2;
	s13 =	sor.u32 $0x1C0C, s14  }
0x11: {  	s16 =	sshrl.u32 s15, $0x3;
	s12 =	sadd.s32 s7, s17;
	s23 =	sshrl.u32 s22, $0x3  }
0x12: {  	s7 =	smov.u32 s5;
	s25 =	sadd.s32 s6, s24;
	s22 =	simm.s32 $0xB  }
0x13: {  	s24 =	simm.s32 $0x8;
	s2 =	sadd.s32 s5, s16;
	[dreg:$0xd] =	wrdreg s25  }
0x14: {  	s19 =	sshrl.u32 s12, $0x3;
	s12 =	smov.u32 s6;
	[dreg:$0x6] =	wrdreg s13  }
0x15: {  	s0 =	sadd.s32 $0x49C00, s0;
	s26 =	smax.u32 s8, $0x1;
	[dreg:$0x7] =	wrdreg s2  }
0x16: {  	s25 =	simm.s32 $0x6;
	s8 =	simm.s32 $0x9;
	[dreg:$0xe] =	wrdreg s0  }
0x17: {  	s2 =	sadd.s32 s6, s18;
	[dreg:$0xf] =	wrdreg s26;
	s0 =	simm.s32 $0x8000  }
.Ltmp0:
0x18: {  	[dreg:$0x8] =	wrdreg s2;
	s2 =	sadd.s32 s5, s19;
	(pc) =	sbr.rel .LBB2_1-.Ltmp0, $4  }
0x19: {  	[dreg:$0xa] =	wrdreg s2;
	s2 =	sadd.s32 s6, s21;
	s6 =	simm.s32 $0xC  }
0x1a: {  	s21 =	simm.s32 $0x4;
	[dreg:$0xb] =	wrdreg s2;
	s2 =	sadd.s32 s5, s23  }
0x1b: {  	s5 =	sshrl.u32 s10, $0x3;
	s23 =	simm.s32 $0x5;
	[dreg:$0xc] =	wrdreg s2  }
0x1c: {  	s10 =	simm.s32 $0x7;
	s2 =	simm.s32 $0xA;
	[dreg:$0x10] =	wrdreg s5  }
.LBB2_8:
0x1d: {  	_ =	swait.ge [sflag:s2], $0x2000  }
0x1e: {  	[sflag:s2] =	ssyncset.done $0x0  }
0x1f: {  	[sflag:s2] =	ssyncadd.s32 $0xFFFFE000  }
0x20: {  	_ =	swait.ge [sflag:s22], $0x2000  }
0x21: {  	[sflag:s22] =	ssyncset.done $0x0  }
0x22: {  	[sflag:s22] =	ssyncadd.s32 $0xFFFFE000  }
0x23: {  	[bflag:$0x0] =	sbarrier.arrive $0xFFFF  }
0x24: {  	s13 =	rddreg [dreg:$0x6]  }
0x25: {  	s3 =	rddreg [dreg:$0xe]  }
0x26: {  	s9 =	simm.s32 $0x1;
	s6 =	simm.s32 $0x10;
	s5 =	rddreg [dreg:$0x10]  }
0x27: {  	[hbm:s3@s6], [sflag:s13] =	dma.strided [spmem:s5@s24], $0x1400, s9, $0x8   }
0x28: {  	s6 =	simm.s32 $0xC  }
0x29: {  	_ =	swait.ge [sflag:s6], $0x1400  }
0x2a: {  	s11 =	rddreg [dreg:$0x11]  }
0x2b: {  	s26 =	rddreg [dreg:$0xf];
	s11 =	sadd.s32 $0x1, s11  }
0x2c: {  	p0 =	sne.s32 s11, s26  }
.Ltmp1:
0x2d: {  	_ = 	snop;
	(pc) =	sbr.rel @!p0 .LBB2_9-.Ltmp1, $3  }
0x2e: {  	_ =	sdelay $0x1  }
0x2f: {  	[sflag:s6] =	ssyncset.done $0x0  }
0x30: {  	[sflag:s6] =	ssyncadd.s32 $0xFFFFEC00  }
.LBB2_1:
0x31: {  	[dreg:$0x11] =	wrdreg s11  }
0x32: {  	s3 =	rddreg [dreg:$0x5]  }
0x33: {  	[spmem:s5], [sflag:s13] =	dma.local [hbm:s3], $0x1400  }
0x34: {  	_ =	swait.ge [sflag:s6], $0x1400  }
0x35: {  	[sflag:s6] =	ssyncset.done $0x0  }
0x36: {  	s3 =	simm.s32 $0x0;
	[sflag:s6] =	ssyncadd.s32 $0xFFFFEC00;
	s6 =	rddreg [dreg:$0x7]  }
0x37: {  	[tilespmem:s3], [sflag:$0x1] =	stream.linear.gather [hbm4b:s6+s3], $0x1000, $0x38;
	[tilespmem:$0x18000] =	vst v63  }
0x38: {  	s13 =	simm.s32 $0x3000;
	s11 =	rddreg [dreg:$0x8]  }
0x39: {  	[tilespmem:s13], [sflag:$0x1] =	stream.linear.gather [hbm4b:s11+s3], $0x1000, $0x38;
	[tilespmem:$0x18000] =	vst v63  }
0x3a: {  	s15 =	simm.s32 $0x1000;
	s14 =	rddreg [dreg:$0xa]  }
0x3b: {  	[tilespmem:s15], [sflag:$0x2] =	stream.linear.gather [hbm4b:s14+s3], $0x1000, $0x38;
	[tilespmem:$0x18000] =	vst v63  }
0x3c: {  	s17 =	simm.s32 $0x4000;
	s16 =	rddreg [dreg:$0xb]  }
0x3d: {  	[tilespmem:s17], [sflag:$0x2] =	stream.linear.gather [hbm4b:s16+s3], $0x1000, $0x38;
	[tilespmem:$0x18000] =	vst v63  }
0x3e: {  	s19 =	simm.s32 $0x2000;
	s18 =	rddreg [dreg:$0xc]  }
0x3f: {  	[tilespmem:s19], [sflag:$0x3] =	stream.linear.gather [hbm4b:s18+s3], $0x1000, $0x38;
	[tilespmem:$0x18000] =	vst v63  }
0x40: {  	s26 =	simm.s32 $0x5000;
	s20 =	rddreg [dreg:$0xd]  }
0x41: {  	[tilespmem:s26], [sflag:$0x3] =	stream.linear.gather [hbm4b:s20+s3], $0x1000, $0x38;
	[tilespmem:$0x18000] =	vst v63  }
0x42: {  	[bflag:$0x0] =	sbarrier.arrive $0xFFFF  }
0x43: {  	_ =	swait.ge [sflag:s9], $0x1000  }
0x44: {  	[sflag:s9] =	ssyncset.done $0x0  }
0x45: {  	[sflag:s9] =	ssyncadd.s32 $0xFFFFF000  }
0x46: {  	_ =	swait.ge [sflag:s9], $0x1000  }
0x47: {  	[sflag:s9] =	ssyncset.done $0x0  }
0x48: {  	[sflag:s9] =	ssyncadd.s32 $0xFFFFF000  }
0x49: {  	[tilespmem:s28], [sflag:$0xA] =	stream.linear.gather [hbm4b:s4+s3], $0x2000, $0x38;
	[tilespmem:$0x18000] =	vst v63  }
0x4a: {  	_ = 	snop  }
0x4b: {  	[tilespmem:s29], [sflag:$0xB] =	stream.linear.gather [hbm4b:s4+s3], $0x2000, $0x38;
	[tilespmem:$0x18000] =	vst v63  }
.Ltmp2:
0x4c: {  	_ = 	snop;
	(pc) =	sbr.rel .LBB2_2-.Ltmp2, $4  }
0x4d: {  	_ = 	snop  }
0x4e: {  	[tilespmem:s31], [sflag:$0x4] =	stream.indirect.gather [hbm4b:s4+s30], $0x40, s3, s30, $0xb8;
	[tilespmem:$0x18000] =	vst v63  }
0x4f: {  	s13 =	simm.s32 $0x0;
	s14 =	simm.s32 $0x0  }
0x50: {  	[tilespmem:s0], [sflag:$0x5] =	stream.indirect.gather [hbm4b:s4+s30], $0x40, s30, s30, $0xb8;
	[tilespmem:$0x18000] =	vst v63  }
.LBB2_6:
0x51: {  	_ =	swait.ge [sflag:s25], $0x2000  }
0x52: {  	[sflag:s25] =	ssyncset.done $0x0  }
0x53: {  	s3 =	sadd.s32 $0x3000, s16;
	[sflag:s25] =	ssyncadd.s32 $0xFFFFE000  }
0x54: {  	[spmem:s1] =	stream.indirect.scatter.add.f32 [tilespmem:s28], [sflag:$0xA], $0x40, s3, s30, $0xb8;
	[tilespmem:$0x18000] =	vst v63  }
0x55: {  	_ =	swait.ge [sflag:s8], $0x2000  }
0x56: {  	[sflag:s8] =	ssyncset.done $0x0  }
0x57: {  	[sflag:s8] =	ssyncadd.s32 $0xFFFFE000  }
.LBB2_7:
0x58: {  	s13 =	sadd.s32 $0x4, s13  }
0x59: {  	p0 =	sne.s32 s13, $0xA0  }
.Ltmp3:
0x5a: {  	_ = 	snop;
	(pc) =	sbr.rel @!p0 .LBB2_8-.Ltmp3, $4  }
0x5b: {  	_ =	swait.ge [sflag:s10], $0x2000  }
0x5c: {  	[sflag:s10] =	ssyncset.done $0x0  }
0x5d: {  	s3 =	sadd.s32 $0x3000, s9;
	s14 =	sadd.s32 $0x1, s14;
	[sflag:s10] =	ssyncadd.s32 $0xFFFFE000  }
0x5e: {  	[spmem:s1] =	stream.indirect.scatter.add.f32 [tilespmem:s29], [sflag:$0xB], $0x40, s3, s30, $0xb8;
	[tilespmem:$0x18000] =	vst v63  }
.LBB2_2:
0x5f: {  	s19 =	sshrl.u32 s14, $0x3  }
0x60: {  	p0 =	slt.u32 s14, $0x18;
	s17 =	sadd.s32 $0xFFFFFFFD, s19  }
0x61: {  	s18 =	sand.u32 $0x1C, s13;
	s17 =	smov.u32 @p0 s19  }
0x62: {  	_ =	swait.ge [sflag:s2], $0x2000;
	s15 =	sshll.u32 s18, $0x7;
	s9 =	sshll.u32 s17, $0xC  }
0x63: {  	[sflag:s2] =	ssyncset.done $0x0;
	s9 =	sor.u32 s15, s9  }
0x64: {  	[sflag:s2] =	ssyncadd.s32 $0xFFFFE000;
	s16 =	sor.u32 $0x100, s9  }
0x65: {  	[tilespmem:s28], [sflag:$0x6] =	stream.indirect.gather [hbm4b:s4+s30], $0x40, s16, s30, $0xb8;
	[tilespmem:$0x18000] =	vst v63  }
0x66: {  	_ =	swait.ge [sflag:s21], $0x2000  }
0x67: {  	s26 =	sadd.s32 $0xFFFFFFFF, s19;
	p0 =	sne.s32 s18, $0x0;
	[sflag:s21] =	ssyncset.done $0x0  }
0x68: {  	p1 =	sgt.u32 @!p0 s26, $0x1;
	s20 =	sadd.s32 $0x3000, s9;
	[sflag:s21] =	ssyncadd.s32 $0xFFFFE000  }
0x69: {  	[spmem:s1] =	stream.indirect.scatter.add.f32 [tilespmem:s31], [sflag:$0x8], $0x40, s20, s30, $0xb8;
	[tilespmem:$0x18000] =	vst v63  }
0x6a: {  	p0 =	por p1, p0;
	_ =	swait.ge [sflag:s22], $0x2000  }
0x6b: {  	s3 =	sshll.u32 @!p0 s19, $0xC;
	s5 =	rddreg [dreg:$0x9]  }
0x6c: {  	s3 =	sadd.s32 @!p0 s3, s5;
	s5 =	rddreg [dreg:$0x4]  }
0x6d: {  	s6 =	simm.s32 @!p0 $0x0;
	[sflag:s22] =	ssyncset.done $0x0;
	s11 =	sadd.s32 @!p0 s5, s3  }
0x6e: {  	[sflag:s22] =	ssyncadd.s32 $0xFFFFE000;
	s5 =	sadd.s32 @!p0 $0x1, s26;
	s11 =	sshrl.u32 @!p0 s11, $0x3  }
0x6f: {  	s26 =	sshll.u32 @!p0 s26, $0xC;
	s3 =	sshrl.u32 @!p0 s3, $0x3;
	s11 =	sadd.s32 @!p0 s7, s11  }
0x70: {  	[tilespmem:s26], [sflag:s5] =	stream.linear.gather @!p0 [hbm4b:s11+s6], $0x1000, $0x38;
	[tilespmem:$0x18000] =	vst v63  }
0x71: {  	p1 =	sgt.u32 s14, $0x1F;
	s3 =	sadd.s32 @!p0 s12, s3;
	s11 =	sadd.s32 @!p0 $0x3000, s26  }
0x72: {  	[tilespmem:s11], [sflag:s5] =	stream.linear.gather @!p0 [hbm4b:s3+s6], $0x1000, $0x38;
	[tilespmem:$0x18000] =	vst v63  }
0x73: {  	s9 =	sor.u32 $0x180, s9;
	p2 =	sne.s32 @!p1 s18, $0x1C  }
0x74: {  	[tilespmem:s29], [sflag:$0x7] =	stream.indirect.gather [hbm4b:s4+s30], $0x40, s9, s30, $0xb8;
	[tilespmem:$0x18000] =	vst v63  }
0x75: {  	p0 =	slt.u32 s14, $0x10;
	s3 =	simm.s32 $0x1;
	_ =	swait.ge [sflag:s23], $0x2000  }
0x76: {  	s3 =	simm.s32 @!p0 $0xFFFFFFFE;
	p0 =	por p1, p2;
	[sflag:s23] =	ssyncset.done $0x0  }
.Ltmp4:
0x77: {  	s26 =	sadd.s32 $0x80, s20;
	[sflag:s23] =	ssyncadd.s32 $0xFFFFE000;
	(pc) =	sbr.rel @p0 .LBB2_4-.Ltmp4, $4  }
0x78: {  	[spmem:s1] =	stream.indirect.scatter.add.f32 [tilespmem:s0], [sflag:$0x9], $0x40, s26, s30, $0xb8;
	[tilespmem:$0x18000] =	vst v63  }
0x79: {  	_ =	swait.ge [sflag:s24], $0x2000  }
0x7a: {  	[sflag:s24] =	ssyncset.done $0x0  }
0x7b: {  	s19 =	sadd.s32 s19, s3;
	[sflag:s24] =	ssyncadd.s32 $0xFFFFE000  }
0x7c: {  	s3 =	sadd.s32 $0x1, s19  }
0x7d: {  	_ =	swait.ge [sflag:s3], $0x1000  }
0x7e: {  	[sflag:s3] =	ssyncset.done $0x0  }
0x7f: {  	[sflag:s3] =	ssyncadd.s32 $0xFFFFF000  }
0x80: {  	_ =	swait.ge [sflag:s3], $0x1000  }
0x81: {  	[sflag:s3] =	ssyncset.done $0x0  }
0x82: {  	[sflag:s3] =	ssyncadd.s32 $0xFFFFF000  }
.LBB2_5:
0x83: {  	p0 =	seq.s32 s18, $0x1C  }
0x84: {  	s17 =	smov.u32 @p0 s19  }
0x85: {  	s3 =	sadd.s32 $0x200, s15;
	s5 =	sshll.u32 s17, $0xC  }
0x86: {  	s3 =	simm.s32 @p0 $0x0;
	s5 =	sand.u32 $0x3FFFF000, s5  }
0x87: {  	s3 =	sadd.s32 s3, s5  }
0x88: {  	[tilespmem:s31], [sflag:$0x4] =	stream.indirect.gather [hbm4b:s4+s30], $0x40, s3, s30, $0xb8;
	[tilespmem:$0x18000] =	vst v63  }
0x89: {  	_ =	swait.ge [sflag:s25], $0x2000  }
0x8a: {  	[sflag:s25] =	ssyncset.done $0x0  }
0x8b: {  	s26 =	sadd.s32 $0x3000, s16;
	[sflag:s25] =	ssyncadd.s32 $0xFFFFE000  }
0x8c: {  	[spmem:s1] =	stream.indirect.scatter.add.f32 [tilespmem:s28], [sflag:$0xA], $0x40, s26, s30, $0xb8;
	[tilespmem:$0x18000] =	vst v63  }
.Ltmp5:
0x8d: {  	_ = 	snop;
	(pc) =	sbr.rel .LBB2_7-.Ltmp5, $4  }
0x8e: {  	s3 =	sadd.s32 $0x280, s15;
	_ =	swait.ge [sflag:s8], $0x2000  }
0x8f: {  	s3 =	simm.s32 @p0 $0x80;
	[sflag:s8] =	ssyncset.done $0x0  }
0x90: {  	s3 =	sadd.s32 s3, s5;
	[sflag:s8] =	ssyncadd.s32 $0xFFFFE000  }
0x91: {  	[tilespmem:s0], [sflag:$0x5] =	stream.indirect.gather [hbm4b:s4+s30], $0x40, s3, s30, $0xb8;
	[tilespmem:$0x18000] =	vst v63  }
.LBB2_4:
0x92: {  	p0 =	seq.s32 s14, $0x27  }
.Ltmp6:
0x93: {  	_ = 	snop;
	(pc) =	sbr.rel @p0 .LBB2_6-.Ltmp6, $4  }
.Ltmp7:
0x94: {  	_ = 	snop;
	(pc) =	sbr.rel @!p0 .LBB2_5-.Ltmp7, $4  }
0x95: {  	_ = 	snop  }
0x96: {  	_ = 	snop  }
0x97: {  	_ = 	snop  }
0x98: {  	_ = 	snop  }
.LBB2_9:
0x99: {  	_ =	sfence.sel $0x180000  }
0x9a: {  	[bflag:$0x0] =	sbarrier.arrive $0xFFFF  }
0x9b: {  	_ =	strace $0x9000004D  }
0x9c: {  	s0 =	stileid.u32;
	[bflag:$0x2] =	sbarrier.arrive $0xFFFF  }
0x9d: {  	p0 =	sne.s32 s0, $0x0;
	s0 =	rddreg [dreg:$0x3]  }
0x9e: {  	s0 =	sadd.s32 @!p0 $0x100000, s0  }
0x9f: {  	[sflag:s0] =	ssyncadd.tile.s32 @!p0 $0x1;
	_ =	shalt  }
.Lfunc_end2:
_tile_overlayer_lowered:
.L_overlay_start_2:
0xa0: {  	(tag) =	ssettag $0x2  }
0xa1: {  	s0 =	rddreg [dreg:$0x0];
	s2 =	stileid.u32  }
0xa2: {  	s1 =	rddreg [dreg:$0x1];
	p0 =	sne.s32 s2, $0x0  }
0xa3: {  	s3 =	rddreg [dreg:$0x2];
	[bflag:$0x3] =	sbarrier.arrive $0xFFFF;
	s2 =	simm.s32 @!p0 $0x1C0C  }
0xa4: {  	[timem:s3], [sflag:s2] =	dma.local @!p0 [hbm:s0], s1  }
0xa5: {  	s0 =	simm.s32 @!p0 $0xC  }
0xa6: {  	_ =	swait.ge @!p0 [sflag:s0], s1  }
0xa7: {  	s1 =	ssub.s32 @!p0 $0x0, s1;
	[sflag:s0] =	ssyncset.done @!p0 $0x0  }
0xa8: {  	[sflag:s0] =	ssyncadd.s32 @!p0 s1  }
0xa9: {  	[bflag:$0x3] =	sbarrier.arrive $0xFFFF  }
0xaa: {  	_ =	shalt  }

// kernel: kernel.9.cloned.1.call-start
scs
__scs_entry_jumppad:
0x0: {  	(pc) =	sbr.rel $0x88, $3  }
0x1: {  	(tag) =	ssettag $0x0;
	lr =	simm.s32 $0x1  }
0x2: {  	[smem:$0x3F9B] =	sst lr;
	_ =	strace $0xD0000000  }
0x3: {  	_ = 	snop  }
0x4: {  	_ = 	snop  }
0x5: {  	_ = 	snop  }
0x6: {  	_ = 	snop  }
0x7: {  	_ = 	snop  }
__scs_overlays_trampoline_lowered:
0x8: {  	[smem:$0x3FAA] =	sst s0  }
0x9: {  	[smem:$0x3FAB] =	sst s1  }
0xa: {  	[smem:$0x3FAC] =	sst s2  }
0xb: {  	[smem:$0x3FAD] =	sst s3  }
0xc: {  	[smem:$0x3FAE] =	sst s4  }
0xd: {  	[smem:$0x3FAF] =	sst s5  }
0xe: {  	[smem:$0x3FB0] =	sst s6  }
0xf: {  	[smem:$0x3FB1] =	sst s7  }
0x10: {  	[smem:$0x3FB2] =	sst s8  }
0x11: {  	[smem:$0x3FB3] =	sst s9;
	s0 =	simm.s32 @!p0 $0x0  }
0x12: {  	s1 =	sld [smem:$0x3F99];
	s0 =	simm.s32 @p0 $0x1  }
0x13: {  	[smem:$0x3FB4] =	sst s0;
	s0 =	simm.s32 @!p1 $0x0  }
0x14: {  	s2 =	sld [smem:$0x3F98];
	s0 =	simm.s32 @p1 $0x1  }
0x15: {  	[smem:$0x3FB5] =	sst s0;
	s0 =	simm.s32 @!p2 $0x0  }
0x16: {  	s3 =	sld [smem:$0x3FDB];
	s0 =	simm.s32 @p2 $0x1  }
0x17: {  	s4 =	simm.s32 $0x1BF5;
	[smem:$0x3FB7] =	sst s0  }
0x18: {  	s0 =	sld [smem:$0x3F9A];
	_ =	swait.ge [sflag:s4], $0x0  }
0x19: {  	s7 =	sld [smem:$0x3F9B]  }
0x1a: {  	s8 =	sadd.s32 $0xFFFFE003, lr  }
0x1b: {  	s9 =	sadd.s32 $0xFFFFFEF7, lr;
	s5 =	simm.s32 $0xFFFFFFFF;
	p2 =	slt.u32 s8, $0xFFFFF086  }
0x1c: {  	p1 =	slt.u32 s9, $0xF7A;
	s5 =	simm.s32 @!p2 $0x0  }
0x1d: {  	s5 =	simm.s32 @p1 $0x1;
	p0 =	seq.s32 s7, s2  }
0x1e: {  	s7 =	smul.u32 @!p0 $0xF7A, s2;
	p2 =	seq.s32 @!p0 s5, $0x0  }
0x1f: {  	s9 =	smul.u32 $0xF7A, s1;
	s8 =	simm.s32 @!p0 $0x1BF5;
	p2 =	por !p2, p0  }
0x20: {  	[sflag:s8] =	ssyncset.s32 @!p0 $0xFFFFF086;
	s6 =	sadd.s32 @!p0 s3, s7;
	s7 =	simm.s32 @!p0 $0x108  }
0x21: {  	s3 =	sadd.s32 s3, s9;
	s6 =	sadd.s32 @!p0 $0x88, s6;
	s7 =	simm.s32 @p2 $0x1082  }
0x22: {  	[simem:s7], [sflag:s8] =	dma.local @!p0 [hbm:s6], $0xF7A  }
0x23: {  	s9 =	sor.u32 $0xD0000000, s2;
	s6 =	simm.s32 $0x108;
	_ =	swait.ge @!p0 [sflag:s8], $0x0  }
0x24: {  	s3 =	sadd.s32 $0x88, s3;
	s6 =	simm.s32 @!p1 $0x1082;
	[sflag:s4] =	ssyncset.s32 $0xFFFFF086  }
0x25: {  	[simem:s6], [sflag:s4] =	dma.local [hbm:s3], $0xF7A  }
0x26: {  	[smem:$0x3F9B] =	sst s1;
	(tag) =	ssettag s2;
	_ =	strace s9  }
0x27: {  	s1 =	sld [smem:$0x3FAB]  }
0x28: {  	s2 =	sld [smem:$0x3FAC]  }
0x29: {  	s4 =	sld [smem:$0x3FAE]  }
0x2a: {  	p0 =	seq.s32 s5, $0x0;
	s5 =	sld [smem:$0x3FAF]  }
0x2b: {  	s6 =	sld [smem:$0x3FB0]  }
0x2c: {  	s7 =	sld [smem:$0x3FB1]  }
0x2d: {  	s3 =	simm.s32 $0x108;
	s8 =	sld [smem:$0x3FB2]  }
0x2e: {  	s3 =	simm.s32 @!p0 $0x1082;
	s9 =	sld [smem:$0x3FB3]  }
0x2f: {  	lr =	sadd.s32 s0, s3;
	s0 =	sld [smem:$0x3FAA]  }
0x30: {  	s3 =	sld [smem:$0x3FAD]  }
0x31: {  	[smem:$0x3FB6] =	sst s10  }
0x32: {  	s10 =	sld [smem:$0x3FB4];
	_ =	sdelay $0x3  }
0x33: {  	p0 =	seq.s32 s10, $0x1;
	s10 =	sld [smem:$0x3FB6];
	_ =	sdelay $0x3  }
0x34: {  	[smem:$0x3FB6] =	sst s10  }
0x35: {  	s10 =	sld [smem:$0x3FB5];
	_ =	sdelay $0x3  }
0x36: {  	p1 =	seq.s32 s10, $0x1;
	s10 =	sld [smem:$0x3FB6];
	_ =	sdelay $0x3  }
0x37: {  	[smem:$0x3FB6] =	sst s10  }
0x38: {  	s10 =	sld [smem:$0x3FB7]  }
0x39: {  	_ = 	snop;
	(pc) =	sbr.ind lr, $3  }
0x3a: {  	_ = 	snop  }
0x3b: {  	_ = 	snop  }
0x3c: {  	p2 =	seq.s32 s10, $0x1;
	s10 =	sld [smem:$0x3FB6]  }
0x3d: {  	_ =	shalt  }
0x3e: {  	_ =	shalt  }
0x3f: {  	_ =	shalt  }
0x40: {  	_ =	shalt  }
0x41: {  	_ =	shalt  }
0x42: {  	_ =	shalt  }
0x43: {  	_ =	shalt  }
0x44: {  	_ =	shalt  }
0x45: {  	_ =	shalt  }
0x46: {  	_ =	shalt  }
0x47: {  	_ =	shalt  }
0x48: {  	_ =	shalt  }
0x49: {  	_ =	shalt  }
0x4a: {  	_ =	shalt  }
0x4b: {  	_ =	shalt  }
0x4c: {  	_ =	shalt  }
0x4d: {  	_ =	shalt  }
0x4e: {  	_ =	shalt  }
0x4f: {  	_ =	shalt  }
0x50: {  	_ =	shalt  }
0x51: {  	_ =	shalt  }
0x52: {  	_ =	shalt  }
0x53: {  	_ =	shalt  }
0x54: {  	_ =	shalt  }
0x55: {  	_ =	shalt  }
0x56: {  	_ =	shalt  }
0x57: {  	_ =	shalt  }
0x58: {  	_ =	shalt  }
0x59: {  	_ =	shalt  }
0x5a: {  	_ =	shalt  }
0x5b: {  	_ =	shalt  }
0x5c: {  	_ =	shalt  }
0x5d: {  	_ =	shalt  }
0x5e: {  	_ =	shalt  }
0x5f: {  	_ =	shalt  }
0x60: {  	_ =	shalt  }
0x61: {  	_ =	shalt  }
0x62: {  	_ =	shalt  }
0x63: {  	_ =	shalt  }
0x64: {  	_ =	shalt  }
0x65: {  	_ =	shalt  }
0x66: {  	_ =	shalt  }
0x67: {  	_ =	shalt  }
0x68: {  	_ =	shalt  }
0x69: {  	_ =	shalt  }
0x6a: {  	_ =	shalt  }
0x6b: {  	_ =	shalt  }
0x6c: {  	_ =	shalt  }
0x6d: {  	_ =	shalt  }
0x6e: {  	_ =	shalt  }
0x6f: {  	_ =	shalt  }
0x70: {  	_ =	shalt  }
0x71: {  	_ =	shalt  }
0x72: {  	_ =	shalt  }
0x73: {  	_ =	shalt  }
0x74: {  	_ =	shalt  }
0x75: {  	_ =	shalt  }
0x76: {  	_ =	shalt  }
0x77: {  	_ =	shalt  }
0x78: {  	_ =	shalt  }
0x79: {  	_ =	shalt  }
0x7a: {  	_ =	shalt  }
0x7b: {  	_ =	shalt  }
0x7c: {  	_ =	shalt  }
0x7d: {  	_ =	shalt  }
0x7e: {  	_ =	shalt  }
0x7f: {  	_ =	shalt  }
0x80: {  	_ =	shalt  }
0x81: {  	_ =	shalt  }
0x82: {  	_ =	shalt  }
0x83: {  	_ =	shalt  }
0x84: {  	_ =	shalt  }
0x85: {  	_ =	shalt  }
0x86: {  	_ =	shalt  }
0x87: {  	_ =	shalt  }
.Lfunc_end0:
.L_simem_size_0:
called_computation_lowered:
.L_overlay_start_0:
0x88: {  	s2 =	sld [smem:$0x3FD9]  }
0x89: {  	s3 =	sld [smem:$0x3FFE];
	_ =	sdelay $0x1  }
0x8a: {  	s1 =	srdreg.scid  }
0x8b: {  	s0 =	sand.u32 $0x1, s1  }
0x8c: {  	s17 =	sshll.u32 s0, $0xA;
	s2 =	sadd.s32 s3, s2  }
0x8d: {  	s2 =	sadd.s32 s2, s17  }
0x8e: {  	[smem:$0x3FC2] =	sst s2  }
0x8f: {  	_ = 	snop  }
0x90: {  	s2 =	sld [smem:$0x3FD0];
	(tm) =	ssettm $0x1  }
0x91: {  	s18 =	sld [smem:$0x3FFB];
	_ =	sdelay $0x3  }
0x92: {  	_ =	strace s18  }
0x93: {  	s3 =	sld [smem:$0x3FFC];
	_ =	sdelay $0x3  }
0x94: {  	_ =	strace s3  }
0x95: {  	s3 =	sld [smem:$0x3FFD];
	_ =	sdelay $0x3  }
0x96: {  	_ =	strace s3  }
0x97: {  	_ =	strace $0x8FFFFFFF  }
0x98: {  	s19 =	sld [smem:$0x3FDB];
	_ =	sdelay $0x1  }
0x99: {  	s4 =	simm.s32 $_scs_section_size  }
0x9a: {  	s5 =	simm.s32 $_size__tile_overlayer_lowered;
	s6 =	simm.s32 $_tile_overlayer_lowered  }
0x9b: {  	s22 =	simm.s32 $0x1BFF;
	s21 =	sshll.u32 s6, $0x1;
	s3 =	sadd.s32 s4, s19  }
0x9c: {  	s7 =	simm.s32 $0x0;
	s20 =	sshll.u32 s5, $0x1;
	s5 =	sadd.s32 s21, s3  }
0x9d: {  	[timem:s7], [sflag:s22] =	dma.local [hbm:s5], s20  }
0x9e: {  	_ =	swait.ge [sflag:s22], s20  }
0x9f: {  	s4 =	ssub.s32 $0x0, s20;
	[sflag:s22] =	ssyncset.done $0x0  }
0xa0: {  	[sflag:s22] =	ssyncadd.s32 s4;
	_ =	sdelay $0x1  }
0xa1: {  	s23 =	simm.s32 $0x1B8B  }
0xa2: {  	_ =	swait.ge [sflag:s23], $0x1  }
0xa3: {  	[sflag:s23] =	ssyncset.done $0x0  }
0xa4: {  	s25 =	simm.s32 $0x1B8E;
	s24 =	sld [smem:$0x3FFE];
	[sflag:s23] =	ssyncadd.s32 $0xFFFFFFFF  }
0xa5: {  	s26 =	simm.s32 $execute0_lowered;
	[smem:$0x3FD2] =	sst s25  }
0xa6: {  	s5 =	sshll.u32 s26, $0x1;
	_ =	strace $0x80000046;
	[dreg:$0x1] =	wrdreg $0xFFFFFFFF  }
0xa7: {  	s28 =	simm.s32 $_size_execute0_lowered;
	s3 =	sadd.s32 s3, s5;
	[dreg:$0x0] =	wrdreg $0x0  }
0xa8: {  	s5 =	sshll.u32 s28, $0x1;
	[dreg:$0x2] =	wrdreg s3  }
0xa9: {  	[dreg:$0x3] =	wrdreg s5  }
0xaa: {  	[dreg:$0x4] =	wrdreg $0xC0  }
0xab: {  	_ =	task [dreg:s7], $0x5FFFF  }
0xac: {  	[dreg:$0x1] =	wrdreg $0xFFFFFFFF  }
0xad: {  	[dreg:$0x0] =	wrdreg $0x60  }
0xae: {  	[dreg:$0x2] =	wrdreg s2  }
0xaf: {  	[dreg:$0x3] =	wrdreg s24  }
0xb0: {  	[dreg:$0x4] =	wrdreg $0x28800  }
0xb1: {  	[dreg:$0x5] =	wrdreg $0x9  }
0xb2: {  	_ =	task.clear_ibuf [dreg:s7], $0x6FFFF;
	_ =	strace $0x90000046  }
0xb3: {  	s29 =	simm.s32 $0x9;
	_ =	strace $0x80000048  }
0xb4: {  	_ =	swait.ge [sflag:s29], $0x1  }
0xb5: {  	[sflag:s29] =	ssyncadd.s32 $0xFFFFFFFF  }
0xb6: {  	_ =	strace $0x90000048  }
0xb7: {  	_ =	sfence  }
0xb8: {  	s30 =	sld [smem:$0x0];
	_ =	sdelay $0x2  }
0xb9: {  	s31 =	sshll.u32 s1, $0xD;
	s1 =	sshrl.u32 s1, $0x2  }
0xba: {  	s3 =	sand.u32 $0x4000, s31;
	s1 =	sadd.s32 s1, s30  }
0xbb: {  	s0 =	sor.u32 s3, s0;
	s1 =	sshll.u32 s1, $0x11  }
0xbc: {  	s0 =	sor.u32 s1, s0  }
0xbd: {  	s0 =	sadd.s32 $0x8F2B, s0  }
0xbe: {  	[sflag:s0] =	ssyncadd.remote.s32 $0x1  }
0xbf: {  	_ =	sfence.sel $0xFFFF  }
0xc0: {  	[dreg:$0x0] =	wrdreg $0xFFFFFFFF;
	(pc) =	sbr.abs _section_cstart, $3  }
0xc1: {  	[dreg:$0x1] =	wrdreg $0xFFFFFFFF  }
0xc2: {  	_ =	task.clear_ibuf [dreg:s7], $0x2FFFF;
	_ =	strace $0x9FFFFFFF  }
0xc3: {  	(tm) =	ssettm $0x7FFFFFFF  }
tec
execute0_lowered:
.L_overlay_start_1:
0x0: {  	(tag) =	ssettag $0x1  }
0x1: {  	s6 =	rddreg [dreg:$0x0]  }
0x2: {  	s4 =	rddreg [dreg:$0x1]  }
0x3: {  	s2 =	rddreg [dreg:$0x2]  }
0x4: {  	s0 =	rddreg [dreg:$0x3];
	s1 =	stileid.u32  }
0x5: {  	s3 =	simm.s32 $0x0;
	s7 =	srdreg.scid;
	s12 =	simm.s32 $0x2800  }
0x6: {  	s13 =	simm.s32 $0x20;
	s14 =	simm.s32 $0x10;
	s15 =	simm.s32 $0x0  }
0x7: {  	s5 =	smul.u32 $0x280, s1;
	[smem:$0x7FF] =	sst s3;
	s7 =	sand.u32 $0x1, s7  }
0x8: {  	s8 =	smul.u32 $0x500, s1;
	s26 =	sshll.u32 s1, $0x1;
	s31 =	sshll.u32 s1, $0x6  }
0x9: {  	_ =	strace $0x80000047;
	s10 =	sshll.u32 s7, $0x7;
	s11 =	ssub.s32 $0x2, s7  }
0xa: {  	s7 =	sor.u32 s7, s26;
	s9 =	sshrl.u32 s5, $0x3;
	s8 =	sor.u32 s10, s8  }
0xb: {  	s28 =	sshrl.u32 s11, $0x1;
	s7 =	smul.u32 $0x500, s7;
	s30 =	sadd.s32 s5, s2  }
0xc: {  	s5 =	sor.u32 $0x1C01, s31;
	s10 =	simm.s32 $0x1;
	s9 =	sadd.s32 s9, s4  }
0xd: {  	s8 =	sshrl.u32 s8, $0x3;
	s29 =	ssub.s32 s11, s28;
	s11 =	simm.s32 $0x80  }
0xe: {  	s8 =	sadd.s32 s8, s4;
	s4 =	sadd.s32 $0x2C00, s9;
	s6 =	sadd.s32 s6, s7  }
0xf: {  	v0 =	vimm.f32 $1.000000000e+00;
	s9 =	sshrl.u32 s30, $0x3;
	s7 =	sadd.s32 $0x3200, s8;
	s8 =	smax.u32 s29, $0x1  }
.LBB2_1:
0x10: {  	[tilespmem:$0x2800] =	vst v0  }
0x11: {  	[tilespmem:$0x2810] =	vst v0  }
0x12: {  	[tilespmem:$0x2820] =	vst v0  }
0x13: {  	[tilespmem:$0x2830] =	vst v0  }
0x14: {  	[tilespmem:$0x2840] =	vst v0  }
0x15: {  	[tilespmem:$0x2850] =	vst v0  }
0x16: {  	[tilespmem:$0x2860] =	vst v0  }
0x17: {  	[tilespmem:$0x2870] =	vst v0  }
0x18: {  	[spmem:s9], [sflag:s5] =	dma.local [hbm:s4], $0x50  }
0x19: {  	_ =	swait.ge [sflag:s10], $0x50  }
0x1a: {  	[sflag:s10] =	ssyncset.done $0x0  }
0x1b: {  	[sflag:s10] =	ssyncadd.s32 $0xFFFFFFB0  }
0x1c: {  	[tilespmem:s3], [sflag:$0x1] =	stream.linear.gather [hbm4b:s6+s3], $0x2800, $0x38;
	[tilespmem:$0x2B00] =	vst v63  }
0x1d: {  	_ =	swait.ge [sflag:s10], $0x2800  }
0x1e: {  	[sflag:s10] =	ssyncset.done $0x0  }
0x1f: {  	[sflag:s10] =	ssyncadd.s32 $0xFFFFD800  }
0x20: {  	s16 =	simm.s32 $0x0;
	[bflag:$0x0] =	sbarrier.arrive $0xFFFF  }
0x21: {  	[spmem:s2] =	stream.indirect.scatter.add.f32 [tilespmem:s12], [sflag:$0x1], $0x1, s16, s11, $0xb8;
	[tilespmem:$0x2B00] =	vst v63  }
0x22: {  	_ =	swait.ge [sflag:s10], $0x80  }
0x23: {  	s16 =	simm.s32 $0x200;
	[sflag:s10] =	ssyncset.done $0x0  }
.LBB2_2:
0x24: {  	s17 =	sshra.s32 s16, $0x2;
	[sflag:s10] =	ssyncadd.s32 $0xFFFFFF80;
	p0 =	sne.s32 s16, $0x9E00  }
0x25: {  	[spmem:s2] =	stream.indirect.scatter.add.f32 [tilespmem:s12], [sflag:$0x1], $0x1, s17, s11, $0xb8;
	[tilespmem:$0x2B00] =	vst v63  }
.Ltmp0:
0x26: {  	_ = 	snop;
	(pc) =	sbr.rel @p0 .LBB2_2-.Ltmp0, $4  }
0x27: {  	_ = 	snop  }
0x28: {  	s16 =	sadd.s32 $0x200, s16  }
0x29: {  	_ =	swait.ge [sflag:s10], $0x80  }
0x2a: {  	[sflag:s10] =	ssyncset.done $0x0  }
0x2b: {  	s15 =	sadd.s32 $0x1, s15  }
0x2c: {  	[sflag:s10] =	ssyncadd.s32 $0xFFFFFF80;
	p0 =	sne.s32 s15, s8  }
.Ltmp1:
0x2d: {  	[bflag:$0x0] =	sbarrier.arrive $0xFFFF;
	(pc) =	sbr.rel @p0 .LBB2_1-.Ltmp1, $4  }
0x2e: {  	[hbm:s7@s13], [sflag:s5] =	dma.strided [spmem:s9@s14], $0x50, s10, $0x10   }
0x2f: {  	_ =	swait.ge [sflag:s10], $0x50  }
0x30: {  	[sflag:s10] =	ssyncset.done $0x0  }
0x31: {  	[sflag:s10] =	ssyncadd.s32 $0xFFFFFFB0  }
0x32: {  	_ =	sfence.sel $0x180000  }
0x33: {  	[bflag:$0x0] =	sbarrier.arrive $0xFFFF  }
0x34: {  	p0 =	sne.s32 s1, $0x0;
	_ =	strace $0x90000047  }
0x35: {  	s0 =	sadd.s32 @!p0 $0x100000, s0;
	[bflag:$0x2] =	sbarrier.arrive $0xFFFF  }
0x36: {  	[sflag:s0] =	ssyncadd.tile.s32 @!p0 $0x1;
	_ =	shalt  }
.Lfunc_end2:
_tile_overlayer_lowered:
.L_overlay_start_2:
0x37: {  	(tag) =	ssettag $0x2  }
0x38: {  	s0 =	rddreg [dreg:$0x0];
	s2 =	stileid.u32  }
0x39: {  	s1 =	rddreg [dreg:$0x1];
	p0 =	sne.s32 s2, $0x0  }
0x3a: {  	s3 =	rddreg [dreg:$0x2];
	[bflag:$0x3] =	sbarrier.arrive $0xFFFF;
	s2 =	simm.s32 @!p0 $0x1C01  }
0x3b: {  	[timem:s3], [sflag:s2] =	dma.local @!p0 [hbm:s0], s1  }
0x3c: {  	s0 =	simm.s32 @!p0 $0x1  }
0x3d: {  	_ =	swait.ge @!p0 [sflag:s0], s1  }
0x3e: {  	s1 =	ssub.s32 @!p0 $0x0, s1;
	[sflag:s0] =	ssyncset.done @!p0 $0x0  }
0x3f: {  	[sflag:s0] =	ssyncadd.s32 @!p0 s1  }
0x40: {  	[bflag:$0x3] =	sbarrier.arrive $0xFFFF  }
0x41: {  	_ =	shalt  }

</sc_bundles>
